<compile_context>
chip_gen: v7x
topology: tpu7x:2x2x1
jax: 0.10.2.dev20260603
libtpu: 0.0.44.dev20260713+nightly
codegen_flags: <defaults>
</compile_context>

<pallas_src>
import functools

import jax
import jax.numpy as jnp
from jax import lax
from jax.experimental import pallas as pl
from jax.experimental.pallas import tpu as pltpu
from jax.experimental.pallas import tpu_sc as plsc

NC = 2
NS = 16

HH = 128
CH_DEG = 40
CH_AGG = 80
NBUF = 5
NBUF_AGG = 4


def _sc_mesh():
    return plsc.VectorSubcoreMesh(core_axis_name="c", subcore_axis_name="s")


def _make_deg_kernel(n, k_chunks):
    rpt = n // NS

    @functools.partial(
        pl.kernel,
        out_type=jax.ShapeDtypeStruct((NC, n, 128), jnp.float32),
        mesh=_sc_mesh(),
        scratch_types=[
            pltpu.VMEM((k_chunks, CH_DEG), jnp.int32),
            pltpu.VMEM((CH_DEG, 128), jnp.float32),
            pltpu.VMEM_SHARED((n, 128), jnp.float32),
        ] + [pltpu.SemaphoreType.DMA] * NBUF,
    )
    def deg_kernel(col_hbm, ones_hbm, zeros_hbm, out_hbm, colv, onesv, accum,
                   *sems):
        c = lax.axis_index("c")
        s = lax.axis_index("s")
        pltpu.sync_copy(zeros_hbm.at[pl.ds(s * rpt, rpt)],
                        accum.at[pl.ds(s * rpt, rpt)])
        pltpu.sync_copy(ones_hbm, onesv)
        pltpu.sync_copy(col_hbm.at[c * NS + s], colv)
        plsc.subcore_barrier()

        for b in range(NBUF):
            pltpu.async_copy(onesv, accum.at[colv.at[b]], sems[b], add=True)

        def group(g, carry):
            for b in range(NBUF):
                k = g * NBUF + b
                pltpu.make_async_copy(onesv, accum.at[colv.at[k]],
                                      sems[b]).wait()

                @pl.when(k + NBUF < k_chunks)
                def _():
                    pltpu.async_copy(onesv, accum.at[colv.at[k + NBUF]],
                                     sems[b], add=True)
            return carry

        lax.fori_loop(0, k_chunks // NBUF, group, 0)
        plsc.subcore_barrier()
        pltpu.sync_copy(accum.at[pl.ds(s * rpt, rpt)],
                        out_hbm.at[c, pl.ds(s * rpt, rpt)])

    return deg_kernel


def _tc_scale_body(x_ref, w_ref, pd_ref, y_ref, dinv_ref):
    xw = jnp.dot(x_ref[...], w_ref[...], preferred_element_type=jnp.float32)
    deg = 1.0 + (1.0 / 128.0) * jnp.sum(pd_ref[...], axis=(0, 2))
    dinv = lax.rsqrt(deg)
    dinv_ref[...] = dinv
    y = xw * dinv[:, None]
    y_ref[0] = y[:, :HH]
    y_ref[1] = y[:, HH:]


def _tc_scale_call(x, w_gcn, pdeg, n_pad, bn):
    d = x.shape[1]
    h0 = w_gcn.shape[1]
    n = n_pad
    grid = (n + bn - 1) // bn
    return pl.pallas_call(
        _tc_scale_body,
        grid=(grid,),
        in_specs=[
            pl.BlockSpec((bn, d), lambda i: (i, 0)),
            pl.BlockSpec((d, h0), lambda i: (0, 0)),
            pl.BlockSpec((NC, bn, 128), lambda i: (0, i, 0)),
        ],
        out_specs=[
            pl.BlockSpec((NC, bn, HH), lambda i: (0, i, 0)),
            pl.BlockSpec((bn,), lambda i: (i,)),
        ],
        out_shape=[
            jax.ShapeDtypeStruct((NC, n, HH), jnp.float32),
            jax.ShapeDtypeStruct((n,), jnp.float32),
        ],
    )(x, w_gcn, pdeg)


def _make_agg_kernel(n, k_chunks):
    rpt = n // NS

    NB = NBUF_AGG
    NR = 2 * NB

    @functools.partial(
        pl.kernel,
        out_type=jax.ShapeDtypeStruct((NC, n, HH), jnp.float32),
        mesh=_sc_mesh(),
        scratch_types=[
            pltpu.VMEM((NR, CH_AGG), jnp.int32),
            pltpu.VMEM((NB, CH_AGG), jnp.int32),
        ] + [pltpu.VMEM((CH_AGG, HH), jnp.float32)] * NB + [
            pltpu.VMEM_SHARED((n, HH), jnp.float32),
        ] + [pltpu.SemaphoreType.DMA] * (NR + 2 * NB),
    )
    def agg_kernel(row_hbm, col_hbm, y_hbm, out_hbm, rowv, colv, *rest):
        bufs = rest[:NB]
        accum = rest[NB]
        rsems = rest[NB + 1:NB + 1 + NR]
        csems = rest[NB + 1 + NR:NB + 1 + NR + NB]
        gsems = rest[NB + 1 + NR + NB:]
        c = lax.axis_index("c")
        s = lax.axis_index("s")
        pltpu.sync_copy(y_hbm.at[c, pl.ds(s * rpt, rpt)],
                        accum.at[pl.ds(s * rpt, rpt)])
        plsc.subcore_barrier()
        table = y_hbm.at[c]
        base = s * k_chunks

        def fire_ridx(k, j):
            pltpu.async_copy(row_hbm.at[base + k], rowv.at[j], rsems[j])

        def wait_ridx(k, j):
            pltpu.make_async_copy(row_hbm.at[base + k], rowv.at[j],
                                  rsems[j]).wait()

        def fire_cidx(k, b):
            pltpu.async_copy(col_hbm.at[base + k], colv.at[b], csems[b])

        def wait_cidx(k, b):
            pltpu.make_async_copy(col_hbm.at[base + k], colv.at[b],
                                  csems[b]).wait()

        def fire_gather(j, b):
            pltpu.async_copy(table.at[rowv.at[j]], bufs[b], gsems[b])

        def wait_gather(j, b):
            pltpu.make_async_copy(table.at[rowv.at[j]], bufs[b],
                                  gsems[b]).wait()

        for k in range(NR):
            fire_ridx(k, k)
        for k in range(NB):
            fire_cidx(k, k)
        for k in range(NB):
            wait_ridx(k, k)
            fire_gather(k, k)

        n_groups = k_chunks // NR

        def group(g, carry):
            for j in range(NR):
                b = j % NB
                j4 = (j + NB) % NR
                k = g * NR + j
                wait_gather(j, b)
                wait_cidx(k, b)
                pltpu.sync_copy(bufs[b], accum.at[colv.at[b]], add=True)

                @pl.when(k + NR < k_chunks)
                def _():
                    fire_ridx(k + NR, j)

                @pl.when(k + NB < k_chunks)
                def _():
                    wait_ridx(k + NB, j4)
                    fire_cidx(k + NB, b)
                    fire_gather(j4, b)
            return carry

        lax.fori_loop(0, n_groups, group, 0)
        for k in range(n_groups * NR, k_chunks):
            j = k % NR
            b = k % NB
            j4 = (j + NB) % NR
            wait_gather(j, b)
            wait_cidx(k, b)
            pltpu.sync_copy(bufs[b], accum.at[colv.at[b]], add=True)
            if k + NB < k_chunks:
                wait_ridx(k + NB, j4)
                fire_cidx(k + NB, b)
                fire_gather(j4, b)
        plsc.subcore_barrier()
        pltpu.sync_copy(accum.at[pl.ds(s * rpt, rpt)],
                        out_hbm.at[c, pl.ds(s * rpt, rpt)])

    return agg_kernel


def _tc_heads_body(h_ref, dinv_ref, bg_ref, wmu_ref, bmu_ref, wls_ref,
                   bls_ref, out_ref):
    hcat = jnp.concatenate([h_ref[0], h_ref[1]], axis=1)
    h = hcat * dinv_ref[...][:, None] + bg_ref[...][None, :]
    h = jnp.maximum(h, 0.0)
    mu = jnp.dot(h, wmu_ref[...], preferred_element_type=jnp.float32)
    mu = mu + bmu_ref[...][None, :]
    t = jnp.dot(h, wls_ref[...], preferred_element_type=jnp.float32)
    t = t + bls_ref[...][None, :]
    sigma = jnp.where(t > 0.0, t, jnp.exp(t) - 1.0) + (1.0 + 1e-14)
    out_ref[0] = mu
    out_ref[1] = sigma


def _tc_heads_call(h_agg, dinv, b_gcn, w_mu, b_mu, w_ls, b_ls, n, bn):
    h0 = b_gcn.shape[0]
    h1 = w_mu.shape[1]
    grid = (n + bn - 1) // bn
    return pl.pallas_call(
        _tc_heads_body,
        grid=(grid,),
        in_specs=[
            pl.BlockSpec((NC, bn, HH), lambda i: (0, i, 0)),
            pl.BlockSpec((bn,), lambda i: (i,)),
            pl.BlockSpec((h0,), lambda i: (0,)),
            pl.BlockSpec((h0, h1), lambda i: (0, 0)),
            pl.BlockSpec((h1,), lambda i: (0,)),
            pl.BlockSpec((h0, h1), lambda i: (0, 0)),
            pl.BlockSpec((h1,), lambda i: (0,)),
        ],
        out_specs=pl.BlockSpec((2, bn, h1), lambda i: (0, i, 0)),
        out_shape=jax.ShapeDtypeStruct((2, n, h1), jnp.float32),
    )(h_agg, dinv, b_gcn, w_mu, b_mu, w_ls, b_ls)


def kernel(x, edge_index, W_gcn, b_gcn, W_mu, b_mu, W_ls, b_ls):
    n, d = x.shape
    e = edge_index.shape[1]
    row = edge_index[0]
    col = edge_index[1]

    bn = 10240
    n_pad = ((n + bn - 1) // bn) * bn

    kd = e // (NC * NS * CH_DEG)
    col_deg = col.reshape(NC * NS, kd, CH_DEG)
    ones8 = jnp.ones((CH_DEG, 128), jnp.float32)
    zeros8 = jnp.zeros((n_pad, 128), jnp.float32)
    pdeg = _make_deg_kernel(n_pad, kd)(col_deg, ones8, zeros8)

    y_split, dinv = _tc_scale_call(x, W_gcn, pdeg, n_pad, bn)

    ka = e // (NS * CH_AGG)
    row3 = row.reshape(NS * ka, CH_AGG)
    col3 = col.reshape(NS * ka, CH_AGG)
    h_agg = _make_agg_kernel(n_pad, ka)(row3, col3, y_split)

    return _tc_heads_call(h_agg, dinv, b_gcn, W_mu, b_mu, W_ls, b_ls, n, bn)

# --- scband reference (transcript-rebuilt; emitter-appended) ---
"""Pipeline reference for scband-gcnmlpgaussian-encoder-20804821582432 (READ-ONLY COPY).

The authoritative reference and input builder live on the scoring server;
editing this copy changes nothing except your own understanding.
"""

import jax, jax.numpy as jnp
import numpy as np

N = 10000
E = 160000
D_IN = 256
H0 = 256
H1 = 128

def setup_inputs(seed: int = 0) -> dict:
    key = jax.random.key(seed)
    ks = jax.random.split(key, 8)
    x = jax.random.normal(ks[0], (N, D_IN), dtype=jnp.float32)
    edge_index = jax.random.randint(ks[1], (2, E), 0, N, dtype=jnp.int32)
    W_gcn = jax.random.normal(ks[2], (D_IN, H0), dtype=jnp.float32) * (1.0 / np.sqrt(D_IN))
    b_gcn = jnp.zeros((H0,), dtype=jnp.float32)
    W_mu = jax.random.normal(ks[3], (H0, H1), dtype=jnp.float32) * (1.0 / np.sqrt(H0))
    b_mu = jnp.zeros((H1,), dtype=jnp.float32)
    W_ls = jax.random.normal(ks[4], (H0, H1), dtype=jnp.float32) * (1.0 / np.sqrt(H0))
    b_ls = jnp.zeros((H1,), dtype=jnp.float32)
    return {"x": x, "edge_index": edge_index, "W_gcn": W_gcn, "b_gcn": b_gcn,
            "W_mu": W_mu, "b_mu": b_mu, "W_ls": W_ls, "b_ls": b_ls}

def _gcn_conv(x, edge_index, W, b):
    # PyG GCNConv: add self-loops, symmetric normalization D^-1/2 (A+I) D^-1/2 X W + b
    n = x.shape[0]
    loop = jnp.arange(n, dtype=edge_index.dtype)
    row = jnp.concatenate([edge_index[0], loop])  # source
    col = jnp.concatenate([edge_index[1], loop])  # target (aggregation index)
    deg = jnp.zeros((n,), dtype=x.dtype).at[col].add(1.0)
    dinv = jax.lax.rsqrt(deg)  # deg >= 1 due to self-loops
    norm = dinv[row] * dinv[col]
    xw = x @ W
    msgs = jnp.take(xw, row, axis=0) * norm[:, None]
    out = jnp.zeros((n, W.shape[1]), dtype=x.dtype).at[col].add(msgs)
    return out + b

def reference(x, edge_index, W_gcn, b_gcn, W_mu, b_mu, W_ls, b_ls):
    h = jax.nn.relu(_gcn_conv(x, edge_index, W_gcn, b_gcn))
    mu = h @ W_mu + b_mu
    sigma = jax.nn.elu(h @ W_ls + b_ls) + 1.0 + 1e-14
    return jnp.stack((mu, sigma), axis=0)

if __name__ == "__main__":
    import jax
    _d = setup_inputs()
    print(jax.jit(kernel)(*tuple(_d.values())))

</pallas_src>

<mosaic_0001>
#map = affine_map<(d0, d1) -> (0, 0, 0)>
#map1 = affine_map<(d0, d1) -> (0, 0)>
module attributes {stable_mosaic.version = 14 : i64} {
  func.func @deg_kernel(%arg0: i32, %arg1: i32, %arg2: memref<32x125x40xi32, #tpu.memory_space<hbm>>, %arg3: memref<40x128xf32, #tpu.memory_space<hbm>>, %arg4: memref<10240x128xf32, #tpu.memory_space<hbm>>, %arg5: memref<2x10240x128xf32, #tpu.memory_space<hbm>>, %arg6: memref<125x40xi32, #tpu.memory_space<vmem>>, %arg7: memref<40x128xf32, #tpu.memory_space<vmem>>, %arg8: memref<10240x128xf32, #tpu.memory_space<vmem_shared>>, %arg9: memref<!tpu.dma_semaphore, #tpu.memory_space<semaphore_mem>>, %arg10: memref<!tpu.dma_semaphore, #tpu.memory_space<semaphore_mem>>, %arg11: memref<!tpu.dma_semaphore, #tpu.memory_space<semaphore_mem>>, %arg12: memref<!tpu.dma_semaphore, #tpu.memory_space<semaphore_mem>>, %arg13: memref<!tpu.dma_semaphore, #tpu.memory_space<semaphore_mem>>) attributes {dimension_semantics = [#tpu.dimension_semantics<core_parallel>, #tpu.dimension_semantics<subcore_parallel>], iteration_bounds = array<i64: 2, 16>, scalar_prefetch = 0 : i64, scratch_operands = 8 : i64, tpu.core_type = #tpu.core_type<sc_vector_subcore>, window_params = [{transform_indices = #map}, {transform_indices = #map1}, {transform_indices = #map1}, {transform_indices = #map}]} {
    %mul3A = arith.constant 640 : i32
    %mul3A_0 = arith.muli %arg1, %mul3A : i32
    %mul3A_1 = arith.constant 640 : i32
    %mul3A_2 = arith.muli %arg1, %mul3A_1 : i32
    "tpu.region"() ({
      %run_scoped3A = tpu.sem_alloc : memref<!tpu.dma_semaphore, #tpu.memory_space<semaphore_mem>>
      %dma_start3A_49 = arith.constant 0 : i32
      %dma_start3A_50 = tpu.memref_slice %arg8[%mul3A_2, %dma_start3A_49] : memref<10240x128xf32, #tpu.memory_space<vmem_shared>> -> memref<640x128xf32, #tpu.memory_space<vmem_shared>>
      %dma_start3A_51 = arith.constant 0 : i32
      %dma_start3A_52 = tpu.memref_slice %arg4[%mul3A_0, %dma_start3A_51] : memref<10240x128xf32, #tpu.memory_space<hbm>> -> memref<640x128xf32, #tpu.memory_space<hbm>>
      tpu.enqueue_dma source(%dma_start3A_52 : memref<640x128xf32, #tpu.memory_space<hbm>>) target(%dma_start3A_50 : memref<640x128xf32, #tpu.memory_space<vmem_shared>>) target_semaphore(%run_scoped3A : memref<!tpu.dma_semaphore, #tpu.memory_space<semaphore_mem>>)
      %dma_wait3A = arith.constant 0 : i32
      %dma_wait3A_53 = tpu.memref_slice %arg8[%mul3A_2, %dma_wait3A] : memref<10240x128xf32, #tpu.memory_space<vmem_shared>> -> memref<640x128xf32, #tpu.memory_space<vmem_shared>>
      %dma_wait3A_54 = arith.constant 0 : i32
      %dma_wait3A_55 = tpu.memref_slice %arg4[%mul3A_0, %dma_wait3A_54] : memref<10240x128xf32, #tpu.memory_space<hbm>> -> memref<640x128xf32, #tpu.memory_space<hbm>>
      tpu.wait_dma2 semaphore(%run_scoped3A : memref<!tpu.dma_semaphore, #tpu.memory_space<semaphore_mem>>) src(%dma_wait3A_55 : memref<640x128xf32, #tpu.memory_space<hbm>>) dst(%dma_wait3A_53 : memref<640x128xf32, #tpu.memory_space<vmem_shared>>)
      tpu.yield
    }) : () -> ()
    "tpu.region"() ({
      %run_scoped3A = tpu.sem_alloc : memref<!tpu.dma_semaphore, #tpu.memory_space<semaphore_mem>>
      tpu.enqueue_dma source(%arg3 : memref<40x128xf32, #tpu.memory_space<hbm>>) target(%arg7 : memref<40x128xf32, #tpu.memory_space<vmem>>) target_semaphore(%run_scoped3A : memref<!tpu.dma_semaphore, #tpu.memory_space<semaphore_mem>>)
      tpu.wait_dma2 semaphore(%run_scoped3A : memref<!tpu.dma_semaphore, #tpu.memory_space<semaphore_mem>>) src(%arg3 : memref<40x128xf32, #tpu.memory_space<hbm>>) dst(%arg7 : memref<40x128xf32, #tpu.memory_space<vmem>>)
      tpu.yield
    }) : () -> ()
    %mul3A_3 = arith.constant 16 : i32
    %mul3A_4 = arith.muli %arg0, %mul3A_3 : i32
    %add3A = arith.addi %mul3A_4, %arg1 : i32
    "tpu.region"() ({
      %run_scoped3A = tpu.sem_alloc : memref<!tpu.dma_semaphore, #tpu.memory_space<semaphore_mem>>
      %dma_start3A_49 = arith.constant 0 : i32
      %dma_start3A_50 = arith.constant 0 : i32
      %dma_start3A_51 = tpu.memref_slice %arg2[%add3A, %dma_start3A_49, %dma_start3A_50] : memref<32x125x40xi32, #tpu.memory_space<hbm>> -> memref<1x125x40xi32, #tpu.memory_space<hbm>>
      %dma_start3A_52 = tpu.memref_squeeze %dma_start3A_51 : memref<1x125x40xi32, #tpu.memory_space<hbm>> -> memref<125x40xi32, #tpu.memory_space<hbm>>
      %dma_start3A_53 = arith.constant 0 : i32
      %dma_start3A_54 = arith.constant 0 : i32
      %dma_start3A_55 = tpu.memref_slice %arg2[%add3A, %dma_start3A_53, %dma_start3A_54] : memref<32x125x40xi32, #tpu.memory_space<hbm>> -> memref<1x125x40xi32, #tpu.memory_space<hbm>>
      %dma_start3A_56 = tpu.memref_squeeze %dma_start3A_55 : memref<1x125x40xi32, #tpu.memory_space<hbm>> -> memref<125x40xi32, #tpu.memory_space<hbm>>
      tpu.enqueue_dma source(%dma_start3A_56 : memref<125x40xi32, #tpu.memory_space<hbm>>) target(%arg6 : memref<125x40xi32, #tpu.memory_space<vmem>>) target_semaphore(%run_scoped3A : memref<!tpu.dma_semaphore, #tpu.memory_space<semaphore_mem>>)
      %dma_wait3A = arith.constant 0 : i32
      %dma_wait3A_57 = arith.constant 0 : i32
      %dma_wait3A_58 = tpu.memref_slice %arg2[%add3A, %dma_wait3A, %dma_wait3A_57] : memref<32x125x40xi32, #tpu.memory_space<hbm>> -> memref<1x125x40xi32, #tpu.memory_space<hbm>>
      %dma_wait3A_59 = tpu.memref_squeeze %dma_wait3A_58 : memref<1x125x40xi32, #tpu.memory_space<hbm>> -> memref<125x40xi32, #tpu.memory_space<hbm>>
      %dma_wait3A_60 = arith.constant 0 : i32
      %dma_wait3A_61 = arith.constant 0 : i32
      %dma_wait3A_62 = tpu.memref_slice %arg2[%add3A, %dma_wait3A_60, %dma_wait3A_61] : memref<32x125x40xi32, #tpu.memory_space<hbm>> -> memref<1x125x40xi32, #tpu.memory_space<hbm>>
      %dma_wait3A_63 = tpu.memref_squeeze %dma_wait3A_62 : memref<1x125x40xi32, #tpu.memory_space<hbm>> -> memref<125x40xi32, #tpu.memory_space<hbm>>
      tpu.wait_dma2 semaphore(%run_scoped3A : memref<!tpu.dma_semaphore, #tpu.memory_space<semaphore_mem>>) src(%dma_wait3A_63 : memref<125x40xi32, #tpu.memory_space<hbm>>) dst(%arg6 : memref<125x40xi32, #tpu.memory_space<vmem>>)
      tpu.yield
    }) : () -> ()
    %barrier3A = arith.constant 0 : index
    tpu.barrier barrier_id(%barrier3A)
    %dma_start3A = arith.constant 0 : i32
    %dma_start3A_5 = arith.constant 0 : i32
    %dma_start3A_6 = tpu.memref_slice %arg6[%dma_start3A, %dma_start3A_5] : memref<125x40xi32, #tpu.memory_space<vmem>> -> memref<1x40xi32, #tpu.memory_space<vmem>>
    %dma_start3A_7 = tpu.memref_squeeze %dma_start3A_6 : memref<1x40xi32, #tpu.memory_space<vmem>> -> memref<40xi32, #tpu.memory_space<vmem>>
    %dma_start3A_8 = arith.constant 0 : i32
    %dma_start3A_9 = arith.constant 0 : i32
    %dma_start3A_10 = tpu.memref_slice %arg8[%dma_start3A_8, %dma_start3A_9] : memref<10240x128xf32, #tpu.memory_space<vmem_shared>> -> memref<10240x128xf32, #tpu.memory_space<vmem_shared>>
    tpu.enqueue_indirect_dma source(%arg7 : memref<40x128xf32, #tpu.memory_space<vmem>>) target(%dma_start3A_10 : memref<10240x128xf32, #tpu.memory_space<vmem_shared>>) offsets(%dma_start3A_7 : memref<40xi32, #tpu.memory_space<vmem>>) semaphore(%arg9 : memref<!tpu.dma_semaphore, #tpu.memory_space<semaphore_mem>>) {add = true}
    %dma_start3A_11 = arith.constant 1 : i32
    %dma_start3A_12 = arith.constant 0 : i32
    %dma_start3A_13 = tpu.memref_slice %arg6[%dma_start3A_11, %dma_start3A_12] : memref<125x40xi32, #tpu.memory_space<vmem>> -> memref<1x40xi32, #tpu.memory_space<vmem>>
    %dma_start3A_14 = tpu.memref_squeeze %dma_start3A_13 : memref<1x40xi32, #tpu.memory_space<vmem>> -> memref<40xi32, #tpu.memory_space<vmem>>
    %dma_start3A_15 = arith.constant 0 : i32
    %dma_start3A_16 = arith.constant 0 : i32
    %dma_start3A_17 = tpu.memref_slice %arg8[%dma_start3A_15, %dma_start3A_16] : memref<10240x128xf32, #tpu.memory_space<vmem_shared>> -> memref<10240x128xf32, #tpu.memory_space<vmem_shared>>
    tpu.enqueue_indirect_dma source(%arg7 : memref<40x128xf32, #tpu.memory_space<vmem>>) target(%dma_start3A_17 : memref<10240x128xf32, #tpu.memory_space<vmem_shared>>) offsets(%dma_start3A_14 : memref<40xi32, #tpu.memory_space<vmem>>) semaphore(%arg10 : memref<!tpu.dma_semaphore, #tpu.memory_space<semaphore_mem>>) {add = true}
    %dma_start3A_18 = arith.constant 2 : i32
    %dma_start3A_19 = arith.constant 0 : i32
    %dma_start3A_20 = tpu.memref_slice %arg6[%dma_start3A_18, %dma_start3A_19] : memref<125x40xi32, #tpu.memory_space<vmem>> -> memref<1x40xi32, #tpu.memory_space<vmem>>
    %dma_start3A_21 = tpu.memref_squeeze %dma_start3A_20 : memref<1x40xi32, #tpu.memory_space<vmem>> -> memref<40xi32, #tpu.memory_space<vmem>>
    %dma_start3A_22 = arith.constant 0 : i32
    %dma_start3A_23 = arith.constant 0 : i32
    %dma_start3A_24 = tpu.memref_slice %arg8[%dma_start3A_22, %dma_start3A_23] : memref<10240x128xf32, #tpu.memory_space<vmem_shared>> -> memref<10240x128xf32, #tpu.memory_space<vmem_shared>>
    tpu.enqueue_indirect_dma source(%arg7 : memref<40x128xf32, #tpu.memory_space<vmem>>) target(%dma_start3A_24 : memref<10240x128xf32, #tpu.memory_space<vmem_shared>>) offsets(%dma_start3A_21 : memref<40xi32, #tpu.memory_space<vmem>>) semaphore(%arg11 : memref<!tpu.dma_semaphore, #tpu.memory_space<semaphore_mem>>) {add = true}
    %dma_start3A_25 = arith.constant 3 : i32
    %dma_start3A_26 = arith.constant 0 : i32
    %dma_start3A_27 = tpu.memref_slice %arg6[%dma_start3A_25, %dma_start3A_26] : memref<125x40xi32, #tpu.memory_space<vmem>> -> memref<1x40xi32, #tpu.memory_space<vmem>>
    %dma_start3A_28 = tpu.memref_squeeze %dma_start3A_27 : memref<1x40xi32, #tpu.memory_space<vmem>> -> memref<40xi32, #tpu.memory_space<vmem>>
    %dma_start3A_29 = arith.constant 0 : i32
    %dma_start3A_30 = arith.constant 0 : i32
    %dma_start3A_31 = tpu.memref_slice %arg8[%dma_start3A_29, %dma_start3A_30] : memref<10240x128xf32, #tpu.memory_space<vmem_shared>> -> memref<10240x128xf32, #tpu.memory_space<vmem_shared>>
    tpu.enqueue_indirect_dma source(%arg7 : memref<40x128xf32, #tpu.memory_space<vmem>>) target(%dma_start3A_31 : memref<10240x128xf32, #tpu.memory_space<vmem_shared>>) offsets(%dma_start3A_28 : memref<40xi32, #tpu.memory_space<vmem>>) semaphore(%arg12 : memref<!tpu.dma_semaphore, #tpu.memory_space<semaphore_mem>>) {add = true}
    %dma_start3A_32 = arith.constant 4 : i32
    %dma_start3A_33 = arith.constant 0 : i32
    %dma_start3A_34 = tpu.memref_slice %arg6[%dma_start3A_32, %dma_start3A_33] : memref<125x40xi32, #tpu.memory_space<vmem>> -> memref<1x40xi32, #tpu.memory_space<vmem>>
    %dma_start3A_35 = tpu.memref_squeeze %dma_start3A_34 : memref<1x40xi32, #tpu.memory_space<vmem>> -> memref<40xi32, #tpu.memory_space<vmem>>
    %dma_start3A_36 = arith.constant 0 : i32
    %dma_start3A_37 = arith.constant 0 : i32
    %dma_start3A_38 = tpu.memref_slice %arg8[%dma_start3A_36, %dma_start3A_37] : memref<10240x128xf32, #tpu.memory_space<vmem_shared>> -> memref<10240x128xf32, #tpu.memory_space<vmem_shared>>
    tpu.enqueue_indirect_dma source(%arg7 : memref<40x128xf32, #tpu.memory_space<vmem>>) target(%dma_start3A_38 : memref<10240x128xf32, #tpu.memory_space<vmem_shared>>) offsets(%dma_start3A_35 : memref<40xi32, #tpu.memory_space<vmem>>) semaphore(%arg13 : memref<!tpu.dma_semaphore, #tpu.memory_space<semaphore_mem>>) {add = true}
    %scan3A = arith.constant 0 : i32
    %scan3A_39 = arith.constant 0 : i32
    %scan3A_40 = arith.constant 25 : i32
    %scan3A_41 = arith.addi %scan3A_39, %scan3A_40 : i32
    %scan3A_42 = arith.constant 1 : i32
    scf.for %scan3A_49 = %scan3A_39 to %scan3A_41 step %scan3A_42  : i32 {
      %mul3A_50 = arith.constant 5 : i32
      %mul3A_51 = arith.muli %scan3A_49, %mul3A_50 : i32
      %add3A_52 = arith.constant 0 : i32
      %add3A_53 = arith.addi %mul3A_51, %add3A_52 : i32
      %dma_wait3A = arith.constant 0 : i32
      %dma_wait3A_54 = tpu.memref_slice %arg6[%add3A_53, %dma_wait3A] : memref<125x40xi32, #tpu.memory_space<vmem>> -> memref<1x40xi32, #tpu.memory_space<vmem>>
      %dma_wait3A_55 = tpu.memref_squeeze %dma_wait3A_54 : memref<1x40xi32, #tpu.memory_space<vmem>> -> memref<40xi32, #tpu.memory_space<vmem>>
      %dma_wait3A_56 = arith.constant 0 : i32
      %dma_wait3A_57 = arith.constant 0 : i32
      %dma_wait3A_58 = tpu.memref_slice %arg8[%dma_wait3A_56, %dma_wait3A_57] : memref<10240x128xf32, #tpu.memory_space<vmem_shared>> -> memref<10240x128xf32, #tpu.memory_space<vmem_shared>>
      tpu.wait_indirect_dma semaphore(%arg9 : memref<!tpu.dma_semaphore, #tpu.memory_space<semaphore_mem>>) src(%arg7 : memref<40x128xf32, #tpu.memory_space<vmem>>) dst(%dma_wait3A_58 : memref<10240x128xf32, #tpu.memory_space<vmem_shared>>)
      %add3A_59 = arith.constant 5 : i32
      %add3A_60 = arith.addi %add3A_53, %add3A_59 : i32
      %lt3A = arith.constant 125 : i32
      %lt3A_61 = arith.cmpi slt, %add3A_60, %lt3A : i32
      %convert_element_type3A = arith.extui %lt3A_61 : i1 to i32
      %cond3A = arith.constant 0 : i32
      %cond3A_62 = arith.cmpi ne, %convert_element_type3A, %cond3A : i32
      scf.if %cond3A_62 {
        %add3A_131 = arith.constant 5 : i32
        %add3A_132 = arith.addi %add3A_53, %add3A_131 : i32
        %dma_start3A_133 = arith.constant 0 : i32
        %dma_start3A_134 = tpu.memref_slice %arg6[%add3A_132, %dma_start3A_133] : memref<125x40xi32, #tpu.memory_space<vmem>> -> memref<1x40xi32, #tpu.memory_space<vmem>>
        %dma_start3A_135 = tpu.memref_squeeze %dma_start3A_134 : memref<1x40xi32, #tpu.memory_space<vmem>> -> memref<40xi32, #tpu.memory_space<vmem>>
        %dma_start3A_136 = arith.constant 0 : i32
        %dma_start3A_137 = arith.constant 0 : i32
        %dma_start3A_138 = tpu.memref_slice %arg8[%dma_start3A_136, %dma_start3A_137] : memref<10240x128xf32, #tpu.memory_space<vmem_shared>> -> memref<10240x128xf32, #tpu.memory_space<vmem_shared>>
        tpu.enqueue_indirect_dma source(%arg7 : memref<40x128xf32, #tpu.memory_space<vmem>>) target(%dma_start3A_138 : memref<10240x128xf32, #tpu.memory_space<vmem_shared>>) offsets(%dma_start3A_135 : memref<40xi32, #tpu.memory_space<vmem>>) semaphore(%arg9 : memref<!tpu.dma_semaphore, #tpu.memory_space<semaphore_mem>>) {add = true}
      } else {
      }
      %mul3A_63 = arith.constant 5 : i32
      %mul3A_64 = arith.muli %scan3A_49, %mul3A_63 : i32
      %add3A_65 = arith.constant 1 : i32
      %add3A_66 = arith.addi %mul3A_64, %add3A_65 : i32
      %dma_wait3A_67 = arith.constant 0 : i32
      %dma_wait3A_68 = tpu.memref_slice %arg6[%add3A_66, %dma_wait3A_67] : memref<125x40xi32, #tpu.memory_space<vmem>> -> memref<1x40xi32, #tpu.memory_space<vmem>>
      %dma_wait3A_69 = tpu.memref_squeeze %dma_wait3A_68 : memref<1x40xi32, #tpu.memory_space<vmem>> -> memref<40xi32, #tpu.memory_space<vmem>>
      %dma_wait3A_70 = arith.constant 0 : i32
      %dma_wait3A_71 = arith.constant 0 : i32
      %dma_wait3A_72 = tpu.memref_slice %arg8[%dma_wait3A_70, %dma_wait3A_71] : memref<10240x128xf32, #tpu.memory_space<vmem_shared>> -> memref<10240x128xf32, #tpu.memory_space<vmem_shared>>
      tpu.wait_indirect_dma semaphore(%arg10 : memref<!tpu.dma_semaphore, #tpu.memory_space<semaphore_mem>>) src(%arg7 : memref<40x128xf32, #tpu.memory_space<vmem>>) dst(%dma_wait3A_72 : memref<10240x128xf32, #tpu.memory_space<vmem_shared>>)
      %add3A_73 = arith.constant 5 : i32
      %add3A_74 = arith.addi %add3A_66, %add3A_73 : i32
      %lt3A_75 = arith.constant 125 : i32
      %lt3A_76 = arith.cmpi slt, %add3A_74, %lt3A_75 : i32
      %convert_element_type3A_77 = arith.extui %lt3A_76 : i1 to i32
      %cond3A_78 = arith.constant 0 : i32
      %cond3A_79 = arith.cmpi ne, %convert_element_type3A_77, %cond3A_78 : i32
      scf.if %cond3A_79 {
        %add3A_131 = arith.constant 5 : i32
        %add3A_132 = arith.addi %add3A_66, %add3A_131 : i32
        %dma_start3A_133 = arith.constant 0 : i32
        %dma_start3A_134 = tpu.memref_slice %arg6[%add3A_132, %dma_start3A_133] : memref<125x40xi32, #tpu.memory_space<vmem>> -> memref<1x40xi32, #tpu.memory_space<vmem>>
        %dma_start3A_135 = tpu.memref_squeeze %dma_start3A_134 : memref<1x40xi32, #tpu.memory_space<vmem>> -> memref<40xi32, #tpu.memory_space<vmem>>
        %dma_start3A_136 = arith.constant 0 : i32
        %dma_start3A_137 = arith.constant 0 : i32
        %dma_start3A_138 = tpu.memref_slice %arg8[%dma_start3A_136, %dma_start3A_137] : memref<10240x128xf32, #tpu.memory_space<vmem_shared>> -> memref<10240x128xf32, #tpu.memory_space<vmem_shared>>
        tpu.enqueue_indirect_dma source(%arg7 : memref<40x128xf32, #tpu.memory_space<vmem>>) target(%dma_start3A_138 : memref<10240x128xf32, #tpu.memory_space<vmem_shared>>) offsets(%dma_start3A_135 : memref<40xi32, #tpu.memory_space<vmem>>) semaphore(%arg10 : memref<!tpu.dma_semaphore, #tpu.memory_space<semaphore_mem>>) {add = true}
      } else {
      }
      %mul3A_80 = arith.constant 5 : i32
      %mul3A_81 = arith.muli %scan3A_49, %mul3A_80 : i32
      %add3A_82 = arith.constant 2 : i32
      %add3A_83 = arith.addi %mul3A_81, %add3A_82 : i32
      %dma_wait3A_84 = arith.constant 0 : i32
      %dma_wait3A_85 = tpu.memref_slice %arg6[%add3A_83, %dma_wait3A_84] : memref<125x40xi32, #tpu.memory_space<vmem>> -> memref<1x40xi32, #tpu.memory_space<vmem>>
      %dma_wait3A_86 = tpu.memref_squeeze %dma_wait3A_85 : memref<1x40xi32, #tpu.memory_space<vmem>> -> memref<40xi32, #tpu.memory_space<vmem>>
      %dma_wait3A_87 = arith.constant 0 : i32
      %dma_wait3A_88 = arith.constant 0 : i32
      %dma_wait3A_89 = tpu.memref_slice %arg8[%dma_wait3A_87, %dma_wait3A_88] : memref<10240x128xf32, #tpu.memory_space<vmem_shared>> -> memref<10240x128xf32, #tpu.memory_space<vmem_shared>>
      tpu.wait_indirect_dma semaphore(%arg11 : memref<!tpu.dma_semaphore, #tpu.memory_space<semaphore_mem>>) src(%arg7 : memref<40x128xf32, #tpu.memory_space<vmem>>) dst(%dma_wait3A_89 : memref<10240x128xf32, #tpu.memory_space<vmem_shared>>)
      %add3A_90 = arith.constant 5 : i32
      %add3A_91 = arith.addi %add3A_83, %add3A_90 : i32
      %lt3A_92 = arith.constant 125 : i32
      %lt3A_93 = arith.cmpi slt, %add3A_91, %lt3A_92 : i32
      %convert_element_type3A_94 = arith.extui %lt3A_93 : i1 to i32
      %cond3A_95 = arith.constant 0 : i32
      %cond3A_96 = arith.cmpi ne, %convert_element_type3A_94, %cond3A_95 : i32
      scf.if %cond3A_96 {
        %add3A_131 = arith.constant 5 : i32
        %add3A_132 = arith.addi %add3A_83, %add3A_131 : i32
        %dma_start3A_133 = arith.constant 0 : i32
        %dma_start3A_134 = tpu.memref_slice %arg6[%add3A_132, %dma_start3A_133] : memref<125x40xi32, #tpu.memory_space<vmem>> -> memref<1x40xi32, #tpu.memory_space<vmem>>
        %dma_start3A_135 = tpu.memref_squeeze %dma_start3A_134 : memref<1x40xi32, #tpu.memory_space<vmem>> -> memref<40xi32, #tpu.memory_space<vmem>>
        %dma_start3A_136 = arith.constant 0 : i32
        %dma_start3A_137 = arith.constant 0 : i32
        %dma_start3A_138 = tpu.memref_slice %arg8[%dma_start3A_136, %dma_start3A_137] : memref<10240x128xf32, #tpu.memory_space<vmem_shared>> -> memref<10240x128xf32, #tpu.memory_space<vmem_shared>>
        tpu.enqueue_indirect_dma source(%arg7 : memref<40x128xf32, #tpu.memory_space<vmem>>) target(%dma_start3A_138 : memref<10240x128xf32, #tpu.memory_space<vmem_shared>>) offsets(%dma_start3A_135 : memref<40xi32, #tpu.memory_space<vmem>>) semaphore(%arg11 : memref<!tpu.dma_semaphore, #tpu.memory_space<semaphore_mem>>) {add = true}
      } else {
      }
      %mul3A_97 = arith.constant 5 : i32
      %mul3A_98 = arith.muli %scan3A_49, %mul3A_97 : i32
      %add3A_99 = arith.constant 3 : i32
      %add3A_100 = arith.addi %mul3A_98, %add3A_99 : i32
      %dma_wait3A_101 = arith.constant 0 : i32
      %dma_wait3A_102 = tpu.memref_slice %arg6[%add3A_100, %dma_wait3A_101] : memref<125x40xi32, #tpu.memory_space<vmem>> -> memref<1x40xi32, #tpu.memory_space<vmem>>
      %dma_wait3A_103 = tpu.memref_squeeze %dma_wait3A_102 : memref<1x40xi32, #tpu.memory_space<vmem>> -> memref<40xi32, #tpu.memory_space<vmem>>
      %dma_wait3A_104 = arith.constant 0 : i32
      %dma_wait3A_105 = arith.constant 0 : i32
      %dma_wait3A_106 = tpu.memref_slice %arg8[%dma_wait3A_104, %dma_wait3A_105] : memref<10240x128xf32, #tpu.memory_space<vmem_shared>> -> memref<10240x128xf32, #tpu.memory_space<vmem_shared>>
      tpu.wait_indirect_dma semaphore(%arg12 : memref<!tpu.dma_semaphore, #tpu.memory_space<semaphore_mem>>) src(%arg7 : memref<40x128xf32, #tpu.memory_space<vmem>>) dst(%dma_wait3A_106 : memref<10240x128xf32, #tpu.memory_space<vmem_shared>>)
      %add3A_107 = arith.constant 5 : i32
      %add3A_108 = arith.addi %add3A_100, %add3A_107 : i32
      %lt3A_109 = arith.constant 125 : i32
      %lt3A_110 = arith.cmpi slt, %add3A_108, %lt3A_109 : i32
      %convert_element_type3A_111 = arith.extui %lt3A_110 : i1 to i32
      %cond3A_112 = arith.constant 0 : i32
      %cond3A_113 = arith.cmpi ne, %convert_element_type3A_111, %cond3A_112 : i32
      scf.if %cond3A_113 {
        %add3A_131 = arith.constant 5 : i32
        %add3A_132 = arith.addi %add3A_100, %add3A_131 : i32
        %dma_start3A_133 = arith.constant 0 : i32
        %dma_start3A_134 = tpu.memref_slice %arg6[%add3A_132, %dma_start3A_133] : memref<125x40xi32, #tpu.memory_space<vmem>> -> memref<1x40xi32, #tpu.memory_space<vmem>>
        %dma_start3A_135 = tpu.memref_squeeze %dma_start3A_134 : memref<1x40xi32, #tpu.memory_space<vmem>> -> memref<40xi32, #tpu.memory_space<vmem>>
        %dma_start3A_136 = arith.constant 0 : i32
        %dma_start3A_137 = arith.constant 0 : i32
        %dma_start3A_138 = tpu.memref_slice %arg8[%dma_start3A_136, %dma_start3A_137] : memref<10240x128xf32, #tpu.memory_space<vmem_shared>> -> memref<10240x128xf32, #tpu.memory_space<vmem_shared>>
        tpu.enqueue_indirect_dma source(%arg7 : memref<40x128xf32, #tpu.memory_space<vmem>>) target(%dma_start3A_138 : memref<10240x128xf32, #tpu.memory_space<vmem_shared>>) offsets(%dma_start3A_135 : memref<40xi32, #tpu.memory_space<vmem>>) semaphore(%arg12 : memref<!tpu.dma_semaphore, #tpu.memory_space<semaphore_mem>>) {add = true}
      } else {
      }
      %mul3A_114 = arith.constant 5 : i32
      %mul3A_115 = arith.muli %scan3A_49, %mul3A_114 : i32
      %add3A_116 = arith.constant 4 : i32
      %add3A_117 = arith.addi %mul3A_115, %add3A_116 : i32
      %dma_wait3A_118 = arith.constant 0 : i32
      %dma_wait3A_119 = tpu.memref_slice %arg6[%add3A_117, %dma_wait3A_118] : memref<125x40xi32, #tpu.memory_space<vmem>> -> memref<1x40xi32, #tpu.memory_space<vmem>>
      %dma_wait3A_120 = tpu.memref_squeeze %dma_wait3A_119 : memref<1x40xi32, #tpu.memory_space<vmem>> -> memref<40xi32, #tpu.memory_space<vmem>>
      %dma_wait3A_121 = arith.constant 0 : i32
      %dma_wait3A_122 = arith.constant 0 : i32
      %dma_wait3A_123 = tpu.memref_slice %arg8[%dma_wait3A_121, %dma_wait3A_122] : memref<10240x128xf32, #tpu.memory_space<vmem_shared>> -> memref<10240x128xf32, #tpu.memory_space<vmem_shared>>
      tpu.wait_indirect_dma semaphore(%arg13 : memref<!tpu.dma_semaphore, #tpu.memory_space<semaphore_mem>>) src(%arg7 : memref<40x128xf32, #tpu.memory_space<vmem>>) dst(%dma_wait3A_123 : memref<10240x128xf32, #tpu.memory_space<vmem_shared>>)
      %add3A_124 = arith.constant 5 : i32
      %add3A_125 = arith.addi %add3A_117, %add3A_124 : i32
      %lt3A_126 = arith.constant 125 : i32
      %lt3A_127 = arith.cmpi slt, %add3A_125, %lt3A_126 : i32
      %convert_element_type3A_128 = arith.extui %lt3A_127 : i1 to i32
      %cond3A_129 = arith.constant 0 : i32
      %cond3A_130 = arith.cmpi ne, %convert_element_type3A_128, %cond3A_129 : i32
      scf.if %cond3A_130 {
        %add3A_131 = arith.constant 5 : i32
        %add3A_132 = arith.addi %add3A_117, %add3A_131 : i32
        %dma_start3A_133 = arith.constant 0 : i32
        %dma_start3A_134 = tpu.memref_slice %arg6[%add3A_132, %dma_start3A_133] : memref<125x40xi32, #tpu.memory_space<vmem>> -> memref<1x40xi32, #tpu.memory_space<vmem>>
        %dma_start3A_135 = tpu.memref_squeeze %dma_start3A_134 : memref<1x40xi32, #tpu.memory_space<vmem>> -> memref<40xi32, #tpu.memory_space<vmem>>
        %dma_start3A_136 = arith.constant 0 : i32
        %dma_start3A_137 = arith.constant 0 : i32
        %dma_start3A_138 = tpu.memref_slice %arg8[%dma_start3A_136, %dma_start3A_137] : memref<10240x128xf32, #tpu.memory_space<vmem_shared>> -> memref<10240x128xf32, #tpu.memory_space<vmem_shared>>
        tpu.enqueue_indirect_dma source(%arg7 : memref<40x128xf32, #tpu.memory_space<vmem>>) target(%dma_start3A_138 : memref<10240x128xf32, #tpu.memory_space<vmem_shared>>) offsets(%dma_start3A_135 : memref<40xi32, #tpu.memory_space<vmem>>) semaphore(%arg13 : memref<!tpu.dma_semaphore, #tpu.memory_space<semaphore_mem>>) {add = true}
      } else {
      }
    }
    %scan3A_43 = arith.constant 25 : i32
    %barrier3A_44 = arith.constant 0 : index
    tpu.barrier barrier_id(%barrier3A_44)
    %mul3A_45 = arith.constant 640 : i32
    %mul3A_46 = arith.muli %arg1, %mul3A_45 : i32
    %mul3A_47 = arith.constant 640 : i32
    %mul3A_48 = arith.muli %arg1, %mul3A_47 : i32
    "tpu.region"() ({
      %run_scoped3A = tpu.sem_alloc : memref<!tpu.dma_semaphore, #tpu.memory_space<semaphore_mem>>
      %dma_start3A_49 = arith.constant 0 : i32
      %dma_start3A_50 = tpu.memref_slice %arg5[%arg0, %mul3A_48, %dma_start3A_49] : memref<2x10240x128xf32, #tpu.memory_space<hbm>> -> memref<1x640x128xf32, #tpu.memory_space<hbm>>
      %dma_start3A_51 = tpu.memref_squeeze %dma_start3A_50 : memref<1x640x128xf32, #tpu.memory_space<hbm>> -> memref<640x128xf32, #tpu.memory_space<hbm>>
      %dma_start3A_52 = arith.constant 0 : i32
      %dma_start3A_53 = tpu.memref_slice %arg8[%mul3A_46, %dma_start3A_52] : memref<10240x128xf32, #tpu.memory_space<vmem_shared>> -> memref<640x128xf32, #tpu.memory_space<vmem_shared>>
      tpu.enqueue_dma source(%dma_start3A_53 : memref<640x128xf32, #tpu.memory_space<vmem_shared>>) target(%dma_start3A_51 : memref<640x128xf32, #tpu.memory_space<hbm>>) target_semaphore(%run_scoped3A : memref<!tpu.dma_semaphore, #tpu.memory_space<semaphore_mem>>)
      %dma_wait3A = arith.constant 0 : i32
      %dma_wait3A_54 = tpu.memref_slice %arg5[%arg0, %mul3A_48, %dma_wait3A] : memref<2x10240x128xf32, #tpu.memory_space<hbm>> -> memref<1x640x128xf32, #tpu.memory_space<hbm>>
      %dma_wait3A_55 = tpu.memref_squeeze %dma_wait3A_54 : memref<1x640x128xf32, #tpu.memory_space<hbm>> -> memref<640x128xf32, #tpu.memory_space<hbm>>
      %dma_wait3A_56 = arith.constant 0 : i32
      %dma_wait3A_57 = tpu.memref_slice %arg8[%mul3A_46, %dma_wait3A_56] : memref<10240x128xf32, #tpu.memory_space<vmem_shared>> -> memref<640x128xf32, #tpu.memory_space<vmem_shared>>
      tpu.wait_dma2 semaphore(%run_scoped3A : memref<!tpu.dma_semaphore, #tpu.memory_space<semaphore_mem>>) src(%dma_wait3A_57 : memref<640x128xf32, #tpu.memory_space<vmem_shared>>) dst(%dma_wait3A_55 : memref<640x128xf32, #tpu.memory_space<hbm>>)
      tpu.yield
    }) : () -> ()
    return
  }
}

#map = affine_map<(d0, d1) -> (0, 0)>
#map1 = affine_map<(d0, d1) -> (0, 0, 0)>
module attributes {stable_mosaic.version = 14 : i64} {
  func.func @agg_kernel(%arg0: i32, %arg1: i32, %arg2: memref<2000x80xi32, #tpu.memory_space<hbm>>, %arg3: memref<2000x80xi32, #tpu.memory_space<hbm>>, %arg4: memref<2x10240x128xf32, #tpu.memory_space<hbm>>, %arg5: memref<2x10240x128xf32, #tpu.memory_space<hbm>>, %arg6: memref<8x80xi32, #tpu.memory_space<vmem>>, %arg7: memref<4x80xi32, #tpu.memory_space<vmem>>, %arg8: memref<80x128xf32, #tpu.memory_space<vmem>>, %arg9: memref<80x128xf32, #tpu.memory_space<vmem>>, %arg10: memref<80x128xf32, #tpu.memory_space<vmem>>, %arg11: memref<80x128xf32, #tpu.memory_space<vmem>>, %arg12: memref<10240x128xf32, #tpu.memory_space<vmem_shared>>, %arg13: memref<!tpu.dma_semaphore, #tpu.memory_space<semaphore_mem>>, %arg14: memref<!tpu.dma_semaphore, #tpu.memory_space<semaphore_mem>>, %arg15: memref<!tpu.dma_semaphore, #tpu.memory_space<semaphore_mem>>, %arg16: memref<!tpu.dma_semaphore, #tpu.memory_space<semaphore_mem>>, %arg17: memref<!tpu.dma_semaphore, #tpu.memory_space<semaphore_mem>>, %arg18: memref<!tpu.dma_semaphore, #tpu.memory_space<semaphore_mem>>, %arg19: memref<!tpu.dma_semaphore, #tpu.memory_space<semaphore_mem>>, %arg20: memref<!tpu.dma_semaphore, #tpu.memory_space<semaphore_mem>>, %arg21: memref<!tpu.dma_semaphore, #tpu.memory_space<semaphore_mem>>, %arg22: memref<!tpu.dma_semaphore, #tpu.memory_space<semaphore_mem>>, %arg23: memref<!tpu.dma_semaphore, #tpu.memory_space<semaphore_mem>>, %arg24: memref<!tpu.dma_semaphore, #tpu.memory_space<semaphore_mem>>, %arg25: memref<!tpu.dma_semaphore, #tpu.memory_space<semaphore_mem>>, %arg26: memref<!tpu.dma_semaphore, #tpu.memory_space<semaphore_mem>>, %arg27: memref<!tpu.dma_semaphore, #tpu.memory_space<semaphore_mem>>, %arg28: memref<!tpu.dma_semaphore, #tpu.memory_space<semaphore_mem>>) attributes {dimension_semantics = [#tpu.dimension_semantics<core_parallel>, #tpu.dimension_semantics<subcore_parallel>], iteration_bounds = array<i64: 2, 16>, scalar_prefetch = 0 : i64, scratch_operands = 23 : i64, tpu.core_type = #tpu.core_type<sc_vector_subcore>, window_params = [{transform_indices = #map}, {transform_indices = #map}, {transform_indices = #map1}, {transform_indices = #map1}]} {
    %mul3A = arith.constant 640 : i32
    %mul3A_0 = arith.muli %arg1, %mul3A : i32
    %mul3A_1 = arith.constant 640 : i32
    %mul3A_2 = arith.muli %arg1, %mul3A_1 : i32
    "tpu.region"() ({
      %run_scoped3A_471 = tpu.sem_alloc : memref<!tpu.dma_semaphore, #tpu.memory_space<semaphore_mem>>
      %dma_start3A_472 = arith.constant 0 : i32
      %dma_start3A_473 = tpu.memref_slice %arg12[%mul3A_2, %dma_start3A_472] : memref<10240x128xf32, #tpu.memory_space<vmem_shared>> -> memref<640x128xf32, #tpu.memory_space<vmem_shared>>
      %dma_start3A_474 = arith.constant 0 : i32
      %dma_start3A_475 = tpu.memref_slice %arg4[%arg0, %mul3A_0, %dma_start3A_474] : memref<2x10240x128xf32, #tpu.memory_space<hbm>> -> memref<1x640x128xf32, #tpu.memory_space<hbm>>
      %dma_start3A_476 = tpu.memref_squeeze %dma_start3A_475 : memref<1x640x128xf32, #tpu.memory_space<hbm>> -> memref<640x128xf32, #tpu.memory_space<hbm>>
      tpu.enqueue_dma source(%dma_start3A_476 : memref<640x128xf32, #tpu.memory_space<hbm>>) target(%dma_start3A_473 : memref<640x128xf32, #tpu.memory_space<vmem_shared>>) target_semaphore(%run_scoped3A_471 : memref<!tpu.dma_semaphore, #tpu.memory_space<semaphore_mem>>)
      %dma_wait3A_477 = arith.constant 0 : i32
      %dma_wait3A_478 = tpu.memref_slice %arg12[%mul3A_2, %dma_wait3A_477] : memref<10240x128xf32, #tpu.memory_space<vmem_shared>> -> memref<640x128xf32, #tpu.memory_space<vmem_shared>>
      %dma_wait3A_479 = arith.constant 0 : i32
      %dma_wait3A_480 = tpu.memref_slice %arg4[%arg0, %mul3A_0, %dma_wait3A_479] : memref<2x10240x128xf32, #tpu.memory_space<hbm>> -> memref<1x640x128xf32, #tpu.memory_space<hbm>>
      %dma_wait3A_481 = tpu.memref_squeeze %dma_wait3A_480 : memref<1x640x128xf32, #tpu.memory_space<hbm>> -> memref<640x128xf32, #tpu.memory_space<hbm>>
      tpu.wait_dma2 semaphore(%run_scoped3A_471 : memref<!tpu.dma_semaphore, #tpu.memory_space<semaphore_mem>>) src(%dma_wait3A_481 : memref<640x128xf32, #tpu.memory_space<hbm>>) dst(%dma_wait3A_478 : memref<640x128xf32, #tpu.memory_space<vmem_shared>>)
      tpu.yield
    }) : () -> ()
    %barrier3A = arith.constant 0 : index
    tpu.barrier barrier_id(%barrier3A)
    %mul3A_3 = arith.constant 125 : i32
    %mul3A_4 = arith.muli %arg1, %mul3A_3 : i32
    %add3A = arith.constant 0 : i32
    %add3A_5 = arith.addi %mul3A_4, %add3A : i32
    %dma_start3A = arith.constant 0 : i32
    %dma_start3A_6 = arith.constant 0 : i32
    %dma_start3A_7 = tpu.memref_slice %arg6[%dma_start3A, %dma_start3A_6] : memref<8x80xi32, #tpu.memory_space<vmem>> -> memref<1x80xi32, #tpu.memory_space<vmem>>
    %dma_start3A_8 = tpu.memref_squeeze %dma_start3A_7 : memref<1x80xi32, #tpu.memory_space<vmem>> -> memref<80xi32, #tpu.memory_space<vmem>>
    %dma_start3A_9 = arith.constant 0 : i32
    %dma_start3A_10 = tpu.memref_slice %arg2[%add3A_5, %dma_start3A_9] : memref<2000x80xi32, #tpu.memory_space<hbm>> -> memref<1x80xi32, #tpu.memory_space<hbm>>
    %dma_start3A_11 = tpu.memref_squeeze %dma_start3A_10 : memref<1x80xi32, #tpu.memory_space<hbm>> -> memref<80xi32, #tpu.memory_space<hbm>>
    %dma_start3A_12 = arith.constant 0 : i32
    %dma_start3A_13 = tpu.memref_slice %arg6[%dma_start3A, %dma_start3A_12] : memref<8x80xi32, #tpu.memory_space<vmem>> -> memref<1x80xi32, #tpu.memory_space<vmem>>
    %dma_start3A_14 = tpu.memref_squeeze %dma_start3A_13 : memref<1x80xi32, #tpu.memory_space<vmem>> -> memref<80xi32, #tpu.memory_space<vmem>>
    %dma_start3A_15 = arith.constant 0 : i32
    %dma_start3A_16 = tpu.memref_slice %arg2[%add3A_5, %dma_start3A_15] : memref<2000x80xi32, #tpu.memory_space<hbm>> -> memref<1x80xi32, #tpu.memory_space<hbm>>
    %dma_start3A_17 = tpu.memref_squeeze %dma_start3A_16 : memref<1x80xi32, #tpu.memory_space<hbm>> -> memref<80xi32, #tpu.memory_space<hbm>>
    tpu.enqueue_dma source(%dma_start3A_17 : memref<80xi32, #tpu.memory_space<hbm>>) target(%dma_start3A_14 : memref<80xi32, #tpu.memory_space<vmem>>) target_semaphore(%arg13 : memref<!tpu.dma_semaphore, #tpu.memory_space<semaphore_mem>>)
    %add3A_18 = arith.constant 1 : i32
    %add3A_19 = arith.addi %mul3A_4, %add3A_18 : i32
    %dma_start3A_20 = arith.constant 1 : i32
    %dma_start3A_21 = arith.constant 0 : i32
    %dma_start3A_22 = tpu.memref_slice %arg6[%dma_start3A_20, %dma_start3A_21] : memref<8x80xi32, #tpu.memory_space<vmem>> -> memref<1x80xi32, #tpu.memory_space<vmem>>
    %dma_start3A_23 = tpu.memref_squeeze %dma_start3A_22 : memref<1x80xi32, #tpu.memory_space<vmem>> -> memref<80xi32, #tpu.memory_space<vmem>>
    %dma_start3A_24 = arith.constant 0 : i32
    %dma_start3A_25 = tpu.memref_slice %arg2[%add3A_19, %dma_start3A_24] : memref<2000x80xi32, #tpu.memory_space<hbm>> -> memref<1x80xi32, #tpu.memory_space<hbm>>
    %dma_start3A_26 = tpu.memref_squeeze %dma_start3A_25 : memref<1x80xi32, #tpu.memory_space<hbm>> -> memref<80xi32, #tpu.memory_space<hbm>>
    %dma_start3A_27 = arith.constant 0 : i32
    %dma_start3A_28 = tpu.memref_slice %arg6[%dma_start3A_20, %dma_start3A_27] : memref<8x80xi32, #tpu.memory_space<vmem>> -> memref<1x80xi32, #tpu.memory_space<vmem>>
    %dma_start3A_29 = tpu.memref_squeeze %dma_start3A_28 : memref<1x80xi32, #tpu.memory_space<vmem>> -> memref<80xi32, #tpu.memory_space<vmem>>
    %dma_start3A_30 = arith.constant 0 : i32
    %dma_start3A_31 = tpu.memref_slice %arg2[%add3A_19, %dma_start3A_30] : memref<2000x80xi32, #tpu.memory_space<hbm>> -> memref<1x80xi32, #tpu.memory_space<hbm>>
    %dma_start3A_32 = tpu.memref_squeeze %dma_start3A_31 : memref<1x80xi32, #tpu.memory_space<hbm>> -> memref<80xi32, #tpu.memory_space<hbm>>
    tpu.enqueue_dma source(%dma_start3A_32 : memref<80xi32, #tpu.memory_space<hbm>>) target(%dma_start3A_29 : memref<80xi32, #tpu.memory_space<vmem>>) target_semaphore(%arg14 : memref<!tpu.dma_semaphore, #tpu.memory_space<semaphore_mem>>)
    %add3A_33 = arith.constant 2 : i32
    %add3A_34 = arith.addi %mul3A_4, %add3A_33 : i32
    %dma_start3A_35 = arith.constant 2 : i32
    %dma_start3A_36 = arith.constant 0 : i32
    %dma_start3A_37 = tpu.memref_slice %arg6[%dma_start3A_35, %dma_start3A_36] : memref<8x80xi32, #tpu.memory_space<vmem>> -> memref<1x80xi32, #tpu.memory_space<vmem>>
    %dma_start3A_38 = tpu.memref_squeeze %dma_start3A_37 : memref<1x80xi32, #tpu.memory_space<vmem>> -> memref<80xi32, #tpu.memory_space<vmem>>
    %dma_start3A_39 = arith.constant 0 : i32
    %dma_start3A_40 = tpu.memref_slice %arg2[%add3A_34, %dma_start3A_39] : memref<2000x80xi32, #tpu.memory_space<hbm>> -> memref<1x80xi32, #tpu.memory_space<hbm>>
    %dma_start3A_41 = tpu.memref_squeeze %dma_start3A_40 : memref<1x80xi32, #tpu.memory_space<hbm>> -> memref<80xi32, #tpu.memory_space<hbm>>
    %dma_start3A_42 = arith.constant 0 : i32
    %dma_start3A_43 = tpu.memref_slice %arg6[%dma_start3A_35, %dma_start3A_42] : memref<8x80xi32, #tpu.memory_space<vmem>> -> memref<1x80xi32, #tpu.memory_space<vmem>>
    %dma_start3A_44 = tpu.memref_squeeze %dma_start3A_43 : memref<1x80xi32, #tpu.memory_space<vmem>> -> memref<80xi32, #tpu.memory_space<vmem>>
    %dma_start3A_45 = arith.constant 0 : i32
    %dma_start3A_46 = tpu.memref_slice %arg2[%add3A_34, %dma_start3A_45] : memref<2000x80xi32, #tpu.memory_space<hbm>> -> memref<1x80xi32, #tpu.memory_space<hbm>>
    %dma_start3A_47 = tpu.memref_squeeze %dma_start3A_46 : memref<1x80xi32, #tpu.memory_space<hbm>> -> memref<80xi32, #tpu.memory_space<hbm>>
    tpu.enqueue_dma source(%dma_start3A_47 : memref<80xi32, #tpu.memory_space<hbm>>) target(%dma_start3A_44 : memref<80xi32, #tpu.memory_space<vmem>>) target_semaphore(%arg15 : memref<!tpu.dma_semaphore, #tpu.memory_space<semaphore_mem>>)
    %add3A_48 = arith.constant 3 : i32
    %add3A_49 = arith.addi %mul3A_4, %add3A_48 : i32
    %dma_start3A_50 = arith.constant 3 : i32
    %dma_start3A_51 = arith.constant 0 : i32
    %dma_start3A_52 = tpu.memref_slice %arg6[%dma_start3A_50, %dma_start3A_51] : memref<8x80xi32, #tpu.memory_space<vmem>> -> memref<1x80xi32, #tpu.memory_space<vmem>>
    %dma_start3A_53 = tpu.memref_squeeze %dma_start3A_52 : memref<1x80xi32, #tpu.memory_space<vmem>> -> memref<80xi32, #tpu.memory_space<vmem>>
    %dma_start3A_54 = arith.constant 0 : i32
    %dma_start3A_55 = tpu.memref_slice %arg2[%add3A_49, %dma_start3A_54] : memref<2000x80xi32, #tpu.memory_space<hbm>> -> memref<1x80xi32, #tpu.memory_space<hbm>>
    %dma_start3A_56 = tpu.memref_squeeze %dma_start3A_55 : memref<1x80xi32, #tpu.memory_space<hbm>> -> memref<80xi32, #tpu.memory_space<hbm>>
    %dma_start3A_57 = arith.constant 0 : i32
    %dma_start3A_58 = tpu.memref_slice %arg6[%dma_start3A_50, %dma_start3A_57] : memref<8x80xi32, #tpu.memory_space<vmem>> -> memref<1x80xi32, #tpu.memory_space<vmem>>
    %dma_start3A_59 = tpu.memref_squeeze %dma_start3A_58 : memref<1x80xi32, #tpu.memory_space<vmem>> -> memref<80xi32, #tpu.memory_space<vmem>>
    %dma_start3A_60 = arith.constant 0 : i32
    %dma_start3A_61 = tpu.memref_slice %arg2[%add3A_49, %dma_start3A_60] : memref<2000x80xi32, #tpu.memory_space<hbm>> -> memref<1x80xi32, #tpu.memory_space<hbm>>
    %dma_start3A_62 = tpu.memref_squeeze %dma_start3A_61 : memref<1x80xi32, #tpu.memory_space<hbm>> -> memref<80xi32, #tpu.memory_space<hbm>>
    tpu.enqueue_dma source(%dma_start3A_62 : memref<80xi32, #tpu.memory_space<hbm>>) target(%dma_start3A_59 : memref<80xi32, #tpu.memory_space<vmem>>) target_semaphore(%arg16 : memref<!tpu.dma_semaphore, #tpu.memory_space<semaphore_mem>>)
    %add3A_63 = arith.constant 4 : i32
    %add3A_64 = arith.addi %mul3A_4, %add3A_63 : i32
    %dma_start3A_65 = arith.constant 4 : i32
    %dma_start3A_66 = arith.constant 0 : i32
    %dma_start3A_67 = tpu.memref_slice %arg6[%dma_start3A_65, %dma_start3A_66] : memref<8x80xi32, #tpu.memory_space<vmem>> -> memref<1x80xi32, #tpu.memory_space<vmem>>
    %dma_start3A_68 = tpu.memref_squeeze %dma_start3A_67 : memref<1x80xi32, #tpu.memory_space<vmem>> -> memref<80xi32, #tpu.memory_space<vmem>>
    %dma_start3A_69 = arith.constant 0 : i32
    %dma_start3A_70 = tpu.memref_slice %arg2[%add3A_64, %dma_start3A_69] : memref<2000x80xi32, #tpu.memory_space<hbm>> -> memref<1x80xi32, #tpu.memory_space<hbm>>
    %dma_start3A_71 = tpu.memref_squeeze %dma_start3A_70 : memref<1x80xi32, #tpu.memory_space<hbm>> -> memref<80xi32, #tpu.memory_space<hbm>>
    %dma_start3A_72 = arith.constant 0 : i32
    %dma_start3A_73 = tpu.memref_slice %arg6[%dma_start3A_65, %dma_start3A_72] : memref<8x80xi32, #tpu.memory_space<vmem>> -> memref<1x80xi32, #tpu.memory_space<vmem>>
    %dma_start3A_74 = tpu.memref_squeeze %dma_start3A_73 : memref<1x80xi32, #tpu.memory_space<vmem>> -> memref<80xi32, #tpu.memory_space<vmem>>
    %dma_start3A_75 = arith.constant 0 : i32
    %dma_start3A_76 = tpu.memref_slice %arg2[%add3A_64, %dma_start3A_75] : memref<2000x80xi32, #tpu.memory_space<hbm>> -> memref<1x80xi32, #tpu.memory_space<hbm>>
    %dma_start3A_77 = tpu.memref_squeeze %dma_start3A_76 : memref<1x80xi32, #tpu.memory_space<hbm>> -> memref<80xi32, #tpu.memory_space<hbm>>
    tpu.enqueue_dma source(%dma_start3A_77 : memref<80xi32, #tpu.memory_space<hbm>>) target(%dma_start3A_74 : memref<80xi32, #tpu.memory_space<vmem>>) target_semaphore(%arg17 : memref<!tpu.dma_semaphore, #tpu.memory_space<semaphore_mem>>)
    %add3A_78 = arith.constant 5 : i32
    %add3A_79 = arith.addi %mul3A_4, %add3A_78 : i32
    %dma_start3A_80 = arith.constant 5 : i32
    %dma_start3A_81 = arith.constant 0 : i32
    %dma_start3A_82 = tpu.memref_slice %arg6[%dma_start3A_80, %dma_start3A_81] : memref<8x80xi32, #tpu.memory_space<vmem>> -> memref<1x80xi32, #tpu.memory_space<vmem>>
    %dma_start3A_83 = tpu.memref_squeeze %dma_start3A_82 : memref<1x80xi32, #tpu.memory_space<vmem>> -> memref<80xi32, #tpu.memory_space<vmem>>
    %dma_start3A_84 = arith.constant 0 : i32
    %dma_start3A_85 = tpu.memref_slice %arg2[%add3A_79, %dma_start3A_84] : memref<2000x80xi32, #tpu.memory_space<hbm>> -> memref<1x80xi32, #tpu.memory_space<hbm>>
    %dma_start3A_86 = tpu.memref_squeeze %dma_start3A_85 : memref<1x80xi32, #tpu.memory_space<hbm>> -> memref<80xi32, #tpu.memory_space<hbm>>
    %dma_start3A_87 = arith.constant 0 : i32
    %dma_start3A_88 = tpu.memref_slice %arg6[%dma_start3A_80, %dma_start3A_87] : memref<8x80xi32, #tpu.memory_space<vmem>> -> memref<1x80xi32, #tpu.memory_space<vmem>>
    %dma_start3A_89 = tpu.memref_squeeze %dma_start3A_88 : memref<1x80xi32, #tpu.memory_space<vmem>> -> memref<80xi32, #tpu.memory_space<vmem>>
    %dma_start3A_90 = arith.constant 0 : i32
    %dma_start3A_91 = tpu.memref_slice %arg2[%add3A_79, %dma_start3A_90] : memref<2000x80xi32, #tpu.memory_space<hbm>> -> memref<1x80xi32, #tpu.memory_space<hbm>>
    %dma_start3A_92 = tpu.memref_squeeze %dma_start3A_91 : memref<1x80xi32, #tpu.memory_space<hbm>> -> memref<80xi32, #tpu.memory_space<hbm>>
    tpu.enqueue_dma source(%dma_start3A_92 : memref<80xi32, #tpu.memory_space<hbm>>) target(%dma_start3A_89 : memref<80xi32, #tpu.memory_space<vmem>>) target_semaphore(%arg18 : memref<!tpu.dma_semaphore, #tpu.memory_space<semaphore_mem>>)
    %add3A_93 = arith.constant 6 : i32
    %add3A_94 = arith.addi %mul3A_4, %add3A_93 : i32
    %dma_start3A_95 = arith.constant 6 : i32
    %dma_start3A_96 = arith.constant 0 : i32
    %dma_start3A_97 = tpu.memref_slice %arg6[%dma_start3A_95, %dma_start3A_96] : memref<8x80xi32, #tpu.memory_space<vmem>> -> memref<1x80xi32, #tpu.memory_space<vmem>>
    %dma_start3A_98 = tpu.memref_squeeze %dma_start3A_97 : memref<1x80xi32, #tpu.memory_space<vmem>> -> memref<80xi32, #tpu.memory_space<vmem>>
    %dma_start3A_99 = arith.constant 0 : i32
    %dma_start3A_100 = tpu.memref_slice %arg2[%add3A_94, %dma_start3A_99] : memref<2000x80xi32, #tpu.memory_space<hbm>> -> memref<1x80xi32, #tpu.memory_space<hbm>>
    %dma_start3A_101 = tpu.memref_squeeze %dma_start3A_100 : memref<1x80xi32, #tpu.memory_space<hbm>> -> memref<80xi32, #tpu.memory_space<hbm>>
    %dma_start3A_102 = arith.constant 0 : i32
    %dma_start3A_103 = tpu.memref_slice %arg6[%dma_start3A_95, %dma_start3A_102] : memref<8x80xi32, #tpu.memory_space<vmem>> -> memref<1x80xi32, #tpu.memory_space<vmem>>
    %dma_start3A_104 = tpu.memref_squeeze %dma_start3A_103 : memref<1x80xi32, #tpu.memory_space<vmem>> -> memref<80xi32, #tpu.memory_space<vmem>>
    %dma_start3A_105 = arith.constant 0 : i32
    %dma_start3A_106 = tpu.memref_slice %arg2[%add3A_94, %dma_start3A_105] : memref<2000x80xi32, #tpu.memory_space<hbm>> -> memref<1x80xi32, #tpu.memory_space<hbm>>
    %dma_start3A_107 = tpu.memref_squeeze %dma_start3A_106 : memref<1x80xi32, #tpu.memory_space<hbm>> -> memref<80xi32, #tpu.memory_space<hbm>>
    tpu.enqueue_dma source(%dma_start3A_107 : memref<80xi32, #tpu.memory_space<hbm>>) target(%dma_start3A_104 : memref<80xi32, #tpu.memory_space<vmem>>) target_semaphore(%arg19 : memref<!tpu.dma_semaphore, #tpu.memory_space<semaphore_mem>>)
    %add3A_108 = arith.constant 7 : i32
    %add3A_109 = arith.addi %mul3A_4, %add3A_108 : i32
    %dma_start3A_110 = arith.constant 7 : i32
    %dma_start3A_111 = arith.constant 0 : i32
    %dma_start3A_112 = tpu.memref_slice %arg6[%dma_start3A_110, %dma_start3A_111] : memref<8x80xi32, #tpu.memory_space<vmem>> -> memref<1x80xi32, #tpu.memory_space<vmem>>
    %dma_start3A_113 = tpu.memref_squeeze %dma_start3A_112 : memref<1x80xi32, #tpu.memory_space<vmem>> -> memref<80xi32, #tpu.memory_space<vmem>>
    %dma_start3A_114 = arith.constant 0 : i32
    %dma_start3A_115 = tpu.memref_slice %arg2[%add3A_109, %dma_start3A_114] : memref<2000x80xi32, #tpu.memory_space<hbm>> -> memref<1x80xi32, #tpu.memory_space<hbm>>
    %dma_start3A_116 = tpu.memref_squeeze %dma_start3A_115 : memref<1x80xi32, #tpu.memory_space<hbm>> -> memref<80xi32, #tpu.memory_space<hbm>>
    %dma_start3A_117 = arith.constant 0 : i32
    %dma_start3A_118 = tpu.memref_slice %arg6[%dma_start3A_110, %dma_start3A_117] : memref<8x80xi32, #tpu.memory_space<vmem>> -> memref<1x80xi32, #tpu.memory_space<vmem>>
    %dma_start3A_119 = tpu.memref_squeeze %dma_start3A_118 : memref<1x80xi32, #tpu.memory_space<vmem>> -> memref<80xi32, #tpu.memory_space<vmem>>
    %dma_start3A_120 = arith.constant 0 : i32
    %dma_start3A_121 = tpu.memref_slice %arg2[%add3A_109, %dma_start3A_120] : memref<2000x80xi32, #tpu.memory_space<hbm>> -> memref<1x80xi32, #tpu.memory_space<hbm>>
    %dma_start3A_122 = tpu.memref_squeeze %dma_start3A_121 : memref<1x80xi32, #tpu.memory_space<hbm>> -> memref<80xi32, #tpu.memory_space<hbm>>
    tpu.enqueue_dma source(%dma_start3A_122 : memref<80xi32, #tpu.memory_space<hbm>>) target(%dma_start3A_119 : memref<80xi32, #tpu.memory_space<vmem>>) target_semaphore(%arg20 : memref<!tpu.dma_semaphore, #tpu.memory_space<semaphore_mem>>)
    %add3A_123 = arith.constant 0 : i32
    %add3A_124 = arith.addi %mul3A_4, %add3A_123 : i32
    %dma_start3A_125 = arith.constant 0 : i32
    %dma_start3A_126 = arith.constant 0 : i32
    %dma_start3A_127 = tpu.memref_slice %arg7[%dma_start3A_125, %dma_start3A_126] : memref<4x80xi32, #tpu.memory_space<vmem>> -> memref<1x80xi32, #tpu.memory_space<vmem>>
    %dma_start3A_128 = tpu.memref_squeeze %dma_start3A_127 : memref<1x80xi32, #tpu.memory_space<vmem>> -> memref<80xi32, #tpu.memory_space<vmem>>
    %dma_start3A_129 = arith.constant 0 : i32
    %dma_start3A_130 = tpu.memref_slice %arg3[%add3A_124, %dma_start3A_129] : memref<2000x80xi32, #tpu.memory_space<hbm>> -> memref<1x80xi32, #tpu.memory_space<hbm>>
    %dma_start3A_131 = tpu.memref_squeeze %dma_start3A_130 : memref<1x80xi32, #tpu.memory_space<hbm>> -> memref<80xi32, #tpu.memory_space<hbm>>
    %dma_start3A_132 = arith.constant 0 : i32
    %dma_start3A_133 = tpu.memref_slice %arg7[%dma_start3A_125, %dma_start3A_132] : memref<4x80xi32, #tpu.memory_space<vmem>> -> memref<1x80xi32, #tpu.memory_space<vmem>>
    %dma_start3A_134 = tpu.memref_squeeze %dma_start3A_133 : memref<1x80xi32, #tpu.memory_space<vmem>> -> memref<80xi32, #tpu.memory_space<vmem>>
    %dma_start3A_135 = arith.constant 0 : i32
    %dma_start3A_136 = tpu.memref_slice %arg3[%add3A_124, %dma_start3A_135] : memref<2000x80xi32, #tpu.memory_space<hbm>> -> memref<1x80xi32, #tpu.memory_space<hbm>>
    %dma_start3A_137 = tpu.memref_squeeze %dma_start3A_136 : memref<1x80xi32, #tpu.memory_space<hbm>> -> memref<80xi32, #tpu.memory_space<hbm>>
    tpu.enqueue_dma source(%dma_start3A_137 : memref<80xi32, #tpu.memory_space<hbm>>) target(%dma_start3A_134 : memref<80xi32, #tpu.memory_space<vmem>>) target_semaphore(%arg21 : memref<!tpu.dma_semaphore, #tpu.memory_space<semaphore_mem>>)
    %add3A_138 = arith.constant 1 : i32
    %add3A_139 = arith.addi %mul3A_4, %add3A_138 : i32
    %dma_start3A_140 = arith.constant 1 : i32
    %dma_start3A_141 = arith.constant 0 : i32
    %dma_start3A_142 = tpu.memref_slice %arg7[%dma_start3A_140, %dma_start3A_141] : memref<4x80xi32, #tpu.memory_space<vmem>> -> memref<1x80xi32, #tpu.memory_space<vmem>>
    %dma_start3A_143 = tpu.memref_squeeze %dma_start3A_142 : memref<1x80xi32, #tpu.memory_space<vmem>> -> memref<80xi32, #tpu.memory_space<vmem>>
    %dma_start3A_144 = arith.constant 0 : i32
    %dma_start3A_145 = tpu.memref_slice %arg3[%add3A_139, %dma_start3A_144] : memref<2000x80xi32, #tpu.memory_space<hbm>> -> memref<1x80xi32, #tpu.memory_space<hbm>>
    %dma_start3A_146 = tpu.memref_squeeze %dma_start3A_145 : memref<1x80xi32, #tpu.memory_space<hbm>> -> memref<80xi32, #tpu.memory_space<hbm>>
    %dma_start3A_147 = arith.constant 0 : i32
    %dma_start3A_148 = tpu.memref_slice %arg7[%dma_start3A_140, %dma_start3A_147] : memref<4x80xi32, #tpu.memory_space<vmem>> -> memref<1x80xi32, #tpu.memory_space<vmem>>
    %dma_start3A_149 = tpu.memref_squeeze %dma_start3A_148 : memref<1x80xi32, #tpu.memory_space<vmem>> -> memref<80xi32, #tpu.memory_space<vmem>>
    %dma_start3A_150 = arith.constant 0 : i32
    %dma_start3A_151 = tpu.memref_slice %arg3[%add3A_139, %dma_start3A_150] : memref<2000x80xi32, #tpu.memory_space<hbm>> -> memref<1x80xi32, #tpu.memory_space<hbm>>
    %dma_start3A_152 = tpu.memref_squeeze %dma_start3A_151 : memref<1x80xi32, #tpu.memory_space<hbm>> -> memref<80xi32, #tpu.memory_space<hbm>>
    tpu.enqueue_dma source(%dma_start3A_152 : memref<80xi32, #tpu.memory_space<hbm>>) target(%dma_start3A_149 : memref<80xi32, #tpu.memory_space<vmem>>) target_semaphore(%arg22 : memref<!tpu.dma_semaphore, #tpu.memory_space<semaphore_mem>>)
    %add3A_153 = arith.constant 2 : i32
    %add3A_154 = arith.addi %mul3A_4, %add3A_153 : i32
    %dma_start3A_155 = arith.constant 2 : i32
    %dma_start3A_156 = arith.constant 0 : i32
    %dma_start3A_157 = tpu.memref_slice %arg7[%dma_start3A_155, %dma_start3A_156] : memref<4x80xi32, #tpu.memory_space<vmem>> -> memref<1x80xi32, #tpu.memory_space<vmem>>
    %dma_start3A_158 = tpu.memref_squeeze %dma_start3A_157 : memref<1x80xi32, #tpu.memory_space<vmem>> -> memref<80xi32, #tpu.memory_space<vmem>>
    %dma_start3A_159 = arith.constant 0 : i32
    %dma_start3A_160 = tpu.memref_slice %arg3[%add3A_154, %dma_start3A_159] : memref<2000x80xi32, #tpu.memory_space<hbm>> -> memref<1x80xi32, #tpu.memory_space<hbm>>
    %dma_start3A_161 = tpu.memref_squeeze %dma_start3A_160 : memref<1x80xi32, #tpu.memory_space<hbm>> -> memref<80xi32, #tpu.memory_space<hbm>>
    %dma_start3A_162 = arith.constant 0 : i32
    %dma_start3A_163 = tpu.memref_slice %arg7[%dma_start3A_155, %dma_start3A_162] : memref<4x80xi32, #tpu.memory_space<vmem>> -> memref<1x80xi32, #tpu.memory_space<vmem>>
    %dma_start3A_164 = tpu.memref_squeeze %dma_start3A_163 : memref<1x80xi32, #tpu.memory_space<vmem>> -> memref<80xi32, #tpu.memory_space<vmem>>
    %dma_start3A_165 = arith.constant 0 : i32
    %dma_start3A_166 = tpu.memref_slice %arg3[%add3A_154, %dma_start3A_165] : memref<2000x80xi32, #tpu.memory_space<hbm>> -> memref<1x80xi32, #tpu.memory_space<hbm>>
    %dma_start3A_167 = tpu.memref_squeeze %dma_start3A_166 : memref<1x80xi32, #tpu.memory_space<hbm>> -> memref<80xi32, #tpu.memory_space<hbm>>
    tpu.enqueue_dma source(%dma_start3A_167 : memref<80xi32, #tpu.memory_space<hbm>>) target(%dma_start3A_164 : memref<80xi32, #tpu.memory_space<vmem>>) target_semaphore(%arg23 : memref<!tpu.dma_semaphore, #tpu.memory_space<semaphore_mem>>)
    %add3A_168 = arith.constant 3 : i32
    %add3A_169 = arith.addi %mul3A_4, %add3A_168 : i32
    %dma_start3A_170 = arith.constant 3 : i32
    %dma_start3A_171 = arith.constant 0 : i32
    %dma_start3A_172 = tpu.memref_slice %arg7[%dma_start3A_170, %dma_start3A_171] : memref<4x80xi32, #tpu.memory_space<vmem>> -> memref<1x80xi32, #tpu.memory_space<vmem>>
    %dma_start3A_173 = tpu.memref_squeeze %dma_start3A_172 : memref<1x80xi32, #tpu.memory_space<vmem>> -> memref<80xi32, #tpu.memory_space<vmem>>
    %dma_start3A_174 = arith.constant 0 : i32
    %dma_start3A_175 = tpu.memref_slice %arg3[%add3A_169, %dma_start3A_174] : memref<2000x80xi32, #tpu.memory_space<hbm>> -> memref<1x80xi32, #tpu.memory_space<hbm>>
    %dma_start3A_176 = tpu.memref_squeeze %dma_start3A_175 : memref<1x80xi32, #tpu.memory_space<hbm>> -> memref<80xi32, #tpu.memory_space<hbm>>
    %dma_start3A_177 = arith.constant 0 : i32
    %dma_start3A_178 = tpu.memref_slice %arg7[%dma_start3A_170, %dma_start3A_177] : memref<4x80xi32, #tpu.memory_space<vmem>> -> memref<1x80xi32, #tpu.memory_space<vmem>>
    %dma_start3A_179 = tpu.memref_squeeze %dma_start3A_178 : memref<1x80xi32, #tpu.memory_space<vmem>> -> memref<80xi32, #tpu.memory_space<vmem>>
    %dma_start3A_180 = arith.constant 0 : i32
    %dma_start3A_181 = tpu.memref_slice %arg3[%add3A_169, %dma_start3A_180] : memref<2000x80xi32, #tpu.memory_space<hbm>> -> memref<1x80xi32, #tpu.memory_space<hbm>>
    %dma_start3A_182 = tpu.memref_squeeze %dma_start3A_181 : memref<1x80xi32, #tpu.memory_space<hbm>> -> memref<80xi32, #tpu.memory_space<hbm>>
    tpu.enqueue_dma source(%dma_start3A_182 : memref<80xi32, #tpu.memory_space<hbm>>) target(%dma_start3A_179 : memref<80xi32, #tpu.memory_space<vmem>>) target_semaphore(%arg24 : memref<!tpu.dma_semaphore, #tpu.memory_space<semaphore_mem>>)
    %add3A_183 = arith.constant 0 : i32
    %add3A_184 = arith.addi %mul3A_4, %add3A_183 : i32
    %dma_wait3A = arith.constant 0 : i32
    %dma_wait3A_185 = arith.constant 0 : i32
    %dma_wait3A_186 = tpu.memref_slice %arg6[%dma_wait3A, %dma_wait3A_185] : memref<8x80xi32, #tpu.memory_space<vmem>> -> memref<1x80xi32, #tpu.memory_space<vmem>>
    %dma_wait3A_187 = tpu.memref_squeeze %dma_wait3A_186 : memref<1x80xi32, #tpu.memory_space<vmem>> -> memref<80xi32, #tpu.memory_space<vmem>>
    %dma_wait3A_188 = arith.constant 0 : i32
    %dma_wait3A_189 = tpu.memref_slice %arg2[%add3A_184, %dma_wait3A_188] : memref<2000x80xi32, #tpu.memory_space<hbm>> -> memref<1x80xi32, #tpu.memory_space<hbm>>
    %dma_wait3A_190 = tpu.memref_squeeze %dma_wait3A_189 : memref<1x80xi32, #tpu.memory_space<hbm>> -> memref<80xi32, #tpu.memory_space<hbm>>
    %dma_wait3A_191 = arith.constant 0 : i32
    %dma_wait3A_192 = tpu.memref_slice %arg6[%dma_wait3A, %dma_wait3A_191] : memref<8x80xi32, #tpu.memory_space<vmem>> -> memref<1x80xi32, #tpu.memory_space<vmem>>
    %dma_wait3A_193 = tpu.memref_squeeze %dma_wait3A_192 : memref<1x80xi32, #tpu.memory_space<vmem>> -> memref<80xi32, #tpu.memory_space<vmem>>
    %dma_wait3A_194 = arith.constant 0 : i32
    %dma_wait3A_195 = tpu.memref_slice %arg2[%add3A_184, %dma_wait3A_194] : memref<2000x80xi32, #tpu.memory_space<hbm>> -> memref<1x80xi32, #tpu.memory_space<hbm>>
    %dma_wait3A_196 = tpu.memref_squeeze %dma_wait3A_195 : memref<1x80xi32, #tpu.memory_space<hbm>> -> memref<80xi32, #tpu.memory_space<hbm>>
    tpu.wait_dma2 semaphore(%arg13 : memref<!tpu.dma_semaphore, #tpu.memory_space<semaphore_mem>>) src(%dma_wait3A_196 : memref<80xi32, #tpu.memory_space<hbm>>) dst(%dma_wait3A_193 : memref<80xi32, #tpu.memory_space<vmem>>)
    %dma_start3A_197 = arith.constant 0 : i32
    %dma_start3A_198 = arith.constant 0 : i32
    %dma_start3A_199 = tpu.memref_slice %arg6[%dma_start3A_197, %dma_start3A_198] : memref<8x80xi32, #tpu.memory_space<vmem>> -> memref<1x80xi32, #tpu.memory_space<vmem>>
    %dma_start3A_200 = tpu.memref_squeeze %dma_start3A_199 : memref<1x80xi32, #tpu.memory_space<vmem>> -> memref<80xi32, #tpu.memory_space<vmem>>
    %dma_start3A_201 = arith.constant 0 : i32
    %dma_start3A_202 = arith.constant 0 : i32
    %dma_start3A_203 = tpu.memref_slice %arg4[%arg0, %dma_start3A_201, %dma_start3A_202] : memref<2x10240x128xf32, #tpu.memory_space<hbm>> -> memref<1x10240x128xf32, #tpu.memory_space<hbm>>
    %dma_start3A_204 = tpu.memref_squeeze %dma_start3A_203 : memref<1x10240x128xf32, #tpu.memory_space<hbm>> -> memref<10240x128xf32, #tpu.memory_space<hbm>>
    %dma_start3A_205 = arith.constant 0 : i32
    %dma_start3A_206 = arith.constant 0 : i32
    %dma_start3A_207 = tpu.memref_slice %dma_start3A_204[%dma_start3A_205, %dma_start3A_206] : memref<10240x128xf32, #tpu.memory_space<hbm>> -> memref<10240x128xf32, #tpu.memory_space<hbm>>
    tpu.enqueue_indirect_dma source(%dma_start3A_207 : memref<10240x128xf32, #tpu.memory_space<hbm>>) target(%arg8 : memref<80x128xf32, #tpu.memory_space<vmem>>) offsets(%dma_start3A_200 : memref<80xi32, #tpu.memory_space<vmem>>) semaphore(%arg25 : memref<!tpu.dma_semaphore, #tpu.memory_space<semaphore_mem>>)
    %add3A_208 = arith.constant 1 : i32
    %add3A_209 = arith.addi %mul3A_4, %add3A_208 : i32
    %dma_wait3A_210 = arith.constant 1 : i32
    %dma_wait3A_211 = arith.constant 0 : i32
    %dma_wait3A_212 = tpu.memref_slice %arg6[%dma_wait3A_210, %dma_wait3A_211] : memref<8x80xi32, #tpu.memory_space<vmem>> -> memref<1x80xi32, #tpu.memory_space<vmem>>
    %dma_wait3A_213 = tpu.memref_squeeze %dma_wait3A_212 : memref<1x80xi32, #tpu.memory_space<vmem>> -> memref<80xi32, #tpu.memory_space<vmem>>
    %dma_wait3A_214 = arith.constant 0 : i32
    %dma_wait3A_215 = tpu.memref_slice %arg2[%add3A_209, %dma_wait3A_214] : memref<2000x80xi32, #tpu.memory_space<hbm>> -> memref<1x80xi32, #tpu.memory_space<hbm>>
    %dma_wait3A_216 = tpu.memref_squeeze %dma_wait3A_215 : memref<1x80xi32, #tpu.memory_space<hbm>> -> memref<80xi32, #tpu.memory_space<hbm>>
    %dma_wait3A_217 = arith.constant 0 : i32
    %dma_wait3A_218 = tpu.memref_slice %arg6[%dma_wait3A_210, %dma_wait3A_217] : memref<8x80xi32, #tpu.memory_space<vmem>> -> memref<1x80xi32, #tpu.memory_space<vmem>>
    %dma_wait3A_219 = tpu.memref_squeeze %dma_wait3A_218 : memref<1x80xi32, #tpu.memory_space<vmem>> -> memref<80xi32, #tpu.memory_space<vmem>>
    %dma_wait3A_220 = arith.constant 0 : i32
    %dma_wait3A_221 = tpu.memref_slice %arg2[%add3A_209, %dma_wait3A_220] : memref<2000x80xi32, #tpu.memory_space<hbm>> -> memref<1x80xi32, #tpu.memory_space<hbm>>
    %dma_wait3A_222 = tpu.memref_squeeze %dma_wait3A_221 : memref<1x80xi32, #tpu.memory_space<hbm>> -> memref<80xi32, #tpu.memory_space<hbm>>
    tpu.wait_dma2 semaphore(%arg14 : memref<!tpu.dma_semaphore, #tpu.memory_space<semaphore_mem>>) src(%dma_wait3A_222 : memref<80xi32, #tpu.memory_space<hbm>>) dst(%dma_wait3A_219 : memref<80xi32, #tpu.memory_space<vmem>>)
    %dma_start3A_223 = arith.constant 1 : i32
    %dma_start3A_224 = arith.constant 0 : i32
    %dma_start3A_225 = tpu.memref_slice %arg6[%dma_start3A_223, %dma_start3A_224] : memref<8x80xi32, #tpu.memory_space<vmem>> -> memref<1x80xi32, #tpu.memory_space<vmem>>
    %dma_start3A_226 = tpu.memref_squeeze %dma_start3A_225 : memref<1x80xi32, #tpu.memory_space<vmem>> -> memref<80xi32, #tpu.memory_space<vmem>>
    %dma_start3A_227 = arith.constant 0 : i32
    %dma_start3A_228 = arith.constant 0 : i32
    %dma_start3A_229 = tpu.memref_slice %arg4[%arg0, %dma_start3A_227, %dma_start3A_228] : memref<2x10240x128xf32, #tpu.memory_space<hbm>> -> memref<1x10240x128xf32, #tpu.memory_space<hbm>>
    %dma_start3A_230 = tpu.memref_squeeze %dma_start3A_229 : memref<1x10240x128xf32, #tpu.memory_space<hbm>> -> memref<10240x128xf32, #tpu.memory_space<hbm>>
    %dma_start3A_231 = arith.constant 0 : i32
    %dma_start3A_232 = arith.constant 0 : i32
    %dma_start3A_233 = tpu.memref_slice %dma_start3A_230[%dma_start3A_231, %dma_start3A_232] : memref<10240x128xf32, #tpu.memory_space<hbm>> -> memref<10240x128xf32, #tpu.memory_space<hbm>>
    tpu.enqueue_indirect_dma source(%dma_start3A_233 : memref<10240x128xf32, #tpu.memory_space<hbm>>) target(%arg9 : memref<80x128xf32, #tpu.memory_space<vmem>>) offsets(%dma_start3A_226 : memref<80xi32, #tpu.memory_space<vmem>>) semaphore(%arg26 : memref<!tpu.dma_semaphore, #tpu.memory_space<semaphore_mem>>)
    %add3A_234 = arith.constant 2 : i32
    %add3A_235 = arith.addi %mul3A_4, %add3A_234 : i32
    %dma_wait3A_236 = arith.constant 2 : i32
    %dma_wait3A_237 = arith.constant 0 : i32
    %dma_wait3A_238 = tpu.memref_slice %arg6[%dma_wait3A_236, %dma_wait3A_237] : memref<8x80xi32, #tpu.memory_space<vmem>> -> memref<1x80xi32, #tpu.memory_space<vmem>>
    %dma_wait3A_239 = tpu.memref_squeeze %dma_wait3A_238 : memref<1x80xi32, #tpu.memory_space<vmem>> -> memref<80xi32, #tpu.memory_space<vmem>>
    %dma_wait3A_240 = arith.constant 0 : i32
    %dma_wait3A_241 = tpu.memref_slice %arg2[%add3A_235, %dma_wait3A_240] : memref<2000x80xi32, #tpu.memory_space<hbm>> -> memref<1x80xi32, #tpu.memory_space<hbm>>
    %dma_wait3A_242 = tpu.memref_squeeze %dma_wait3A_241 : memref<1x80xi32, #tpu.memory_space<hbm>> -> memref<80xi32, #tpu.memory_space<hbm>>
    %dma_wait3A_243 = arith.constant 0 : i32
    %dma_wait3A_244 = tpu.memref_slice %arg6[%dma_wait3A_236, %dma_wait3A_243] : memref<8x80xi32, #tpu.memory_space<vmem>> -> memref<1x80xi32, #tpu.memory_space<vmem>>
    %dma_wait3A_245 = tpu.memref_squeeze %dma_wait3A_244 : memref<1x80xi32, #tpu.memory_space<vmem>> -> memref<80xi32, #tpu.memory_space<vmem>>
    %dma_wait3A_246 = arith.constant 0 : i32
    %dma_wait3A_247 = tpu.memref_slice %arg2[%add3A_235, %dma_wait3A_246] : memref<2000x80xi32, #tpu.memory_space<hbm>> -> memref<1x80xi32, #tpu.memory_space<hbm>>
    %dma_wait3A_248 = tpu.memref_squeeze %dma_wait3A_247 : memref<1x80xi32, #tpu.memory_space<hbm>> -> memref<80xi32, #tpu.memory_space<hbm>>
    tpu.wait_dma2 semaphore(%arg15 : memref<!tpu.dma_semaphore, #tpu.memory_space<semaphore_mem>>) src(%dma_wait3A_248 : memref<80xi32, #tpu.memory_space<hbm>>) dst(%dma_wait3A_245 : memref<80xi32, #tpu.memory_space<vmem>>)
    %dma_start3A_249 = arith.constant 2 : i32
    %dma_start3A_250 = arith.constant 0 : i32
    %dma_start3A_251 = tpu.memref_slice %arg6[%dma_start3A_249, %dma_start3A_250] : memref<8x80xi32, #tpu.memory_space<vmem>> -> memref<1x80xi32, #tpu.memory_space<vmem>>
    %dma_start3A_252 = tpu.memref_squeeze %dma_start3A_251 : memref<1x80xi32, #tpu.memory_space<vmem>> -> memref<80xi32, #tpu.memory_space<vmem>>
    %dma_start3A_253 = arith.constant 0 : i32
    %dma_start3A_254 = arith.constant 0 : i32
    %dma_start3A_255 = tpu.memref_slice %arg4[%arg0, %dma_start3A_253, %dma_start3A_254] : memref<2x10240x128xf32, #tpu.memory_space<hbm>> -> memref<1x10240x128xf32, #tpu.memory_space<hbm>>
    %dma_start3A_256 = tpu.memref_squeeze %dma_start3A_255 : memref<1x10240x128xf32, #tpu.memory_space<hbm>> -> memref<10240x128xf32, #tpu.memory_space<hbm>>
    %dma_start3A_257 = arith.constant 0 : i32
    %dma_start3A_258 = arith.constant 0 : i32
    %dma_start3A_259 = tpu.memref_slice %dma_start3A_256[%dma_start3A_257, %dma_start3A_258] : memref<10240x128xf32, #tpu.memory_space<hbm>> -> memref<10240x128xf32, #tpu.memory_space<hbm>>
    tpu.enqueue_indirect_dma source(%dma_start3A_259 : memref<10240x128xf32, #tpu.memory_space<hbm>>) target(%arg10 : memref<80x128xf32, #tpu.memory_space<vmem>>) offsets(%dma_start3A_252 : memref<80xi32, #tpu.memory_space<vmem>>) semaphore(%arg27 : memref<!tpu.dma_semaphore, #tpu.memory_space<semaphore_mem>>)
    %add3A_260 = arith.constant 3 : i32
    %add3A_261 = arith.addi %mul3A_4, %add3A_260 : i32
    %dma_wait3A_262 = arith.constant 3 : i32
    %dma_wait3A_263 = arith.constant 0 : i32
    %dma_wait3A_264 = tpu.memref_slice %arg6[%dma_wait3A_262, %dma_wait3A_263] : memref<8x80xi32, #tpu.memory_space<vmem>> -> memref<1x80xi32, #tpu.memory_space<vmem>>
    %dma_wait3A_265 = tpu.memref_squeeze %dma_wait3A_264 : memref<1x80xi32, #tpu.memory_space<vmem>> -> memref<80xi32, #tpu.memory_space<vmem>>
    %dma_wait3A_266 = arith.constant 0 : i32
    %dma_wait3A_267 = tpu.memref_slice %arg2[%add3A_261, %dma_wait3A_266] : memref<2000x80xi32, #tpu.memory_space<hbm>> -> memref<1x80xi32, #tpu.memory_space<hbm>>
    %dma_wait3A_268 = tpu.memref_squeeze %dma_wait3A_267 : memref<1x80xi32, #tpu.memory_space<hbm>> -> memref<80xi32, #tpu.memory_space<hbm>>
    %dma_wait3A_269 = arith.constant 0 : i32
    %dma_wait3A_270 = tpu.memref_slice %arg6[%dma_wait3A_262, %dma_wait3A_269] : memref<8x80xi32, #tpu.memory_space<vmem>> -> memref<1x80xi32, #tpu.memory_space<vmem>>
    %dma_wait3A_271 = tpu.memref_squeeze %dma_wait3A_270 : memref<1x80xi32, #tpu.memory_space<vmem>> -> memref<80xi32, #tpu.memory_space<vmem>>
    %dma_wait3A_272 = arith.constant 0 : i32
    %dma_wait3A_273 = tpu.memref_slice %arg2[%add3A_261, %dma_wait3A_272] : memref<2000x80xi32, #tpu.memory_space<hbm>> -> memref<1x80xi32, #tpu.memory_space<hbm>>
    %dma_wait3A_274 = tpu.memref_squeeze %dma_wait3A_273 : memref<1x80xi32, #tpu.memory_space<hbm>> -> memref<80xi32, #tpu.memory_space<hbm>>
    tpu.wait_dma2 semaphore(%arg16 : memref<!tpu.dma_semaphore, #tpu.memory_space<semaphore_mem>>) src(%dma_wait3A_274 : memref<80xi32, #tpu.memory_space<hbm>>) dst(%dma_wait3A_271 : memref<80xi32, #tpu.memory_space<vmem>>)
    %dma_start3A_275 = arith.constant 3 : i32
    %dma_start3A_276 = arith.constant 0 : i32
    %dma_start3A_277 = tpu.memref_slice %arg6[%dma_start3A_275, %dma_start3A_276] : memref<8x80xi32, #tpu.memory_space<vmem>> -> memref<1x80xi32, #tpu.memory_space<vmem>>
    %dma_start3A_278 = tpu.memref_squeeze %dma_start3A_277 : memref<1x80xi32, #tpu.memory_space<vmem>> -> memref<80xi32, #tpu.memory_space<vmem>>
    %dma_start3A_279 = arith.constant 0 : i32
    %dma_start3A_280 = arith.constant 0 : i32
    %dma_start3A_281 = tpu.memref_slice %arg4[%arg0, %dma_start3A_279, %dma_start3A_280] : memref<2x10240x128xf32, #tpu.memory_space<hbm>> -> memref<1x10240x128xf32, #tpu.memory_space<hbm>>
    %dma_start3A_282 = tpu.memref_squeeze %dma_start3A_281 : memref<1x10240x128xf32, #tpu.memory_space<hbm>> -> memref<10240x128xf32, #tpu.memory_space<hbm>>
    %dma_start3A_283 = arith.constant 0 : i32
    %dma_start3A_284 = arith.constant 0 : i32
    %dma_start3A_285 = tpu.memref_slice %dma_start3A_282[%dma_start3A_283, %dma_start3A_284] : memref<10240x128xf32, #tpu.memory_space<hbm>> -> memref<10240x128xf32, #tpu.memory_space<hbm>>
    tpu.enqueue_indirect_dma source(%dma_start3A_285 : memref<10240x128xf32, #tpu.memory_space<hbm>>) target(%arg11 : memref<80x128xf32, #tpu.memory_space<vmem>>) offsets(%dma_start3A_278 : memref<80xi32, #tpu.memory_space<vmem>>) semaphore(%arg28 : memref<!tpu.dma_semaphore, #tpu.memory_space<semaphore_mem>>)
    %scan3A = arith.constant 0 : i32
    %scan3A_286 = arith.constant 0 : i32
    %scan3A_287 = arith.constant 15 : i32
    %scan3A_288 = arith.addi %scan3A_286, %scan3A_287 : i32
    %scan3A_289 = arith.constant 1 : i32
    scf.for %scan3A_471 = %scan3A_286 to %scan3A_288 step %scan3A_289  : i32 {
      %mul3A_472 = arith.constant 8 : i32
      %mul3A_473 = arith.muli %scan3A_471, %mul3A_472 : i32
      %add3A_474 = arith.constant 0 : i32
      %add3A_475 = arith.addi %mul3A_473, %add3A_474 : i32
      %dma_wait3A_476 = arith.constant 0 : i32
      %dma_wait3A_477 = arith.constant 0 : i32
      %dma_wait3A_478 = tpu.memref_slice %arg6[%dma_wait3A_476, %dma_wait3A_477] : memref<8x80xi32, #tpu.memory_space<vmem>> -> memref<1x80xi32, #tpu.memory_space<vmem>>
      %dma_wait3A_479 = tpu.memref_squeeze %dma_wait3A_478 : memref<1x80xi32, #tpu.memory_space<vmem>> -> memref<80xi32, #tpu.memory_space<vmem>>
      %dma_wait3A_480 = arith.constant 0 : i32
      %dma_wait3A_481 = arith.constant 0 : i32
      %dma_wait3A_482 = tpu.memref_slice %arg4[%arg0, %dma_wait3A_480, %dma_wait3A_481] : memref<2x10240x128xf32, #tpu.memory_space<hbm>> -> memref<1x10240x128xf32, #tpu.memory_space<hbm>>
      %dma_wait3A_483 = tpu.memref_squeeze %dma_wait3A_482 : memref<1x10240x128xf32, #tpu.memory_space<hbm>> -> memref<10240x128xf32, #tpu.memory_space<hbm>>
      %dma_wait3A_484 = arith.constant 0 : i32
      %dma_wait3A_485 = arith.constant 0 : i32
      %dma_wait3A_486 = tpu.memref_slice %dma_wait3A_483[%dma_wait3A_484, %dma_wait3A_485] : memref<10240x128xf32, #tpu.memory_space<hbm>> -> memref<10240x128xf32, #tpu.memory_space<hbm>>
      tpu.wait_indirect_dma semaphore(%arg25 : memref<!tpu.dma_semaphore, #tpu.memory_space<semaphore_mem>>) src(%dma_wait3A_486 : memref<10240x128xf32, #tpu.memory_space<hbm>>) dst(%arg8 : memref<80x128xf32, #tpu.memory_space<vmem>>)
      %add3A_487 = arith.addi %mul3A_4, %add3A_475 : i32
      %dma_wait3A_488 = arith.constant 0 : i32
      %dma_wait3A_489 = arith.constant 0 : i32
      %dma_wait3A_490 = tpu.memref_slice %arg7[%dma_wait3A_488, %dma_wait3A_489] : memref<4x80xi32, #tpu.memory_space<vmem>> -> memref<1x80xi32, #tpu.memory_space<vmem>>
      %dma_wait3A_491 = tpu.memref_squeeze %dma_wait3A_490 : memref<1x80xi32, #tpu.memory_space<vmem>> -> memref<80xi32, #tpu.memory_space<vmem>>
      %dma_wait3A_492 = arith.constant 0 : i32
      %dma_wait3A_493 = tpu.memref_slice %arg3[%add3A_487, %dma_wait3A_492] : memref<2000x80xi32, #tpu.memory_space<hbm>> -> memref<1x80xi32, #tpu.memory_space<hbm>>
      %dma_wait3A_494 = tpu.memref_squeeze %dma_wait3A_493 : memref<1x80xi32, #tpu.memory_space<hbm>> -> memref<80xi32, #tpu.memory_space<hbm>>
      %dma_wait3A_495 = arith.constant 0 : i32
      %dma_wait3A_496 = tpu.memref_slice %arg7[%dma_wait3A_488, %dma_wait3A_495] : memref<4x80xi32, #tpu.memory_space<vmem>> -> memref<1x80xi32, #tpu.memory_space<vmem>>
      %dma_wait3A_497 = tpu.memref_squeeze %dma_wait3A_496 : memref<1x80xi32, #tpu.memory_space<vmem>> -> memref<80xi32, #tpu.memory_space<vmem>>
      %dma_wait3A_498 = arith.constant 0 : i32
      %dma_wait3A_499 = tpu.memref_slice %arg3[%add3A_487, %dma_wait3A_498] : memref<2000x80xi32, #tpu.memory_space<hbm>> -> memref<1x80xi32, #tpu.memory_space<hbm>>
      %dma_wait3A_500 = tpu.memref_squeeze %dma_wait3A_499 : memref<1x80xi32, #tpu.memory_space<hbm>> -> memref<80xi32, #tpu.memory_space<hbm>>
      tpu.wait_dma2 semaphore(%arg21 : memref<!tpu.dma_semaphore, #tpu.memory_space<semaphore_mem>>) src(%dma_wait3A_500 : memref<80xi32, #tpu.memory_space<hbm>>) dst(%dma_wait3A_497 : memref<80xi32, #tpu.memory_space<vmem>>)
      %run_scoped3A_501 = arith.constant 0 : i32
      "tpu.region"() ({
        %run_scoped3A_821 = tpu.sem_alloc : memref<!tpu.dma_semaphore, #tpu.memory_space<semaphore_mem>>
        %dma_start3A_822 = arith.constant 0 : i32
        %dma_start3A_823 = tpu.memref_slice %arg7[%run_scoped3A_501, %dma_start3A_822] : memref<4x80xi32, #tpu.memory_space<vmem>> -> memref<1x80xi32, #tpu.memory_space<vmem>>
        %dma_start3A_824 = tpu.memref_squeeze %dma_start3A_823 : memref<1x80xi32, #tpu.memory_space<vmem>> -> memref<80xi32, #tpu.memory_space<vmem>>
        %dma_start3A_825 = arith.constant 0 : i32
        %dma_start3A_826 = arith.constant 0 : i32
        %dma_start3A_827 = tpu.memref_slice %arg12[%dma_start3A_825, %dma_start3A_826] : memref<10240x128xf32, #tpu.memory_space<vmem_shared>> -> memref<10240x128xf32, #tpu.memory_space<vmem_shared>>
        tpu.enqueue_indirect_dma source(%arg8 : memref<80x128xf32, #tpu.memory_space<vmem>>) target(%dma_start3A_827 : memref<10240x128xf32, #tpu.memory_space<vmem_shared>>) offsets(%dma_start3A_824 : memref<80xi32, #tpu.memory_space<vmem>>) semaphore(%run_scoped3A_821 : memref<!tpu.dma_semaphore, #tpu.memory_space<semaphore_mem>>) {add = true}
        %dma_wait3A_828 = arith.constant 0 : i32
        %dma_wait3A_829 = tpu.memref_slice %arg7[%run_scoped3A_501, %dma_wait3A_828] : memref<4x80xi32, #tpu.memory_space<vmem>> -> memref<1x80xi32, #tpu.memory_space<vmem>>
        %dma_wait3A_830 = tpu.memref_squeeze %dma_wait3A_829 : memref<1x80xi32, #tpu.memory_space<vmem>> -> memref<80xi32, #tpu.memory_space<vmem>>
        %dma_wait3A_831 = arith.constant 0 : i32
        %dma_wait3A_832 = arith.constant 0 : i32
        %dma_wait3A_833 = tpu.memref_slice %arg12[%dma_wait3A_831, %dma_wait3A_832] : memref<10240x128xf32, #tpu.memory_space<vmem_shared>> -> memref<10240x128xf32, #tpu.memory_space<vmem_shared>>
        tpu.wait_indirect_dma semaphore(%run_scoped3A_821 : memref<!tpu.dma_semaphore, #tpu.memory_space<semaphore_mem>>) src(%arg8 : memref<80x128xf32, #tpu.memory_space<vmem>>) dst(%dma_wait3A_833 : memref<10240x128xf32, #tpu.memory_space<vmem_shared>>)
        tpu.yield
      }) : () -> ()
      %add3A_502 = arith.constant 8 : i32
      %add3A_503 = arith.addi %add3A_475, %add3A_502 : i32
      %lt3A = arith.constant 125 : i32
      %lt3A_504 = arith.cmpi slt, %add3A_503, %lt3A : i32
      %convert_element_type3A = arith.extui %lt3A_504 : i1 to i32
      %cond3A = arith.constant 0 : i32
      %cond3A_505 = arith.cmpi ne, %convert_element_type3A, %cond3A : i32
      scf.if %cond3A_505 {
        %add3A_821 = arith.constant 8 : i32
        %add3A_822 = arith.addi %add3A_475, %add3A_821 : i32
        %add3A_823 = arith.addi %mul3A_4, %add3A_822 : i32
        %dma_start3A_824 = arith.constant 0 : i32
        %dma_start3A_825 = arith.constant 0 : i32
        %dma_start3A_826 = tpu.memref_slice %arg6[%dma_start3A_824, %dma_start3A_825] : memref<8x80xi32, #tpu.memory_space<vmem>> -> memref<1x80xi32, #tpu.memory_space<vmem>>
        %dma_start3A_827 = tpu.memref_squeeze %dma_start3A_826 : memref<1x80xi32, #tpu.memory_space<vmem>> -> memref<80xi32, #tpu.memory_space<vmem>>
        %dma_start3A_828 = arith.constant 0 : i32
        %dma_start3A_829 = tpu.memref_slice %arg2[%add3A_823, %dma_start3A_828] : memref<2000x80xi32, #tpu.memory_space<hbm>> -> memref<1x80xi32, #tpu.memory_space<hbm>>
        %dma_start3A_830 = tpu.memref_squeeze %dma_start3A_829 : memref<1x80xi32, #tpu.memory_space<hbm>> -> memref<80xi32, #tpu.memory_space<hbm>>
        %dma_start3A_831 = arith.constant 0 : i32
        %dma_start3A_832 = tpu.memref_slice %arg6[%dma_start3A_824, %dma_start3A_831] : memref<8x80xi32, #tpu.memory_space<vmem>> -> memref<1x80xi32, #tpu.memory_space<vmem>>
        %dma_start3A_833 = tpu.memref_squeeze %dma_start3A_832 : memref<1x80xi32, #tpu.memory_space<vmem>> -> memref<80xi32, #tpu.memory_space<vmem>>
        %dma_start3A_834 = arith.constant 0 : i32
        %dma_start3A_835 = tpu.memref_slice %arg2[%add3A_823, %dma_start3A_834] : memref<2000x80xi32, #tpu.memory_space<hbm>> -> memref<1x80xi32, #tpu.memory_space<hbm>>
        %dma_start3A_836 = tpu.memref_squeeze %dma_start3A_835 : memref<1x80xi32, #tpu.memory_space<hbm>> -> memref<80xi32, #tpu.memory_space<hbm>>
        tpu.enqueue_dma source(%dma_start3A_836 : memref<80xi32, #tpu.memory_space<hbm>>) target(%dma_start3A_833 : memref<80xi32, #tpu.memory_space<vmem>>) target_semaphore(%arg13 : memref<!tpu.dma_semaphore, #tpu.memory_space<semaphore_mem>>)
      } else {
      }
      %add3A_506 = arith.constant 4 : i32
      %add3A_507 = arith.addi %add3A_475, %add3A_506 : i32
      %lt3A_508 = arith.constant 125 : i32
      %lt3A_509 = arith.cmpi slt, %add3A_507, %lt3A_508 : i32
      %convert_element_type3A_510 = arith.extui %lt3A_509 : i1 to i32
      %cond3A_511 = arith.constant 0 : i32
      %cond3A_512 = arith.cmpi ne, %convert_element_type3A_510, %cond3A_511 : i32
      scf.if %cond3A_512 {
        %add3A_821 = arith.constant 4 : i32
        %add3A_822 = arith.addi %add3A_475, %add3A_821 : i32
        %add3A_823 = arith.addi %mul3A_4, %add3A_822 : i32
        %dma_wait3A_824 = arith.constant 4 : i32
        %dma_wait3A_825 = arith.constant 0 : i32
        %dma_wait3A_826 = tpu.memref_slice %arg6[%dma_wait3A_824, %dma_wait3A_825] : memref<8x80xi32, #tpu.memory_space<vmem>> -> memref<1x80xi32, #tpu.memory_space<vmem>>
        %dma_wait3A_827 = tpu.memref_squeeze %dma_wait3A_826 : memref<1x80xi32, #tpu.memory_space<vmem>> -> memref<80xi32, #tpu.memory_space<vmem>>
        %dma_wait3A_828 = arith.constant 0 : i32
        %dma_wait3A_829 = tpu.memref_slice %arg2[%add3A_823, %dma_wait3A_828] : memref<2000x80xi32, #tpu.memory_space<hbm>> -> memref<1x80xi32, #tpu.memory_space<hbm>>
        %dma_wait3A_830 = tpu.memref_squeeze %dma_wait3A_829 : memref<1x80xi32, #tpu.memory_space<hbm>> -> memref<80xi32, #tpu.memory_space<hbm>>
        %dma_wait3A_831 = arith.constant 0 : i32
        %dma_wait3A_832 = tpu.memref_slice %arg6[%dma_wait3A_824, %dma_wait3A_831] : memref<8x80xi32, #tpu.memory_space<vmem>> -> memref<1x80xi32, #tpu.memory_space<vmem>>
        %dma_wait3A_833 = tpu.memref_squeeze %dma_wait3A_832 : memref<1x80xi32, #tpu.memory_space<vmem>> -> memref<80xi32, #tpu.memory_space<vmem>>
        %dma_wait3A_834 = arith.constant 0 : i32
        %dma_wait3A_835 = tpu.memref_slice %arg2[%add3A_823, %dma_wait3A_834] : memref<2000x80xi32, #tpu.memory_space<hbm>> -> memref<1x80xi32, #tpu.memory_space<hbm>>
        %dma_wait3A_836 = tpu.memref_squeeze %dma_wait3A_835 : memref<1x80xi32, #tpu.memory_space<hbm>> -> memref<80xi32, #tpu.memory_space<hbm>>
        tpu.wait_dma2 semaphore(%arg17 : memref<!tpu.dma_semaphore, #tpu.memory_space<semaphore_mem>>) src(%dma_wait3A_836 : memref<80xi32, #tpu.memory_space<hbm>>) dst(%dma_wait3A_833 : memref<80xi32, #tpu.memory_space<vmem>>)
        %add3A_837 = arith.constant 4 : i32
        %add3A_838 = arith.addi %add3A_475, %add3A_837 : i32
        %add3A_839 = arith.addi %mul3A_4, %add3A_838 : i32
        %dma_start3A_840 = arith.constant 0 : i32
        %dma_start3A_841 = arith.constant 0 : i32
        %dma_start3A_842 = tpu.memref_slice %arg7[%dma_start3A_840, %dma_start3A_841] : memref<4x80xi32, #tpu.memory_space<vmem>> -> memref<1x80xi32, #tpu.memory_space<vmem>>
        %dma_start3A_843 = tpu.memref_squeeze %dma_start3A_842 : memref<1x80xi32, #tpu.memory_space<vmem>> -> memref<80xi32, #tpu.memory_space<vmem>>
        %dma_start3A_844 = arith.constant 0 : i32
        %dma_start3A_845 = tpu.memref_slice %arg3[%add3A_839, %dma_start3A_844] : memref<2000x80xi32, #tpu.memory_space<hbm>> -> memref<1x80xi32, #tpu.memory_space<hbm>>
        %dma_start3A_846 = tpu.memref_squeeze %dma_start3A_845 : memref<1x80xi32, #tpu.memory_space<hbm>> -> memref<80xi32, #tpu.memory_space<hbm>>
        %dma_start3A_847 = arith.constant 0 : i32
        %dma_start3A_848 = tpu.memref_slice %arg7[%dma_start3A_840, %dma_start3A_847] : memref<4x80xi32, #tpu.memory_space<vmem>> -> memref<1x80xi32, #tpu.memory_space<vmem>>
        %dma_start3A_849 = tpu.memref_squeeze %dma_start3A_848 : memref<1x80xi32, #tpu.memory_space<vmem>> -> memref<80xi32, #tpu.memory_space<vmem>>
        %dma_start3A_850 = arith.constant 0 : i32
        %dma_start3A_851 = tpu.memref_slice %arg3[%add3A_839, %dma_start3A_850] : memref<2000x80xi32, #tpu.memory_space<hbm>> -> memref<1x80xi32, #tpu.memory_space<hbm>>
        %dma_start3A_852 = tpu.memref_squeeze %dma_start3A_851 : memref<1x80xi32, #tpu.memory_space<hbm>> -> memref<80xi32, #tpu.memory_space<hbm>>
        tpu.enqueue_dma source(%dma_start3A_852 : memref<80xi32, #tpu.memory_space<hbm>>) target(%dma_start3A_849 : memref<80xi32, #tpu.memory_space<vmem>>) target_semaphore(%arg21 : memref<!tpu.dma_semaphore, #tpu.memory_space<semaphore_mem>>)
        %dma_start3A_853 = arith.constant 4 : i32
        %dma_start3A_854 = arith.constant 0 : i32
        %dma_start3A_855 = tpu.memref_slice %arg6[%dma_start3A_853, %dma_start3A_854] : memref<8x80xi32, #tpu.memory_space<vmem>> -> memref<1x80xi32, #tpu.memory_space<vmem>>
        %dma_start3A_856 = tpu.memref_squeeze %dma_start3A_855 : memref<1x80xi32, #tpu.memory_space<vmem>> -> memref<80xi32, #tpu.memory_space<vmem>>
        %dma_start3A_857 = arith.constant 0 : i32
        %dma_start3A_858 = arith.constant 0 : i32
        %dma_start3A_859 = tpu.memref_slice %arg4[%arg0, %dma_start3A_857, %dma_start3A_858] : memref<2x10240x128xf32, #tpu.memory_space<hbm>> -> memref<1x10240x128xf32, #tpu.memory_space<hbm>>
        %dma_start3A_860 = tpu.memref_squeeze %dma_start3A_859 : memref<1x10240x128xf32, #tpu.memory_space<hbm>> -> memref<10240x128xf32, #tpu.memory_space<hbm>>
        %dma_start3A_861 = arith.constant 0 : i32
        %dma_start3A_862 = arith.constant 0 : i32
        %dma_start3A_863 = tpu.memref_slice %dma_start3A_860[%dma_start3A_861, %dma_start3A_862] : memref<10240x128xf32, #tpu.memory_space<hbm>> -> memref<10240x128xf32, #tpu.memory_space<hbm>>
        tpu.enqueue_indirect_dma source(%dma_start3A_863 : memref<10240x128xf32, #tpu.memory_space<hbm>>) target(%arg8 : memref<80x128xf32, #tpu.memory_space<vmem>>) offsets(%dma_start3A_856 : memref<80xi32, #tpu.memory_space<vmem>>) semaphore(%arg25 : memref<!tpu.dma_semaphore, #tpu.memory_space<semaphore_mem>>)
      } else {
      }
      %mul3A_513 = arith.constant 8 : i32
      %mul3A_514 = arith.muli %scan3A_471, %mul3A_513 : i32
      %add3A_515 = arith.constant 1 : i32
      %add3A_516 = arith.addi %mul3A_514, %add3A_515 : i32
      %dma_wait3A_517 = arith.constant 1 : i32
      %dma_wait3A_518 = arith.constant 0 : i32
      %dma_wait3A_519 = tpu.memref_slice %arg6[%dma_wait3A_517, %dma_wait3A_518] : memref<8x80xi32, #tpu.memory_space<vmem>> -> memref<1x80xi32, #tpu.memory_space<vmem>>
      %dma_wait3A_520 = tpu.memref_squeeze %dma_wait3A_519 : memref<1x80xi32, #tpu.memory_space<vmem>> -> memref<80xi32, #tpu.memory_space<vmem>>
      %dma_wait3A_521 = arith.constant 0 : i32
      %dma_wait3A_522 = arith.constant 0 : i32
      %dma_wait3A_523 = tpu.memref_slice %arg4[%arg0, %dma_wait3A_521, %dma_wait3A_522] : memref<2x10240x128xf32, #tpu.memory_space<hbm>> -> memref<1x10240x128xf32, #tpu.memory_space<hbm>>
      %dma_wait3A_524 = tpu.memref_squeeze %dma_wait3A_523 : memref<1x10240x128xf32, #tpu.memory_space<hbm>> -> memref<10240x128xf32, #tpu.memory_space<hbm>>
      %dma_wait3A_525 = arith.constant 0 : i32
      %dma_wait3A_526 = arith.constant 0 : i32
      %dma_wait3A_527 = tpu.memref_slice %dma_wait3A_524[%dma_wait3A_525, %dma_wait3A_526] : memref<10240x128xf32, #tpu.memory_space<hbm>> -> memref<10240x128xf32, #tpu.memory_space<hbm>>
      tpu.wait_indirect_dma semaphore(%arg26 : memref<!tpu.dma_semaphore, #tpu.memory_space<semaphore_mem>>) src(%dma_wait3A_527 : memref<10240x128xf32, #tpu.memory_space<hbm>>) dst(%arg9 : memref<80x128xf32, #tpu.memory_space<vmem>>)
      %add3A_528 = arith.addi %mul3A_4, %add3A_516 : i32
      %dma_wait3A_529 = arith.constant 1 : i32
      %dma_wait3A_530 = arith.constant 0 : i32
      %dma_wait3A_531 = tpu.memref_slice %arg7[%dma_wait3A_529, %dma_wait3A_530] : memref<4x80xi32, #tpu.memory_space<vmem>> -> memref<1x80xi32, #tpu.memory_space<vmem>>
      %dma_wait3A_532 = tpu.memref_squeeze %dma_wait3A_531 : memref<1x80xi32, #tpu.memory_space<vmem>> -> memref<80xi32, #tpu.memory_space<vmem>>
      %dma_wait3A_533 = arith.constant 0 : i32
      %dma_wait3A_534 = tpu.memref_slice %arg3[%add3A_528, %dma_wait3A_533] : memref<2000x80xi32, #tpu.memory_space<hbm>> -> memref<1x80xi32, #tpu.memory_space<hbm>>
      %dma_wait3A_535 = tpu.memref_squeeze %dma_wait3A_534 : memref<1x80xi32, #tpu.memory_space<hbm>> -> memref<80xi32, #tpu.memory_space<hbm>>
      %dma_wait3A_536 = arith.constant 0 : i32
      %dma_wait3A_537 = tpu.memref_slice %arg7[%dma_wait3A_529, %dma_wait3A_536] : memref<4x80xi32, #tpu.memory_space<vmem>> -> memref<1x80xi32, #tpu.memory_space<vmem>>
      %dma_wait3A_538 = tpu.memref_squeeze %dma_wait3A_537 : memref<1x80xi32, #tpu.memory_space<vmem>> -> memref<80xi32, #tpu.memory_space<vmem>>
      %dma_wait3A_539 = arith.constant 0 : i32
      %dma_wait3A_540 = tpu.memref_slice %arg3[%add3A_528, %dma_wait3A_539] : memref<2000x80xi32, #tpu.memory_space<hbm>> -> memref<1x80xi32, #tpu.memory_space<hbm>>
      %dma_wait3A_541 = tpu.memref_squeeze %dma_wait3A_540 : memref<1x80xi32, #tpu.memory_space<hbm>> -> memref<80xi32, #tpu.memory_space<hbm>>
      tpu.wait_dma2 semaphore(%arg22 : memref<!tpu.dma_semaphore, #tpu.memory_space<semaphore_mem>>) src(%dma_wait3A_541 : memref<80xi32, #tpu.memory_space<hbm>>) dst(%dma_wait3A_538 : memref<80xi32, #tpu.memory_space<vmem>>)
      %run_scoped3A_542 = arith.constant 1 : i32
      "tpu.region"() ({
        %run_scoped3A_821 = tpu.sem_alloc : memref<!tpu.dma_semaphore, #tpu.memory_space<semaphore_mem>>
        %dma_start3A_822 = arith.constant 0 : i32
        %dma_start3A_823 = tpu.memref_slice %arg7[%run_scoped3A_542, %dma_start3A_822] : memref<4x80xi32, #tpu.memory_space<vmem>> -> memref<1x80xi32, #tpu.memory_space<vmem>>
        %dma_start3A_824 = tpu.memref_squeeze %dma_start3A_823 : memref<1x80xi32, #tpu.memory_space<vmem>> -> memref<80xi32, #tpu.memory_space<vmem>>
        %dma_start3A_825 = arith.constant 0 : i32
        %dma_start3A_826 = arith.constant 0 : i32
        %dma_start3A_827 = tpu.memref_slice %arg12[%dma_start3A_825, %dma_start3A_826] : memref<10240x128xf32, #tpu.memory_space<vmem_shared>> -> memref<10240x128xf32, #tpu.memory_space<vmem_shared>>
        tpu.enqueue_indirect_dma source(%arg9 : memref<80x128xf32, #tpu.memory_space<vmem>>) target(%dma_start3A_827 : memref<10240x128xf32, #tpu.memory_space<vmem_shared>>) offsets(%dma_start3A_824 : memref<80xi32, #tpu.memory_space<vmem>>) semaphore(%run_scoped3A_821 : memref<!tpu.dma_semaphore, #tpu.memory_space<semaphore_mem>>) {add = true}
        %dma_wait3A_828 = arith.constant 0 : i32
        %dma_wait3A_829 = tpu.memref_slice %arg7[%run_scoped3A_542, %dma_wait3A_828] : memref<4x80xi32, #tpu.memory_space<vmem>> -> memref<1x80xi32, #tpu.memory_space<vmem>>
        %dma_wait3A_830 = tpu.memref_squeeze %dma_wait3A_829 : memref<1x80xi32, #tpu.memory_space<vmem>> -> memref<80xi32, #tpu.memory_space<vmem>>
        %dma_wait3A_831 = arith.constant 0 : i32
        %dma_wait3A_832 = arith.constant 0 : i32
        %dma_wait3A_833 = tpu.memref_slice %arg12[%dma_wait3A_831, %dma_wait3A_832] : memref<10240x128xf32, #tpu.memory_space<vmem_shared>> -> memref<10240x128xf32, #tpu.memory_space<vmem_shared>>
        tpu.wait_indirect_dma semaphore(%run_scoped3A_821 : memref<!tpu.dma_semaphore, #tpu.memory_space<semaphore_mem>>) src(%arg9 : memref<80x128xf32, #tpu.memory_space<vmem>>) dst(%dma_wait3A_833 : memref<10240x128xf32, #tpu.memory_space<vmem_shared>>)
        tpu.yield
      }) : () -> ()
      %add3A_543 = arith.constant 8 : i32
      %add3A_544 = arith.addi %add3A_516, %add3A_543 : i32
      %lt3A_545 = arith.constant 125 : i32
      %lt3A_546 = arith.cmpi slt, %add3A_544, %lt3A_545 : i32
      %convert_element_type3A_547 = arith.extui %lt3A_546 : i1 to i32
      %cond3A_548 = arith.constant 0 : i32
      %cond3A_549 = arith.cmpi ne, %convert_element_type3A_547, %cond3A_548 : i32
      scf.if %cond3A_549 {
        %add3A_821 = arith.constant 8 : i32
        %add3A_822 = arith.addi %add3A_516, %add3A_821 : i32
        %add3A_823 = arith.addi %mul3A_4, %add3A_822 : i32
        %dma_start3A_824 = arith.constant 1 : i32
        %dma_start3A_825 = arith.constant 0 : i32
        %dma_start3A_826 = tpu.memref_slice %arg6[%dma_start3A_824, %dma_start3A_825] : memref<8x80xi32, #tpu.memory_space<vmem>> -> memref<1x80xi32, #tpu.memory_space<vmem>>
        %dma_start3A_827 = tpu.memref_squeeze %dma_start3A_826 : memref<1x80xi32, #tpu.memory_space<vmem>> -> memref<80xi32, #tpu.memory_space<vmem>>
        %dma_start3A_828 = arith.constant 0 : i32
        %dma_start3A_829 = tpu.memref_slice %arg2[%add3A_823, %dma_start3A_828] : memref<2000x80xi32, #tpu.memory_space<hbm>> -> memref<1x80xi32, #tpu.memory_space<hbm>>
        %dma_start3A_830 = tpu.memref_squeeze %dma_start3A_829 : memref<1x80xi32, #tpu.memory_space<hbm>> -> memref<80xi32, #tpu.memory_space<hbm>>
        %dma_start3A_831 = arith.constant 0 : i32
        %dma_start3A_832 = tpu.memref_slice %arg6[%dma_start3A_824, %dma_start3A_831] : memref<8x80xi32, #tpu.memory_space<vmem>> -> memref<1x80xi32, #tpu.memory_space<vmem>>
        %dma_start3A_833 = tpu.memref_squeeze %dma_start3A_832 : memref<1x80xi32, #tpu.memory_space<vmem>> -> memref<80xi32, #tpu.memory_space<vmem>>
        %dma_start3A_834 = arith.constant 0 : i32
        %dma_start3A_835 = tpu.memref_slice %arg2[%add3A_823, %dma_start3A_834] : memref<2000x80xi32, #tpu.memory_space<hbm>> -> memref<1x80xi32, #tpu.memory_space<hbm>>
        %dma_start3A_836 = tpu.memref_squeeze %dma_start3A_835 : memref<1x80xi32, #tpu.memory_space<hbm>> -> memref<80xi32, #tpu.memory_space<hbm>>
        tpu.enqueue_dma source(%dma_start3A_836 : memref<80xi32, #tpu.memory_space<hbm>>) target(%dma_start3A_833 : memref<80xi32, #tpu.memory_space<vmem>>) target_semaphore(%arg14 : memref<!tpu.dma_semaphore, #tpu.memory_space<semaphore_mem>>)
      } else {
      }
      %add3A_550 = arith.constant 4 : i32
      %add3A_551 = arith.addi %add3A_516, %add3A_550 : i32
      %lt3A_552 = arith.constant 125 : i32
      %lt3A_553 = arith.cmpi slt, %add3A_551, %lt3A_552 : i32
      %convert_element_type3A_554 = arith.extui %lt3A_553 : i1 to i32
      %cond3A_555 = arith.constant 0 : i32
      %cond3A_556 = arith.cmpi ne, %convert_element_type3A_554, %cond3A_555 : i32
      scf.if %cond3A_556 {
        %add3A_821 = arith.constant 4 : i32
        %add3A_822 = arith.addi %add3A_516, %add3A_821 : i32
        %add3A_823 = arith.addi %mul3A_4, %add3A_822 : i32
        %dma_wait3A_824 = arith.constant 5 : i32
        %dma_wait3A_825 = arith.constant 0 : i32
        %dma_wait3A_826 = tpu.memref_slice %arg6[%dma_wait3A_824, %dma_wait3A_825] : memref<8x80xi32, #tpu.memory_space<vmem>> -> memref<1x80xi32, #tpu.memory_space<vmem>>
        %dma_wait3A_827 = tpu.memref_squeeze %dma_wait3A_826 : memref<1x80xi32, #tpu.memory_space<vmem>> -> memref<80xi32, #tpu.memory_space<vmem>>
        %dma_wait3A_828 = arith.constant 0 : i32
        %dma_wait3A_829 = tpu.memref_slice %arg2[%add3A_823, %dma_wait3A_828] : memref<2000x80xi32, #tpu.memory_space<hbm>> -> memref<1x80xi32, #tpu.memory_space<hbm>>
        %dma_wait3A_830 = tpu.memref_squeeze %dma_wait3A_829 : memref<1x80xi32, #tpu.memory_space<hbm>> -> memref<80xi32, #tpu.memory_space<hbm>>
        %dma_wait3A_831 = arith.constant 0 : i32
        %dma_wait3A_832 = tpu.memref_slice %arg6[%dma_wait3A_824, %dma_wait3A_831] : memref<8x80xi32, #tpu.memory_space<vmem>> -> memref<1x80xi32, #tpu.memory_space<vmem>>
        %dma_wait3A_833 = tpu.memref_squeeze %dma_wait3A_832 : memref<1x80xi32, #tpu.memory_space<vmem>> -> memref<80xi32, #tpu.memory_space<vmem>>
        %dma_wait3A_834 = arith.constant 0 : i32
        %dma_wait3A_835 = tpu.memref_slice %arg2[%add3A_823, %dma_wait3A_834] : memref<2000x80xi32, #tpu.memory_space<hbm>> -> memref<1x80xi32, #tpu.memory_space<hbm>>
        %dma_wait3A_836 = tpu.memref_squeeze %dma_wait3A_835 : memref<1x80xi32, #tpu.memory_space<hbm>> -> memref<80xi32, #tpu.memory_space<hbm>>
        tpu.wait_dma2 semaphore(%arg18 : memref<!tpu.dma_semaphore, #tpu.memory_space<semaphore_mem>>) src(%dma_wait3A_836 : memref<80xi32, #tpu.memory_space<hbm>>) dst(%dma_wait3A_833 : memref<80xi32, #tpu.memory_space<vmem>>)
        %add3A_837 = arith.constant 4 : i32
        %add3A_838 = arith.addi %add3A_516, %add3A_837 : i32
        %add3A_839 = arith.addi %mul3A_4, %add3A_838 : i32
        %dma_start3A_840 = arith.constant 1 : i32
        %dma_start3A_841 = arith.constant 0 : i32
        %dma_start3A_842 = tpu.memref_slice %arg7[%dma_start3A_840, %dma_start3A_841] : memref<4x80xi32, #tpu.memory_space<vmem>> -> memref<1x80xi32, #tpu.memory_space<vmem>>
        %dma_start3A_843 = tpu.memref_squeeze %dma_start3A_842 : memref<1x80xi32, #tpu.memory_space<vmem>> -> memref<80xi32, #tpu.memory_space<vmem>>
        %dma_start3A_844 = arith.constant 0 : i32
        %dma_start3A_845 = tpu.memref_slice %arg3[%add3A_839, %dma_start3A_844] : memref<2000x80xi32, #tpu.memory_space<hbm>> -> memref<1x80xi32, #tpu.memory_space<hbm>>
        %dma_start3A_846 = tpu.memref_squeeze %dma_start3A_845 : memref<1x80xi32, #tpu.memory_space<hbm>> -> memref<80xi32, #tpu.memory_space<hbm>>
        %dma_start3A_847 = arith.constant 0 : i32
        %dma_start3A_848 = tpu.memref_slice %arg7[%dma_start3A_840, %dma_start3A_847] : memref<4x80xi32, #tpu.memory_space<vmem>> -> memref<1x80xi32, #tpu.memory_space<vmem>>
        %dma_start3A_849 = tpu.memref_squeeze %dma_start3A_848 : memref<1x80xi32, #tpu.memory_space<vmem>> -> memref<80xi32, #tpu.memory_space<vmem>>
        %dma_start3A_850 = arith.constant 0 : i32
        %dma_start3A_851 = tpu.memref_slice %arg3[%add3A_839, %dma_start3A_850] : memref<2000x80xi32, #tpu.memory_space<hbm>> -> memref<1x80xi32, #tpu.memory_space<hbm>>
        %dma_start3A_852 = tpu.memref_squeeze %dma_start3A_851 : memref<1x80xi32, #tpu.memory_space<hbm>> -> memref<80xi32, #tpu.memory_space<hbm>>
        tpu.enqueue_dma source(%dma_start3A_852 : memref<80xi32, #tpu.memory_space<hbm>>) target(%dma_start3A_849 : memref<80xi32, #tpu.memory_space<vmem>>) target_semaphore(%arg22 : memref<!tpu.dma_semaphore, #tpu.memory_space<semaphore_mem>>)
        %dma_start3A_853 = arith.constant 5 : i32
        %dma_start3A_854 = arith.constant 0 : i32
        %dma_start3A_855 = tpu.memref_slice %arg6[%dma_start3A_853, %dma_start3A_854] : memref<8x80xi32, #tpu.memory_space<vmem>> -> memref<1x80xi32, #tpu.memory_space<vmem>>
        %dma_start3A_856 = tpu.memref_squeeze %dma_start3A_855 : memref<1x80xi32, #tpu.memory_space<vmem>> -> memref<80xi32, #tpu.memory_space<vmem>>
        %dma_start3A_857 = arith.constant 0 : i32
        %dma_start3A_858 = arith.constant 0 : i32
        %dma_start3A_859 = tpu.memref_slice %arg4[%arg0, %dma_start3A_857, %dma_start3A_858] : memref<2x10240x128xf32, #tpu.memory_space<hbm>> -> memref<1x10240x128xf32, #tpu.memory_space<hbm>>
        %dma_start3A_860 = tpu.memref_squeeze %dma_start3A_859 : memref<1x10240x128xf32, #tpu.memory_space<hbm>> -> memref<10240x128xf32, #tpu.memory_space<hbm>>
        %dma_start3A_861 = arith.constant 0 : i32
        %dma_start3A_862 = arith.constant 0 : i32
        %dma_start3A_863 = tpu.memref_slice %dma_start3A_860[%dma_start3A_861, %dma_start3A_862] : memref<10240x128xf32, #tpu.memory_space<hbm>> -> memref<10240x128xf32, #tpu.memory_space<hbm>>
        tpu.enqueue_indirect_dma source(%dma_start3A_863 : memref<10240x128xf32, #tpu.memory_space<hbm>>) target(%arg9 : memref<80x128xf32, #tpu.memory_space<vmem>>) offsets(%dma_start3A_856 : memref<80xi32, #tpu.memory_space<vmem>>) semaphore(%arg26 : memref<!tpu.dma_semaphore, #tpu.memory_space<semaphore_mem>>)
      } else {
      }
      %mul3A_557 = arith.constant 8 : i32
      %mul3A_558 = arith.muli %scan3A_471, %mul3A_557 : i32
      %add3A_559 = arith.constant 2 : i32
      %add3A_560 = arith.addi %mul3A_558, %add3A_559 : i32
      %dma_wait3A_561 = arith.constant 2 : i32
      %dma_wait3A_562 = arith.constant 0 : i32
      %dma_wait3A_563 = tpu.memref_slice %arg6[%dma_wait3A_561, %dma_wait3A_562] : memref<8x80xi32, #tpu.memory_space<vmem>> -> memref<1x80xi32, #tpu.memory_space<vmem>>
      %dma_wait3A_564 = tpu.memref_squeeze %dma_wait3A_563 : memref<1x80xi32, #tpu.memory_space<vmem>> -> memref<80xi32, #tpu.memory_space<vmem>>
      %dma_wait3A_565 = arith.constant 0 : i32
      %dma_wait3A_566 = arith.constant 0 : i32
      %dma_wait3A_567 = tpu.memref_slice %arg4[%arg0, %dma_wait3A_565, %dma_wait3A_566] : memref<2x10240x128xf32, #tpu.memory_space<hbm>> -> memref<1x10240x128xf32, #tpu.memory_space<hbm>>
      %dma_wait3A_568 = tpu.memref_squeeze %dma_wait3A_567 : memref<1x10240x128xf32, #tpu.memory_space<hbm>> -> memref<10240x128xf32, #tpu.memory_space<hbm>>
      %dma_wait3A_569 = arith.constant 0 : i32
      %dma_wait3A_570 = arith.constant 0 : i32
      %dma_wait3A_571 = tpu.memref_slice %dma_wait3A_568[%dma_wait3A_569, %dma_wait3A_570] : memref<10240x128xf32, #tpu.memory_space<hbm>> -> memref<10240x128xf32, #tpu.memory_space<hbm>>
      tpu.wait_indirect_dma semaphore(%arg27 : memref<!tpu.dma_semaphore, #tpu.memory_space<semaphore_mem>>) src(%dma_wait3A_571 : memref<10240x128xf32, #tpu.memory_space<hbm>>) dst(%arg10 : memref<80x128xf32, #tpu.memory_space<vmem>>)
      %add3A_572 = arith.addi %mul3A_4, %add3A_560 : i32
      %dma_wait3A_573 = arith.constant 2 : i32
      %dma_wait3A_574 = arith.constant 0 : i32
      %dma_wait3A_575 = tpu.memref_slice %arg7[%dma_wait3A_573, %dma_wait3A_574] : memref<4x80xi32, #tpu.memory_space<vmem>> -> memref<1x80xi32, #tpu.memory_space<vmem>>
      %dma_wait3A_576 = tpu.memref_squeeze %dma_wait3A_575 : memref<1x80xi32, #tpu.memory_space<vmem>> -> memref<80xi32, #tpu.memory_space<vmem>>
      %dma_wait3A_577 = arith.constant 0 : i32
      %dma_wait3A_578 = tpu.memref_slice %arg3[%add3A_572, %dma_wait3A_577] : memref<2000x80xi32, #tpu.memory_space<hbm>> -> memref<1x80xi32, #tpu.memory_space<hbm>>
      %dma_wait3A_579 = tpu.memref_squeeze %dma_wait3A_578 : memref<1x80xi32, #tpu.memory_space<hbm>> -> memref<80xi32, #tpu.memory_space<hbm>>
      %dma_wait3A_580 = arith.constant 0 : i32
      %dma_wait3A_581 = tpu.memref_slice %arg7[%dma_wait3A_573, %dma_wait3A_580] : memref<4x80xi32, #tpu.memory_space<vmem>> -> memref<1x80xi32, #tpu.memory_space<vmem>>
      %dma_wait3A_582 = tpu.memref_squeeze %dma_wait3A_581 : memref<1x80xi32, #tpu.memory_space<vmem>> -> memref<80xi32, #tpu.memory_space<vmem>>
      %dma_wait3A_583 = arith.constant 0 : i32
      %dma_wait3A_584 = tpu.memref_slice %arg3[%add3A_572, %dma_wait3A_583] : memref<2000x80xi32, #tpu.memory_space<hbm>> -> memref<1x80xi32, #tpu.memory_space<hbm>>
      %dma_wait3A_585 = tpu.memref_squeeze %dma_wait3A_584 : memref<1x80xi32, #tpu.memory_space<hbm>> -> memref<80xi32, #tpu.memory_space<hbm>>
      tpu.wait_dma2 semaphore(%arg23 : memref<!tpu.dma_semaphore, #tpu.memory_space<semaphore_mem>>) src(%dma_wait3A_585 : memref<80xi32, #tpu.memory_space<hbm>>) dst(%dma_wait3A_582 : memref<80xi32, #tpu.memory_space<vmem>>)
      %run_scoped3A_586 = arith.constant 2 : i32
      "tpu.region"() ({
        %run_scoped3A_821 = tpu.sem_alloc : memref<!tpu.dma_semaphore, #tpu.memory_space<semaphore_mem>>
        %dma_start3A_822 = arith.constant 0 : i32
        %dma_start3A_823 = tpu.memref_slice %arg7[%run_scoped3A_586, %dma_start3A_822] : memref<4x80xi32, #tpu.memory_space<vmem>> -> memref<1x80xi32, #tpu.memory_space<vmem>>
        %dma_start3A_824 = tpu.memref_squeeze %dma_start3A_823 : memref<1x80xi32, #tpu.memory_space<vmem>> -> memref<80xi32, #tpu.memory_space<vmem>>
        %dma_start3A_825 = arith.constant 0 : i32
        %dma_start3A_826 = arith.constant 0 : i32
        %dma_start3A_827 = tpu.memref_slice %arg12[%dma_start3A_825, %dma_start3A_826] : memref<10240x128xf32, #tpu.memory_space<vmem_shared>> -> memref<10240x128xf32, #tpu.memory_space<vmem_shared>>
        tpu.enqueue_indirect_dma source(%arg10 : memref<80x128xf32, #tpu.memory_space<vmem>>) target(%dma_start3A_827 : memref<10240x128xf32, #tpu.memory_space<vmem_shared>>) offsets(%dma_start3A_824 : memref<80xi32, #tpu.memory_space<vmem>>) semaphore(%run_scoped3A_821 : memref<!tpu.dma_semaphore, #tpu.memory_space<semaphore_mem>>) {add = true}
        %dma_wait3A_828 = arith.constant 0 : i32
        %dma_wait3A_829 = tpu.memref_slice %arg7[%run_scoped3A_586, %dma_wait3A_828] : memref<4x80xi32, #tpu.memory_space<vmem>> -> memref<1x80xi32, #tpu.memory_space<vmem>>
        %dma_wait3A_830 = tpu.memref_squeeze %dma_wait3A_829 : memref<1x80xi32, #tpu.memory_space<vmem>> -> memref<80xi32, #tpu.memory_space<vmem>>
        %dma_wait3A_831 = arith.constant 0 : i32
        %dma_wait3A_832 = arith.constant 0 : i32
        %dma_wait3A_833 = tpu.memref_slice %arg12[%dma_wait3A_831, %dma_wait3A_832] : memref<10240x128xf32, #tpu.memory_space<vmem_shared>> -> memref<10240x128xf32, #tpu.memory_space<vmem_shared>>
        tpu.wait_indirect_dma semaphore(%run_scoped3A_821 : memref<!tpu.dma_semaphore, #tpu.memory_space<semaphore_mem>>) src(%arg10 : memref<80x128xf32, #tpu.memory_space<vmem>>) dst(%dma_wait3A_833 : memref<10240x128xf32, #tpu.memory_space<vmem_shared>>)
        tpu.yield
      }) : () -> ()
      %add3A_587 = arith.constant 8 : i32
      %add3A_588 = arith.addi %add3A_560, %add3A_587 : i32
      %lt3A_589 = arith.constant 125 : i32
      %lt3A_590 = arith.cmpi slt, %add3A_588, %lt3A_589 : i32
      %convert_element_type3A_591 = arith.extui %lt3A_590 : i1 to i32
      %cond3A_592 = arith.constant 0 : i32
      %cond3A_593 = arith.cmpi ne, %convert_element_type3A_591, %cond3A_592 : i32
      scf.if %cond3A_593 {
        %add3A_821 = arith.constant 8 : i32
        %add3A_822 = arith.addi %add3A_560, %add3A_821 : i32
        %add3A_823 = arith.addi %mul3A_4, %add3A_822 : i32
        %dma_start3A_824 = arith.constant 2 : i32
        %dma_start3A_825 = arith.constant 0 : i32
        %dma_start3A_826 = tpu.memref_slice %arg6[%dma_start3A_824, %dma_start3A_825] : memref<8x80xi32, #tpu.memory_space<vmem>> -> memref<1x80xi32, #tpu.memory_space<vmem>>
        %dma_start3A_827 = tpu.memref_squeeze %dma_start3A_826 : memref<1x80xi32, #tpu.memory_space<vmem>> -> memref<80xi32, #tpu.memory_space<vmem>>
        %dma_start3A_828 = arith.constant 0 : i32
        %dma_start3A_829 = tpu.memref_slice %arg2[%add3A_823, %dma_start3A_828] : memref<2000x80xi32, #tpu.memory_space<hbm>> -> memref<1x80xi32, #tpu.memory_space<hbm>>
        %dma_start3A_830 = tpu.memref_squeeze %dma_start3A_829 : memref<1x80xi32, #tpu.memory_space<hbm>> -> memref<80xi32, #tpu.memory_space<hbm>>
        %dma_start3A_831 = arith.constant 0 : i32
        %dma_start3A_832 = tpu.memref_slice %arg6[%dma_start3A_824, %dma_start3A_831] : memref<8x80xi32, #tpu.memory_space<vmem>> -> memref<1x80xi32, #tpu.memory_space<vmem>>
        %dma_start3A_833 = tpu.memref_squeeze %dma_start3A_832 : memref<1x80xi32, #tpu.memory_space<vmem>> -> memref<80xi32, #tpu.memory_space<vmem>>
        %dma_start3A_834 = arith.constant 0 : i32
        %dma_start3A_835 = tpu.memref_slice %arg2[%add3A_823, %dma_start3A_834] : memref<2000x80xi32, #tpu.memory_space<hbm>> -> memref<1x80xi32, #tpu.memory_space<hbm>>
        %dma_start3A_836 = tpu.memref_squeeze %dma_start3A_835 : memref<1x80xi32, #tpu.memory_space<hbm>> -> memref<80xi32, #tpu.memory_space<hbm>>
        tpu.enqueue_dma source(%dma_start3A_836 : memref<80xi32, #tpu.memory_space<hbm>>) target(%dma_start3A_833 : memref<80xi32, #tpu.memory_space<vmem>>) target_semaphore(%arg15 : memref<!tpu.dma_semaphore, #tpu.memory_space<semaphore_mem>>)
      } else {
      }
      %add3A_594 = arith.constant 4 : i32
      %add3A_595 = arith.addi %add3A_560, %add3A_594 : i32
      %lt3A_596 = arith.constant 125 : i32
      %lt3A_597 = arith.cmpi slt, %add3A_595, %lt3A_596 : i32
      %convert_element_type3A_598 = arith.extui %lt3A_597 : i1 to i32
      %cond3A_599 = arith.constant 0 : i32
      %cond3A_600 = arith.cmpi ne, %convert_element_type3A_598, %cond3A_599 : i32
      scf.if %cond3A_600 {
        %add3A_821 = arith.constant 4 : i32
        %add3A_822 = arith.addi %add3A_560, %add3A_821 : i32
        %add3A_823 = arith.addi %mul3A_4, %add3A_822 : i32
        %dma_wait3A_824 = arith.constant 6 : i32
        %dma_wait3A_825 = arith.constant 0 : i32
        %dma_wait3A_826 = tpu.memref_slice %arg6[%dma_wait3A_824, %dma_wait3A_825] : memref<8x80xi32, #tpu.memory_space<vmem>> -> memref<1x80xi32, #tpu.memory_space<vmem>>
        %dma_wait3A_827 = tpu.memref_squeeze %dma_wait3A_826 : memref<1x80xi32, #tpu.memory_space<vmem>> -> memref<80xi32, #tpu.memory_space<vmem>>
        %dma_wait3A_828 = arith.constant 0 : i32
        %dma_wait3A_829 = tpu.memref_slice %arg2[%add3A_823, %dma_wait3A_828] : memref<2000x80xi32, #tpu.memory_space<hbm>> -> memref<1x80xi32, #tpu.memory_space<hbm>>
        %dma_wait3A_830 = tpu.memref_squeeze %dma_wait3A_829 : memref<1x80xi32, #tpu.memory_space<hbm>> -> memref<80xi32, #tpu.memory_space<hbm>>
        %dma_wait3A_831 = arith.constant 0 : i32
        %dma_wait3A_832 = tpu.memref_slice %arg6[%dma_wait3A_824, %dma_wait3A_831] : memref<8x80xi32, #tpu.memory_space<vmem>> -> memref<1x80xi32, #tpu.memory_space<vmem>>
        %dma_wait3A_833 = tpu.memref_squeeze %dma_wait3A_832 : memref<1x80xi32, #tpu.memory_space<vmem>> -> memref<80xi32, #tpu.memory_space<vmem>>
        %dma_wait3A_834 = arith.constant 0 : i32
        %dma_wait3A_835 = tpu.memref_slice %arg2[%add3A_823, %dma_wait3A_834] : memref<2000x80xi32, #tpu.memory_space<hbm>> -> memref<1x80xi32, #tpu.memory_space<hbm>>
        %dma_wait3A_836 = tpu.memref_squeeze %dma_wait3A_835 : memref<1x80xi32, #tpu.memory_space<hbm>> -> memref<80xi32, #tpu.memory_space<hbm>>
        tpu.wait_dma2 semaphore(%arg19 : memref<!tpu.dma_semaphore, #tpu.memory_space<semaphore_mem>>) src(%dma_wait3A_836 : memref<80xi32, #tpu.memory_space<hbm>>) dst(%dma_wait3A_833 : memref<80xi32, #tpu.memory_space<vmem>>)
        %add3A_837 = arith.constant 4 : i32
        %add3A_838 = arith.addi %add3A_560, %add3A_837 : i32
        %add3A_839 = arith.addi %mul3A_4, %add3A_838 : i32
        %dma_start3A_840 = arith.constant 2 : i32
        %dma_start3A_841 = arith.constant 0 : i32
        %dma_start3A_842 = tpu.memref_slice %arg7[%dma_start3A_840, %dma_start3A_841] : memref<4x80xi32, #tpu.memory_space<vmem>> -> memref<1x80xi32, #tpu.memory_space<vmem>>
        %dma_start3A_843 = tpu.memref_squeeze %dma_start3A_842 : memref<1x80xi32, #tpu.memory_space<vmem>> -> memref<80xi32, #tpu.memory_space<vmem>>
        %dma_start3A_844 = arith.constant 0 : i32
        %dma_start3A_845 = tpu.memref_slice %arg3[%add3A_839, %dma_start3A_844] : memref<2000x80xi32, #tpu.memory_space<hbm>> -> memref<1x80xi32, #tpu.memory_space<hbm>>
        %dma_start3A_846 = tpu.memref_squeeze %dma_start3A_845 : memref<1x80xi32, #tpu.memory_space<hbm>> -> memref<80xi32, #tpu.memory_space<hbm>>
        %dma_start3A_847 = arith.constant 0 : i32
        %dma_start3A_848 = tpu.memref_slice %arg7[%dma_start3A_840, %dma_start3A_847] : memref<4x80xi32, #tpu.memory_space<vmem>> -> memref<1x80xi32, #tpu.memory_space<vmem>>
        %dma_start3A_849 = tpu.memref_squeeze %dma_start3A_848 : memref<1x80xi32, #tpu.memory_space<vmem>> -> memref<80xi32, #tpu.memory_space<vmem>>
        %dma_start3A_850 = arith.constant 0 : i32
        %dma_start3A_851 = tpu.memref_slice %arg3[%add3A_839, %dma_start3A_850] : memref<2000x80xi32, #tpu.memory_space<hbm>> -> memref<1x80xi32, #tpu.memory_space<hbm>>
        %dma_start3A_852 = tpu.memref_squeeze %dma_start3A_851 : memref<1x80xi32, #tpu.memory_space<hbm>> -> memref<80xi32, #tpu.memory_space<hbm>>
        tpu.enqueue_dma source(%dma_start3A_852 : memref<80xi32, #tpu.memory_space<hbm>>) target(%dma_start3A_849 : memref<80xi32, #tpu.memory_space<vmem>>) target_semaphore(%arg23 : memref<!tpu.dma_semaphore, #tpu.memory_space<semaphore_mem>>)
        %dma_start3A_853 = arith.constant 6 : i32
        %dma_start3A_854 = arith.constant 0 : i32
        %dma_start3A_855 = tpu.memref_slice %arg6[%dma_start3A_853, %dma_start3A_854] : memref<8x80xi32, #tpu.memory_space<vmem>> -> memref<1x80xi32, #tpu.memory_space<vmem>>
        %dma_start3A_856 = tpu.memref_squeeze %dma_start3A_855 : memref<1x80xi32, #tpu.memory_space<vmem>> -> memref<80xi32, #tpu.memory_space<vmem>>
        %dma_start3A_857 = arith.constant 0 : i32
        %dma_start3A_858 = arith.constant 0 : i32
        %dma_start3A_859 = tpu.memref_slice %arg4[%arg0, %dma_start3A_857, %dma_start3A_858] : memref<2x10240x128xf32, #tpu.memory_space<hbm>> -> memref<1x10240x128xf32, #tpu.memory_space<hbm>>
        %dma_start3A_860 = tpu.memref_squeeze %dma_start3A_859 : memref<1x10240x128xf32, #tpu.memory_space<hbm>> -> memref<10240x128xf32, #tpu.memory_space<hbm>>
        %dma_start3A_861 = arith.constant 0 : i32
        %dma_start3A_862 = arith.constant 0 : i32
        %dma_start3A_863 = tpu.memref_slice %dma_start3A_860[%dma_start3A_861, %dma_start3A_862] : memref<10240x128xf32, #tpu.memory_space<hbm>> -> memref<10240x128xf32, #tpu.memory_space<hbm>>
        tpu.enqueue_indirect_dma source(%dma_start3A_863 : memref<10240x128xf32, #tpu.memory_space<hbm>>) target(%arg10 : memref<80x128xf32, #tpu.memory_space<vmem>>) offsets(%dma_start3A_856 : memref<80xi32, #tpu.memory_space<vmem>>) semaphore(%arg27 : memref<!tpu.dma_semaphore, #tpu.memory_space<semaphore_mem>>)
      } else {
      }
      %mul3A_601 = arith.constant 8 : i32
      %mul3A_602 = arith.muli %scan3A_471, %mul3A_601 : i32
      %add3A_603 = arith.constant 3 : i32
      %add3A_604 = arith.addi %mul3A_602, %add3A_603 : i32
      %dma_wait3A_605 = arith.constant 3 : i32
      %dma_wait3A_606 = arith.constant 0 : i32
      %dma_wait3A_607 = tpu.memref_slice %arg6[%dma_wait3A_605, %dma_wait3A_606] : memref<8x80xi32, #tpu.memory_space<vmem>> -> memref<1x80xi32, #tpu.memory_space<vmem>>
      %dma_wait3A_608 = tpu.memref_squeeze %dma_wait3A_607 : memref<1x80xi32, #tpu.memory_space<vmem>> -> memref<80xi32, #tpu.memory_space<vmem>>
      %dma_wait3A_609 = arith.constant 0 : i32
      %dma_wait3A_610 = arith.constant 0 : i32
      %dma_wait3A_611 = tpu.memref_slice %arg4[%arg0, %dma_wait3A_609, %dma_wait3A_610] : memref<2x10240x128xf32, #tpu.memory_space<hbm>> -> memref<1x10240x128xf32, #tpu.memory_space<hbm>>
      %dma_wait3A_612 = tpu.memref_squeeze %dma_wait3A_611 : memref<1x10240x128xf32, #tpu.memory_space<hbm>> -> memref<10240x128xf32, #tpu.memory_space<hbm>>
      %dma_wait3A_613 = arith.constant 0 : i32
      %dma_wait3A_614 = arith.constant 0 : i32
      %dma_wait3A_615 = tpu.memref_slice %dma_wait3A_612[%dma_wait3A_613, %dma_wait3A_614] : memref<10240x128xf32, #tpu.memory_space<hbm>> -> memref<10240x128xf32, #tpu.memory_space<hbm>>
      tpu.wait_indirect_dma semaphore(%arg28 : memref<!tpu.dma_semaphore, #tpu.memory_space<semaphore_mem>>) src(%dma_wait3A_615 : memref<10240x128xf32, #tpu.memory_space<hbm>>) dst(%arg11 : memref<80x128xf32, #tpu.memory_space<vmem>>)
      %add3A_616 = arith.addi %mul3A_4, %add3A_604 : i32
      %dma_wait3A_617 = arith.constant 3 : i32
      %dma_wait3A_618 = arith.constant 0 : i32
      %dma_wait3A_619 = tpu.memref_slice %arg7[%dma_wait3A_617, %dma_wait3A_618] : memref<4x80xi32, #tpu.memory_space<vmem>> -> memref<1x80xi32, #tpu.memory_space<vmem>>
      %dma_wait3A_620 = tpu.memref_squeeze %dma_wait3A_619 : memref<1x80xi32, #tpu.memory_space<vmem>> -> memref<80xi32, #tpu.memory_space<vmem>>
      %dma_wait3A_621 = arith.constant 0 : i32
      %dma_wait3A_622 = tpu.memref_slice %arg3[%add3A_616, %dma_wait3A_621] : memref<2000x80xi32, #tpu.memory_space<hbm>> -> memref<1x80xi32, #tpu.memory_space<hbm>>
      %dma_wait3A_623 = tpu.memref_squeeze %dma_wait3A_622 : memref<1x80xi32, #tpu.memory_space<hbm>> -> memref<80xi32, #tpu.memory_space<hbm>>
      %dma_wait3A_624 = arith.constant 0 : i32
      %dma_wait3A_625 = tpu.memref_slice %arg7[%dma_wait3A_617, %dma_wait3A_624] : memref<4x80xi32, #tpu.memory_space<vmem>> -> memref<1x80xi32, #tpu.memory_space<vmem>>
      %dma_wait3A_626 = tpu.memref_squeeze %dma_wait3A_625 : memref<1x80xi32, #tpu.memory_space<vmem>> -> memref<80xi32, #tpu.memory_space<vmem>>
      %dma_wait3A_627 = arith.constant 0 : i32
      %dma_wait3A_628 = tpu.memref_slice %arg3[%add3A_616, %dma_wait3A_627] : memref<2000x80xi32, #tpu.memory_space<hbm>> -> memref<1x80xi32, #tpu.memory_space<hbm>>
      %dma_wait3A_629 = tpu.memref_squeeze %dma_wait3A_628 : memref<1x80xi32, #tpu.memory_space<hbm>> -> memref<80xi32, #tpu.memory_space<hbm>>
      tpu.wait_dma2 semaphore(%arg24 : memref<!tpu.dma_semaphore, #tpu.memory_space<semaphore_mem>>) src(%dma_wait3A_629 : memref<80xi32, #tpu.memory_space<hbm>>) dst(%dma_wait3A_626 : memref<80xi32, #tpu.memory_space<vmem>>)
      %run_scoped3A_630 = arith.constant 3 : i32
      "tpu.region"() ({
        %run_scoped3A_821 = tpu.sem_alloc : memref<!tpu.dma_semaphore, #tpu.memory_space<semaphore_mem>>
        %dma_start3A_822 = arith.constant 0 : i32
        %dma_start3A_823 = tpu.memref_slice %arg7[%run_scoped3A_630, %dma_start3A_822] : memref<4x80xi32, #tpu.memory_space<vmem>> -> memref<1x80xi32, #tpu.memory_space<vmem>>
        %dma_start3A_824 = tpu.memref_squeeze %dma_start3A_823 : memref<1x80xi32, #tpu.memory_space<vmem>> -> memref<80xi32, #tpu.memory_space<vmem>>
        %dma_start3A_825 = arith.constant 0 : i32
        %dma_start3A_826 = arith.constant 0 : i32
        %dma_start3A_827 = tpu.memref_slice %arg12[%dma_start3A_825, %dma_start3A_826] : memref<10240x128xf32, #tpu.memory_space<vmem_shared>> -> memref<10240x128xf32, #tpu.memory_space<vmem_shared>>
        tpu.enqueue_indirect_dma source(%arg11 : memref<80x128xf32, #tpu.memory_space<vmem>>) target(%dma_start3A_827 : memref<10240x128xf32, #tpu.memory_space<vmem_shared>>) offsets(%dma_start3A_824 : memref<80xi32, #tpu.memory_space<vmem>>) semaphore(%run_scoped3A_821 : memref<!tpu.dma_semaphore, #tpu.memory_space<semaphore_mem>>) {add = true}
        %dma_wait3A_828 = arith.constant 0 : i32
        %dma_wait3A_829 = tpu.memref_slice %arg7[%run_scoped3A_630, %dma_wait3A_828] : memref<4x80xi32, #tpu.memory_space<vmem>> -> memref<1x80xi32, #tpu.memory_space<vmem>>
        %dma_wait3A_830 = tpu.memref_squeeze %dma_wait3A_829 : memref<1x80xi32, #tpu.memory_space<vmem>> -> memref<80xi32, #tpu.memory_space<vmem>>
        %dma_wait3A_831 = arith.constant 0 : i32
        %dma_wait3A_832 = arith.constant 0 : i32
        %dma_wait3A_833 = tpu.memref_slice %arg12[%dma_wait3A_831, %dma_wait3A_832] : memref<10240x128xf32, #tpu.memory_space<vmem_shared>> -> memref<10240x128xf32, #tpu.memory_space<vmem_shared>>
        tpu.wait_indirect_dma semaphore(%run_scoped3A_821 : memref<!tpu.dma_semaphore, #tpu.memory_space<semaphore_mem>>) src(%arg11 : memref<80x128xf32, #tpu.memory_space<vmem>>) dst(%dma_wait3A_833 : memref<10240x128xf32, #tpu.memory_space<vmem_shared>>)
        tpu.yield
      }) : () -> ()
      %add3A_631 = arith.constant 8 : i32
      %add3A_632 = arith.addi %add3A_604, %add3A_631 : i32
      %lt3A_633 = arith.constant 125 : i32
      %lt3A_634 = arith.cmpi slt, %add3A_632, %lt3A_633 : i32
      %convert_element_type3A_635 = arith.extui %lt3A_634 : i1 to i32
      %cond3A_636 = arith.constant 0 : i32
      %cond3A_637 = arith.cmpi ne, %convert_element_type3A_635, %cond3A_636 : i32
      scf.if %cond3A_637 {
        %add3A_821 = arith.constant 8 : i32
        %add3A_822 = arith.addi %add3A_604, %add3A_821 : i32
        %add3A_823 = arith.addi %mul3A_4, %add3A_822 : i32
        %dma_start3A_824 = arith.constant 3 : i32
        %dma_start3A_825 = arith.constant 0 : i32
        %dma_start3A_826 = tpu.memref_slice %arg6[%dma_start3A_824, %dma_start3A_825] : memref<8x80xi32, #tpu.memory_space<vmem>> -> memref<1x80xi32, #tpu.memory_space<vmem>>
        %dma_start3A_827 = tpu.memref_squeeze %dma_start3A_826 : memref<1x80xi32, #tpu.memory_space<vmem>> -> memref<80xi32, #tpu.memory_space<vmem>>
        %dma_start3A_828 = arith.constant 0 : i32
        %dma_start3A_829 = tpu.memref_slice %arg2[%add3A_823, %dma_start3A_828] : memref<2000x80xi32, #tpu.memory_space<hbm>> -> memref<1x80xi32, #tpu.memory_space<hbm>>
        %dma_start3A_830 = tpu.memref_squeeze %dma_start3A_829 : memref<1x80xi32, #tpu.memory_space<hbm>> -> memref<80xi32, #tpu.memory_space<hbm>>
        %dma_start3A_831 = arith.constant 0 : i32
        %dma_start3A_832 = tpu.memref_slice %arg6[%dma_start3A_824, %dma_start3A_831] : memref<8x80xi32, #tpu.memory_space<vmem>> -> memref<1x80xi32, #tpu.memory_space<vmem>>
        %dma_start3A_833 = tpu.memref_squeeze %dma_start3A_832 : memref<1x80xi32, #tpu.memory_space<vmem>> -> memref<80xi32, #tpu.memory_space<vmem>>
        %dma_start3A_834 = arith.constant 0 : i32
        %dma_start3A_835 = tpu.memref_slice %arg2[%add3A_823, %dma_start3A_834] : memref<2000x80xi32, #tpu.memory_space<hbm>> -> memref<1x80xi32, #tpu.memory_space<hbm>>
        %dma_start3A_836 = tpu.memref_squeeze %dma_start3A_835 : memref<1x80xi32, #tpu.memory_space<hbm>> -> memref<80xi32, #tpu.memory_space<hbm>>
        tpu.enqueue_dma source(%dma_start3A_836 : memref<80xi32, #tpu.memory_space<hbm>>) target(%dma_start3A_833 : memref<80xi32, #tpu.memory_space<vmem>>) target_semaphore(%arg16 : memref<!tpu.dma_semaphore, #tpu.memory_space<semaphore_mem>>)
      } else {
      }
      %add3A_638 = arith.constant 4 : i32
      %add3A_639 = arith.addi %add3A_604, %add3A_638 : i32
      %lt3A_640 = arith.constant 125 : i32
      %lt3A_641 = arith.cmpi slt, %add3A_639, %lt3A_640 : i32
      %convert_element_type3A_642 = arith.extui %lt3A_641 : i1 to i32
      %cond3A_643 = arith.constant 0 : i32
      %cond3A_644 = arith.cmpi ne, %convert_element_type3A_642, %cond3A_643 : i32
      scf.if %cond3A_644 {
        %add3A_821 = arith.constant 4 : i32
        %add3A_822 = arith.addi %add3A_604, %add3A_821 : i32
        %add3A_823 = arith.addi %mul3A_4, %add3A_822 : i32
        %dma_wait3A_824 = arith.constant 7 : i32
        %dma_wait3A_825 = arith.constant 0 : i32
        %dma_wait3A_826 = tpu.memref_slice %arg6[%dma_wait3A_824, %dma_wait3A_825] : memref<8x80xi32, #tpu.memory_space<vmem>> -> memref<1x80xi32, #tpu.memory_space<vmem>>
        %dma_wait3A_827 = tpu.memref_squeeze %dma_wait3A_826 : memref<1x80xi32, #tpu.memory_space<vmem>> -> memref<80xi32, #tpu.memory_space<vmem>>
        %dma_wait3A_828 = arith.constant 0 : i32
        %dma_wait3A_829 = tpu.memref_slice %arg2[%add3A_823, %dma_wait3A_828] : memref<2000x80xi32, #tpu.memory_space<hbm>> -> memref<1x80xi32, #tpu.memory_space<hbm>>
        %dma_wait3A_830 = tpu.memref_squeeze %dma_wait3A_829 : memref<1x80xi32, #tpu.memory_space<hbm>> -> memref<80xi32, #tpu.memory_space<hbm>>
        %dma_wait3A_831 = arith.constant 0 : i32
        %dma_wait3A_832 = tpu.memref_slice %arg6[%dma_wait3A_824, %dma_wait3A_831] : memref<8x80xi32, #tpu.memory_space<vmem>> -> memref<1x80xi32, #tpu.memory_space<vmem>>
        %dma_wait3A_833 = tpu.memref_squeeze %dma_wait3A_832 : memref<1x80xi32, #tpu.memory_space<vmem>> -> memref<80xi32, #tpu.memory_space<vmem>>
        %dma_wait3A_834 = arith.constant 0 : i32
        %dma_wait3A_835 = tpu.memref_slice %arg2[%add3A_823, %dma_wait3A_834] : memref<2000x80xi32, #tpu.memory_space<hbm>> -> memref<1x80xi32, #tpu.memory_space<hbm>>
        %dma_wait3A_836 = tpu.memref_squeeze %dma_wait3A_835 : memref<1x80xi32, #tpu.memory_space<hbm>> -> memref<80xi32, #tpu.memory_space<hbm>>
        tpu.wait_dma2 semaphore(%arg20 : memref<!tpu.dma_semaphore, #tpu.memory_space<semaphore_mem>>) src(%dma_wait3A_836 : memref<80xi32, #tpu.memory_space<hbm>>) dst(%dma_wait3A_833 : memref<80xi32, #tpu.memory_space<vmem>>)
        %add3A_837 = arith.constant 4 : i32
        %add3A_838 = arith.addi %add3A_604, %add3A_837 : i32
        %add3A_839 = arith.addi %mul3A_4, %add3A_838 : i32
        %dma_start3A_840 = arith.constant 3 : i32
        %dma_start3A_841 = arith.constant 0 : i32
        %dma_start3A_842 = tpu.memref_slice %arg7[%dma_start3A_840, %dma_start3A_841] : memref<4x80xi32, #tpu.memory_space<vmem>> -> memref<1x80xi32, #tpu.memory_space<vmem>>
        %dma_start3A_843 = tpu.memref_squeeze %dma_start3A_842 : memref<1x80xi32, #tpu.memory_space<vmem>> -> memref<80xi32, #tpu.memory_space<vmem>>
        %dma_start3A_844 = arith.constant 0 : i32
        %dma_start3A_845 = tpu.memref_slice %arg3[%add3A_839, %dma_start3A_844] : memref<2000x80xi32, #tpu.memory_space<hbm>> -> memref<1x80xi32, #tpu.memory_space<hbm>>
        %dma_start3A_846 = tpu.memref_squeeze %dma_start3A_845 : memref<1x80xi32, #tpu.memory_space<hbm>> -> memref<80xi32, #tpu.memory_space<hbm>>
        %dma_start3A_847 = arith.constant 0 : i32
        %dma_start3A_848 = tpu.memref_slice %arg7[%dma_start3A_840, %dma_start3A_847] : memref<4x80xi32, #tpu.memory_space<vmem>> -> memref<1x80xi32, #tpu.memory_space<vmem>>
        %dma_start3A_849 = tpu.memref_squeeze %dma_start3A_848 : memref<1x80xi32, #tpu.memory_space<vmem>> -> memref<80xi32, #tpu.memory_space<vmem>>
        %dma_start3A_850 = arith.constant 0 : i32
        %dma_start3A_851 = tpu.memref_slice %arg3[%add3A_839, %dma_start3A_850] : memref<2000x80xi32, #tpu.memory_space<hbm>> -> memref<1x80xi32, #tpu.memory_space<hbm>>
        %dma_start3A_852 = tpu.memref_squeeze %dma_start3A_851 : memref<1x80xi32, #tpu.memory_space<hbm>> -> memref<80xi32, #tpu.memory_space<hbm>>
        tpu.enqueue_dma source(%dma_start3A_852 : memref<80xi32, #tpu.memory_space<hbm>>) target(%dma_start3A_849 : memref<80xi32, #tpu.memory_space<vmem>>) target_semaphore(%arg24 : memref<!tpu.dma_semaphore, #tpu.memory_space<semaphore_mem>>)
        %dma_start3A_853 = arith.constant 7 : i32
        %dma_start3A_854 = arith.constant 0 : i32
        %dma_start3A_855 = tpu.memref_slice %arg6[%dma_start3A_853, %dma_start3A_854] : memref<8x80xi32, #tpu.memory_space<vmem>> -> memref<1x80xi32, #tpu.memory_space<vmem>>
        %dma_start3A_856 = tpu.memref_squeeze %dma_start3A_855 : memref<1x80xi32, #tpu.memory_space<vmem>> -> memref<80xi32, #tpu.memory_space<vmem>>
        %dma_start3A_857 = arith.constant 0 : i32
        %dma_start3A_858 = arith.constant 0 : i32
        %dma_start3A_859 = tpu.memref_slice %arg4[%arg0, %dma_start3A_857, %dma_start3A_858] : memref<2x10240x128xf32, #tpu.memory_space<hbm>> -> memref<1x10240x128xf32, #tpu.memory_space<hbm>>
        %dma_start3A_860 = tpu.memref_squeeze %dma_start3A_859 : memref<1x10240x128xf32, #tpu.memory_space<hbm>> -> memref<10240x128xf32, #tpu.memory_space<hbm>>
        %dma_start3A_861 = arith.constant 0 : i32
        %dma_start3A_862 = arith.constant 0 : i32
        %dma_start3A_863 = tpu.memref_slice %dma_start3A_860[%dma_start3A_861, %dma_start3A_862] : memref<10240x128xf32, #tpu.memory_space<hbm>> -> memref<10240x128xf32, #tpu.memory_space<hbm>>
        tpu.enqueue_indirect_dma source(%dma_start3A_863 : memref<10240x128xf32, #tpu.memory_space<hbm>>) target(%arg11 : memref<80x128xf32, #tpu.memory_space<vmem>>) offsets(%dma_start3A_856 : memref<80xi32, #tpu.memory_space<vmem>>) semaphore(%arg28 : memref<!tpu.dma_semaphore, #tpu.memory_space<semaphore_mem>>)
      } else {
      }
      %mul3A_645 = arith.constant 8 : i32
      %mul3A_646 = arith.muli %scan3A_471, %mul3A_645 : i32
      %add3A_647 = arith.constant 4 : i32
      %add3A_648 = arith.addi %mul3A_646, %add3A_647 : i32
      %dma_wait3A_649 = arith.constant 4 : i32
      %dma_wait3A_650 = arith.constant 0 : i32
      %dma_wait3A_651 = tpu.memref_slice %arg6[%dma_wait3A_649, %dma_wait3A_650] : memref<8x80xi32, #tpu.memory_space<vmem>> -> memref<1x80xi32, #tpu.memory_space<vmem>>
      %dma_wait3A_652 = tpu.memref_squeeze %dma_wait3A_651 : memref<1x80xi32, #tpu.memory_space<vmem>> -> memref<80xi32, #tpu.memory_space<vmem>>
      %dma_wait3A_653 = arith.constant 0 : i32
      %dma_wait3A_654 = arith.constant 0 : i32
      %dma_wait3A_655 = tpu.memref_slice %arg4[%arg0, %dma_wait3A_653, %dma_wait3A_654] : memref<2x10240x128xf32, #tpu.memory_space<hbm>> -> memref<1x10240x128xf32, #tpu.memory_space<hbm>>
      %dma_wait3A_656 = tpu.memref_squeeze %dma_wait3A_655 : memref<1x10240x128xf32, #tpu.memory_space<hbm>> -> memref<10240x128xf32, #tpu.memory_space<hbm>>
      %dma_wait3A_657 = arith.constant 0 : i32
      %dma_wait3A_658 = arith.constant 0 : i32
      %dma_wait3A_659 = tpu.memref_slice %dma_wait3A_656[%dma_wait3A_657, %dma_wait3A_658] : memref<10240x128xf32, #tpu.memory_space<hbm>> -> memref<10240x128xf32, #tpu.memory_space<hbm>>
      tpu.wait_indirect_dma semaphore(%arg25 : memref<!tpu.dma_semaphore, #tpu.memory_space<semaphore_mem>>) src(%dma_wait3A_659 : memref<10240x128xf32, #tpu.memory_space<hbm>>) dst(%arg8 : memref<80x128xf32, #tpu.memory_space<vmem>>)
      %add3A_660 = arith.addi %mul3A_4, %add3A_648 : i32
      %dma_wait3A_661 = arith.constant 0 : i32
      %dma_wait3A_662 = arith.constant 0 : i32
      %dma_wait3A_663 = tpu.memref_slice %arg7[%dma_wait3A_661, %dma_wait3A_662] : memref<4x80xi32, #tpu.memory_space<vmem>> -> memref<1x80xi32, #tpu.memory_space<vmem>>
      %dma_wait3A_664 = tpu.memref_squeeze %dma_wait3A_663 : memref<1x80xi32, #tpu.memory_space<vmem>> -> memref<80xi32, #tpu.memory_space<vmem>>
      %dma_wait3A_665 = arith.constant 0 : i32
      %dma_wait3A_666 = tpu.memref_slice %arg3[%add3A_660, %dma_wait3A_665] : memref<2000x80xi32, #tpu.memory_space<hbm>> -> memref<1x80xi32, #tpu.memory_space<hbm>>
      %dma_wait3A_667 = tpu.memref_squeeze %dma_wait3A_666 : memref<1x80xi32, #tpu.memory_space<hbm>> -> memref<80xi32, #tpu.memory_space<hbm>>
      %dma_wait3A_668 = arith.constant 0 : i32
      %dma_wait3A_669 = tpu.memref_slice %arg7[%dma_wait3A_661, %dma_wait3A_668] : memref<4x80xi32, #tpu.memory_space<vmem>> -> memref<1x80xi32, #tpu.memory_space<vmem>>
      %dma_wait3A_670 = tpu.memref_squeeze %dma_wait3A_669 : memref<1x80xi32, #tpu.memory_space<vmem>> -> memref<80xi32, #tpu.memory_space<vmem>>
      %dma_wait3A_671 = arith.constant 0 : i32
      %dma_wait3A_672 = tpu.memref_slice %arg3[%add3A_660, %dma_wait3A_671] : memref<2000x80xi32, #tpu.memory_space<hbm>> -> memref<1x80xi32, #tpu.memory_space<hbm>>
      %dma_wait3A_673 = tpu.memref_squeeze %dma_wait3A_672 : memref<1x80xi32, #tpu.memory_space<hbm>> -> memref<80xi32, #tpu.memory_space<hbm>>
      tpu.wait_dma2 semaphore(%arg21 : memref<!tpu.dma_semaphore, #tpu.memory_space<semaphore_mem>>) src(%dma_wait3A_673 : memref<80xi32, #tpu.memory_space<hbm>>) dst(%dma_wait3A_670 : memref<80xi32, #tpu.memory_space<vmem>>)
      %run_scoped3A_674 = arith.constant 0 : i32
      "tpu.region"() ({
        %run_scoped3A_821 = tpu.sem_alloc : memref<!tpu.dma_semaphore, #tpu.memory_space<semaphore_mem>>
        %dma_start3A_822 = arith.constant 0 : i32
        %dma_start3A_823 = tpu.memref_slice %arg7[%run_scoped3A_674, %dma_start3A_822] : memref<4x80xi32, #tpu.memory_space<vmem>> -> memref<1x80xi32, #tpu.memory_space<vmem>>
        %dma_start3A_824 = tpu.memref_squeeze %dma_start3A_823 : memref<1x80xi32, #tpu.memory_space<vmem>> -> memref<80xi32, #tpu.memory_space<vmem>>
        %dma_start3A_825 = arith.constant 0 : i32
        %dma_start3A_826 = arith.constant 0 : i32
        %dma_start3A_827 = tpu.memref_slice %arg12[%dma_start3A_825, %dma_start3A_826] : memref<10240x128xf32, #tpu.memory_space<vmem_shared>> -> memref<10240x128xf32, #tpu.memory_space<vmem_shared>>
        tpu.enqueue_indirect_dma source(%arg8 : memref<80x128xf32, #tpu.memory_space<vmem>>) target(%dma_start3A_827 : memref<10240x128xf32, #tpu.memory_space<vmem_shared>>) offsets(%dma_start3A_824 : memref<80xi32, #tpu.memory_space<vmem>>) semaphore(%run_scoped3A_821 : memref<!tpu.dma_semaphore, #tpu.memory_space<semaphore_mem>>) {add = true}
        %dma_wait3A_828 = arith.constant 0 : i32
        %dma_wait3A_829 = tpu.memref_slice %arg7[%run_scoped3A_674, %dma_wait3A_828] : memref<4x80xi32, #tpu.memory_space<vmem>> -> memref<1x80xi32, #tpu.memory_space<vmem>>
        %dma_wait3A_830 = tpu.memref_squeeze %dma_wait3A_829 : memref<1x80xi32, #tpu.memory_space<vmem>> -> memref<80xi32, #tpu.memory_space<vmem>>
        %dma_wait3A_831 = arith.constant 0 : i32
        %dma_wait3A_832 = arith.constant 0 : i32
        %dma_wait3A_833 = tpu.memref_slice %arg12[%dma_wait3A_831, %dma_wait3A_832] : memref<10240x128xf32, #tpu.memory_space<vmem_shared>> -> memref<10240x128xf32, #tpu.memory_space<vmem_shared>>
        tpu.wait_indirect_dma semaphore(%run_scoped3A_821 : memref<!tpu.dma_semaphore, #tpu.memory_space<semaphore_mem>>) src(%arg8 : memref<80x128xf32, #tpu.memory_space<vmem>>) dst(%dma_wait3A_833 : memref<10240x128xf32, #tpu.memory_space<vmem_shared>>)
        tpu.yield
      }) : () -> ()
      %add3A_675 = arith.constant 8 : i32
      %add3A_676 = arith.addi %add3A_648, %add3A_675 : i32
      %lt3A_677 = arith.constant 125 : i32
      %lt3A_678 = arith.cmpi slt, %add3A_676, %lt3A_677 : i32
      %convert_element_type3A_679 = arith.extui %lt3A_678 : i1 to i32
      %cond3A_680 = arith.constant 0 : i32
      %cond3A_681 = arith.cmpi ne, %convert_element_type3A_679, %cond3A_680 : i32
      scf.if %cond3A_681 {
        %add3A_821 = arith.constant 8 : i32
        %add3A_822 = arith.addi %add3A_648, %add3A_821 : i32
        %add3A_823 = arith.addi %mul3A_4, %add3A_822 : i32
        %dma_start3A_824 = arith.constant 4 : i32
        %dma_start3A_825 = arith.constant 0 : i32
        %dma_start3A_826 = tpu.memref_slice %arg6[%dma_start3A_824, %dma_start3A_825] : memref<8x80xi32, #tpu.memory_space<vmem>> -> memref<1x80xi32, #tpu.memory_space<vmem>>
        %dma_start3A_827 = tpu.memref_squeeze %dma_start3A_826 : memref<1x80xi32, #tpu.memory_space<vmem>> -> memref<80xi32, #tpu.memory_space<vmem>>
        %dma_start3A_828 = arith.constant 0 : i32
        %dma_start3A_829 = tpu.memref_slice %arg2[%add3A_823, %dma_start3A_828] : memref<2000x80xi32, #tpu.memory_space<hbm>> -> memref<1x80xi32, #tpu.memory_space<hbm>>
        %dma_start3A_830 = tpu.memref_squeeze %dma_start3A_829 : memref<1x80xi32, #tpu.memory_space<hbm>> -> memref<80xi32, #tpu.memory_space<hbm>>
        %dma_start3A_831 = arith.constant 0 : i32
        %dma_start3A_832 = tpu.memref_slice %arg6[%dma_start3A_824, %dma_start3A_831] : memref<8x80xi32, #tpu.memory_space<vmem>> -> memref<1x80xi32, #tpu.memory_space<vmem>>
        %dma_start3A_833 = tpu.memref_squeeze %dma_start3A_832 : memref<1x80xi32, #tpu.memory_space<vmem>> -> memref<80xi32, #tpu.memory_space<vmem>>
        %dma_start3A_834 = arith.constant 0 : i32
        %dma_start3A_835 = tpu.memref_slice %arg2[%add3A_823, %dma_start3A_834] : memref<2000x80xi32, #tpu.memory_space<hbm>> -> memref<1x80xi32, #tpu.memory_space<hbm>>
        %dma_start3A_836 = tpu.memref_squeeze %dma_start3A_835 : memref<1x80xi32, #tpu.memory_space<hbm>> -> memref<80xi32, #tpu.memory_space<hbm>>
        tpu.enqueue_dma source(%dma_start3A_836 : memref<80xi32, #tpu.memory_space<hbm>>) target(%dma_start3A_833 : memref<80xi32, #tpu.memory_space<vmem>>) target_semaphore(%arg17 : memref<!tpu.dma_semaphore, #tpu.memory_space<semaphore_mem>>)
      } else {
      }
      %add3A_682 = arith.constant 4 : i32
      %add3A_683 = arith.addi %add3A_648, %add3A_682 : i32
      %lt3A_684 = arith.constant 125 : i32
      %lt3A_685 = arith.cmpi slt, %add3A_683, %lt3A_684 : i32
      %convert_element_type3A_686 = arith.extui %lt3A_685 : i1 to i32
      %cond3A_687 = arith.constant 0 : i32
      %cond3A_688 = arith.cmpi ne, %convert_element_type3A_686, %cond3A_687 : i32
      scf.if %cond3A_688 {
        %add3A_821 = arith.constant 4 : i32
        %add3A_822 = arith.addi %add3A_648, %add3A_821 : i32
        %add3A_823 = arith.addi %mul3A_4, %add3A_822 : i32
        %dma_wait3A_824 = arith.constant 0 : i32
        %dma_wait3A_825 = arith.constant 0 : i32
        %dma_wait3A_826 = tpu.memref_slice %arg6[%dma_wait3A_824, %dma_wait3A_825] : memref<8x80xi32, #tpu.memory_space<vmem>> -> memref<1x80xi32, #tpu.memory_space<vmem>>
        %dma_wait3A_827 = tpu.memref_squeeze %dma_wait3A_826 : memref<1x80xi32, #tpu.memory_space<vmem>> -> memref<80xi32, #tpu.memory_space<vmem>>
        %dma_wait3A_828 = arith.constant 0 : i32
        %dma_wait3A_829 = tpu.memref_slice %arg2[%add3A_823, %dma_wait3A_828] : memref<2000x80xi32, #tpu.memory_space<hbm>> -> memref<1x80xi32, #tpu.memory_space<hbm>>
        %dma_wait3A_830 = tpu.memref_squeeze %dma_wait3A_829 : memref<1x80xi32, #tpu.memory_space<hbm>> -> memref<80xi32, #tpu.memory_space<hbm>>
        %dma_wait3A_831 = arith.constant 0 : i32
        %dma_wait3A_832 = tpu.memref_slice %arg6[%dma_wait3A_824, %dma_wait3A_831] : memref<8x80xi32, #tpu.memory_space<vmem>> -> memref<1x80xi32, #tpu.memory_space<vmem>>
        %dma_wait3A_833 = tpu.memref_squeeze %dma_wait3A_832 : memref<1x80xi32, #tpu.memory_space<vmem>> -> memref<80xi32, #tpu.memory_space<vmem>>
        %dma_wait3A_834 = arith.constant 0 : i32
        %dma_wait3A_835 = tpu.memref_slice %arg2[%add3A_823, %dma_wait3A_834] : memref<2000x80xi32, #tpu.memory_space<hbm>> -> memref<1x80xi32, #tpu.memory_space<hbm>>
        %dma_wait3A_836 = tpu.memref_squeeze %dma_wait3A_835 : memref<1x80xi32, #tpu.memory_space<hbm>> -> memref<80xi32, #tpu.memory_space<hbm>>
        tpu.wait_dma2 semaphore(%arg13 : memref<!tpu.dma_semaphore, #tpu.memory_space<semaphore_mem>>) src(%dma_wait3A_836 : memref<80xi32, #tpu.memory_space<hbm>>) dst(%dma_wait3A_833 : memref<80xi32, #tpu.memory_space<vmem>>)
        %add3A_837 = arith.constant 4 : i32
        %add3A_838 = arith.addi %add3A_648, %add3A_837 : i32
        %add3A_839 = arith.addi %mul3A_4, %add3A_838 : i32
        %dma_start3A_840 = arith.constant 0 : i32
        %dma_start3A_841 = arith.constant 0 : i32
        %dma_start3A_842 = tpu.memref_slice %arg7[%dma_start3A_840, %dma_start3A_841] : memref<4x80xi32, #tpu.memory_space<vmem>> -> memref<1x80xi32, #tpu.memory_space<vmem>>
        %dma_start3A_843 = tpu.memref_squeeze %dma_start3A_842 : memref<1x80xi32, #tpu.memory_space<vmem>> -> memref<80xi32, #tpu.memory_space<vmem>>
        %dma_start3A_844 = arith.constant 0 : i32
        %dma_start3A_845 = tpu.memref_slice %arg3[%add3A_839, %dma_start3A_844] : memref<2000x80xi32, #tpu.memory_space<hbm>> -> memref<1x80xi32, #tpu.memory_space<hbm>>
        %dma_start3A_846 = tpu.memref_squeeze %dma_start3A_845 : memref<1x80xi32, #tpu.memory_space<hbm>> -> memref<80xi32, #tpu.memory_space<hbm>>
        %dma_start3A_847 = arith.constant 0 : i32
        %dma_start3A_848 = tpu.memref_slice %arg7[%dma_start3A_840, %dma_start3A_847] : memref<4x80xi32, #tpu.memory_space<vmem>> -> memref<1x80xi32, #tpu.memory_space<vmem>>
        %dma_start3A_849 = tpu.memref_squeeze %dma_start3A_848 : memref<1x80xi32, #tpu.memory_space<vmem>> -> memref<80xi32, #tpu.memory_space<vmem>>
        %dma_start3A_850 = arith.constant 0 : i32
        %dma_start3A_851 = tpu.memref_slice %arg3[%add3A_839, %dma_start3A_850] : memref<2000x80xi32, #tpu.memory_space<hbm>> -> memref<1x80xi32, #tpu.memory_space<hbm>>
        %dma_start3A_852 = tpu.memref_squeeze %dma_start3A_851 : memref<1x80xi32, #tpu.memory_space<hbm>> -> memref<80xi32, #tpu.memory_space<hbm>>
        tpu.enqueue_dma source(%dma_start3A_852 : memref<80xi32, #tpu.memory_space<hbm>>) target(%dma_start3A_849 : memref<80xi32, #tpu.memory_space<vmem>>) target_semaphore(%arg21 : memref<!tpu.dma_semaphore, #tpu.memory_space<semaphore_mem>>)
        %dma_start3A_853 = arith.constant 0 : i32
        %dma_start3A_854 = arith.constant 0 : i32
        %dma_start3A_855 = tpu.memref_slice %arg6[%dma_start3A_853, %dma_start3A_854] : memref<8x80xi32, #tpu.memory_space<vmem>> -> memref<1x80xi32, #tpu.memory_space<vmem>>
        %dma_start3A_856 = tpu.memref_squeeze %dma_start3A_855 : memref<1x80xi32, #tpu.memory_space<vmem>> -> memref<80xi32, #tpu.memory_space<vmem>>
        %dma_start3A_857 = arith.constant 0 : i32
        %dma_start3A_858 = arith.constant 0 : i32
        %dma_start3A_859 = tpu.memref_slice %arg4[%arg0, %dma_start3A_857, %dma_start3A_858] : memref<2x10240x128xf32, #tpu.memory_space<hbm>> -> memref<1x10240x128xf32, #tpu.memory_space<hbm>>
        %dma_start3A_860 = tpu.memref_squeeze %dma_start3A_859 : memref<1x10240x128xf32, #tpu.memory_space<hbm>> -> memref<10240x128xf32, #tpu.memory_space<hbm>>
        %dma_start3A_861 = arith.constant 0 : i32
        %dma_start3A_862 = arith.constant 0 : i32
        %dma_start3A_863 = tpu.memref_slice %dma_start3A_860[%dma_start3A_861, %dma_start3A_862] : memref<10240x128xf32, #tpu.memory_space<hbm>> -> memref<10240x128xf32, #tpu.memory_space<hbm>>
        tpu.enqueue_indirect_dma source(%dma_start3A_863 : memref<10240x128xf32, #tpu.memory_space<hbm>>) target(%arg8 : memref<80x128xf32, #tpu.memory_space<vmem>>) offsets(%dma_start3A_856 : memref<80xi32, #tpu.memory_space<vmem>>) semaphore(%arg25 : memref<!tpu.dma_semaphore, #tpu.memory_space<semaphore_mem>>)
      } else {
      }
      %mul3A_689 = arith.constant 8 : i32
      %mul3A_690 = arith.muli %scan3A_471, %mul3A_689 : i32
      %add3A_691 = arith.constant 5 : i32
      %add3A_692 = arith.addi %mul3A_690, %add3A_691 : i32
      %dma_wait3A_693 = arith.constant 5 : i32
      %dma_wait3A_694 = arith.constant 0 : i32
      %dma_wait3A_695 = tpu.memref_slice %arg6[%dma_wait3A_693, %dma_wait3A_694] : memref<8x80xi32, #tpu.memory_space<vmem>> -> memref<1x80xi32, #tpu.memory_space<vmem>>
      %dma_wait3A_696 = tpu.memref_squeeze %dma_wait3A_695 : memref<1x80xi32, #tpu.memory_space<vmem>> -> memref<80xi32, #tpu.memory_space<vmem>>
      %dma_wait3A_697 = arith.constant 0 : i32
      %dma_wait3A_698 = arith.constant 0 : i32
      %dma_wait3A_699 = tpu.memref_slice %arg4[%arg0, %dma_wait3A_697, %dma_wait3A_698] : memref<2x10240x128xf32, #tpu.memory_space<hbm>> -> memref<1x10240x128xf32, #tpu.memory_space<hbm>>
      %dma_wait3A_700 = tpu.memref_squeeze %dma_wait3A_699 : memref<1x10240x128xf32, #tpu.memory_space<hbm>> -> memref<10240x128xf32, #tpu.memory_space<hbm>>
      %dma_wait3A_701 = arith.constant 0 : i32
      %dma_wait3A_702 = arith.constant 0 : i32
      %dma_wait3A_703 = tpu.memref_slice %dma_wait3A_700[%dma_wait3A_701, %dma_wait3A_702] : memref<10240x128xf32, #tpu.memory_space<hbm>> -> memref<10240x128xf32, #tpu.memory_space<hbm>>
      tpu.wait_indirect_dma semaphore(%arg26 : memref<!tpu.dma_semaphore, #tpu.memory_space<semaphore_mem>>) src(%dma_wait3A_703 : memref<10240x128xf32, #tpu.memory_space<hbm>>) dst(%arg9 : memref<80x128xf32, #tpu.memory_space<vmem>>)
      %add3A_704 = arith.addi %mul3A_4, %add3A_692 : i32
      %dma_wait3A_705 = arith.constant 1 : i32
      %dma_wait3A_706 = arith.constant 0 : i32
      %dma_wait3A_707 = tpu.memref_slice %arg7[%dma_wait3A_705, %dma_wait3A_706] : memref<4x80xi32, #tpu.memory_space<vmem>> -> memref<1x80xi32, #tpu.memory_space<vmem>>
      %dma_wait3A_708 = tpu.memref_squeeze %dma_wait3A_707 : memref<1x80xi32, #tpu.memory_space<vmem>> -> memref<80xi32, #tpu.memory_space<vmem>>
      %dma_wait3A_709 = arith.constant 0 : i32
      %dma_wait3A_710 = tpu.memref_slice %arg3[%add3A_704, %dma_wait3A_709] : memref<2000x80xi32, #tpu.memory_space<hbm>> -> memref<1x80xi32, #tpu.memory_space<hbm>>
      %dma_wait3A_711 = tpu.memref_squeeze %dma_wait3A_710 : memref<1x80xi32, #tpu.memory_space<hbm>> -> memref<80xi32, #tpu.memory_space<hbm>>
      %dma_wait3A_712 = arith.constant 0 : i32
      %dma_wait3A_713 = tpu.memref_slice %arg7[%dma_wait3A_705, %dma_wait3A_712] : memref<4x80xi32, #tpu.memory_space<vmem>> -> memref<1x80xi32, #tpu.memory_space<vmem>>
      %dma_wait3A_714 = tpu.memref_squeeze %dma_wait3A_713 : memref<1x80xi32, #tpu.memory_space<vmem>> -> memref<80xi32, #tpu.memory_space<vmem>>
      %dma_wait3A_715 = arith.constant 0 : i32
      %dma_wait3A_716 = tpu.memref_slice %arg3[%add3A_704, %dma_wait3A_715] : memref<2000x80xi32, #tpu.memory_space<hbm>> -> memref<1x80xi32, #tpu.memory_space<hbm>>
      %dma_wait3A_717 = tpu.memref_squeeze %dma_wait3A_716 : memref<1x80xi32, #tpu.memory_space<hbm>> -> memref<80xi32, #tpu.memory_space<hbm>>
      tpu.wait_dma2 semaphore(%arg22 : memref<!tpu.dma_semaphore, #tpu.memory_space<semaphore_mem>>) src(%dma_wait3A_717 : memref<80xi32, #tpu.memory_space<hbm>>) dst(%dma_wait3A_714 : memref<80xi32, #tpu.memory_space<vmem>>)
      %run_scoped3A_718 = arith.constant 1 : i32
      "tpu.region"() ({
        %run_scoped3A_821 = tpu.sem_alloc : memref<!tpu.dma_semaphore, #tpu.memory_space<semaphore_mem>>
        %dma_start3A_822 = arith.constant 0 : i32
        %dma_start3A_823 = tpu.memref_slice %arg7[%run_scoped3A_718, %dma_start3A_822] : memref<4x80xi32, #tpu.memory_space<vmem>> -> memref<1x80xi32, #tpu.memory_space<vmem>>
        %dma_start3A_824 = tpu.memref_squeeze %dma_start3A_823 : memref<1x80xi32, #tpu.memory_space<vmem>> -> memref<80xi32, #tpu.memory_space<vmem>>
        %dma_start3A_825 = arith.constant 0 : i32
        %dma_start3A_826 = arith.constant 0 : i32
        %dma_start3A_827 = tpu.memref_slice %arg12[%dma_start3A_825, %dma_start3A_826] : memref<10240x128xf32, #tpu.memory_space<vmem_shared>> -> memref<10240x128xf32, #tpu.memory_space<vmem_shared>>
        tpu.enqueue_indirect_dma source(%arg9 : memref<80x128xf32, #tpu.memory_space<vmem>>) target(%dma_start3A_827 : memref<10240x128xf32, #tpu.memory_space<vmem_shared>>) offsets(%dma_start3A_824 : memref<80xi32, #tpu.memory_space<vmem>>) semaphore(%run_scoped3A_821 : memref<!tpu.dma_semaphore, #tpu.memory_space<semaphore_mem>>) {add = true}
        %dma_wait3A_828 = arith.constant 0 : i32
        %dma_wait3A_829 = tpu.memref_slice %arg7[%run_scoped3A_718, %dma_wait3A_828] : memref<4x80xi32, #tpu.memory_space<vmem>> -> memref<1x80xi32, #tpu.memory_space<vmem>>
        %dma_wait3A_830 = tpu.memref_squeeze %dma_wait3A_829 : memref<1x80xi32, #tpu.memory_space<vmem>> -> memref<80xi32, #tpu.memory_space<vmem>>
        %dma_wait3A_831 = arith.constant 0 : i32
        %dma_wait3A_832 = arith.constant 0 : i32
        %dma_wait3A_833 = tpu.memref_slice %arg12[%dma_wait3A_831, %dma_wait3A_832] : memref<10240x128xf32, #tpu.memory_space<vmem_shared>> -> memref<10240x128xf32, #tpu.memory_space<vmem_shared>>
        tpu.wait_indirect_dma semaphore(%run_scoped3A_821 : memref<!tpu.dma_semaphore, #tpu.memory_space<semaphore_mem>>) src(%arg9 : memref<80x128xf32, #tpu.memory_space<vmem>>) dst(%dma_wait3A_833 : memref<10240x128xf32, #tpu.memory_space<vmem_shared>>)
        tpu.yield
      }) : () -> ()
      %add3A_719 = arith.constant 8 : i32
      %add3A_720 = arith.addi %add3A_692, %add3A_719 : i32
      %lt3A_721 = arith.constant 125 : i32
      %lt3A_722 = arith.cmpi slt, %add3A_720, %lt3A_721 : i32
      %convert_element_type3A_723 = arith.extui %lt3A_722 : i1 to i32
      %cond3A_724 = arith.constant 0 : i32
      %cond3A_725 = arith.cmpi ne, %convert_element_type3A_723, %cond3A_724 : i32
      scf.if %cond3A_725 {
        %add3A_821 = arith.constant 8 : i32
        %add3A_822 = arith.addi %add3A_692, %add3A_821 : i32
        %add3A_823 = arith.addi %mul3A_4, %add3A_822 : i32
        %dma_start3A_824 = arith.constant 5 : i32
        %dma_start3A_825 = arith.constant 0 : i32
        %dma_start3A_826 = tpu.memref_slice %arg6[%dma_start3A_824, %dma_start3A_825] : memref<8x80xi32, #tpu.memory_space<vmem>> -> memref<1x80xi32, #tpu.memory_space<vmem>>
        %dma_start3A_827 = tpu.memref_squeeze %dma_start3A_826 : memref<1x80xi32, #tpu.memory_space<vmem>> -> memref<80xi32, #tpu.memory_space<vmem>>
        %dma_start3A_828 = arith.constant 0 : i32
        %dma_start3A_829 = tpu.memref_slice %arg2[%add3A_823, %dma_start3A_828] : memref<2000x80xi32, #tpu.memory_space<hbm>> -> memref<1x80xi32, #tpu.memory_space<hbm>>
        %dma_start3A_830 = tpu.memref_squeeze %dma_start3A_829 : memref<1x80xi32, #tpu.memory_space<hbm>> -> memref<80xi32, #tpu.memory_space<hbm>>
        %dma_start3A_831 = arith.constant 0 : i32
        %dma_start3A_832 = tpu.memref_slice %arg6[%dma_start3A_824, %dma_start3A_831] : memref<8x80xi32, #tpu.memory_space<vmem>> -> memref<1x80xi32, #tpu.memory_space<vmem>>
        %dma_start3A_833 = tpu.memref_squeeze %dma_start3A_832 : memref<1x80xi32, #tpu.memory_space<vmem>> -> memref<80xi32, #tpu.memory_space<vmem>>
        %dma_start3A_834 = arith.constant 0 : i32
        %dma_start3A_835 = tpu.memref_slice %arg2[%add3A_823, %dma_start3A_834] : memref<2000x80xi32, #tpu.memory_space<hbm>> -> memref<1x80xi32, #tpu.memory_space<hbm>>
        %dma_start3A_836 = tpu.memref_squeeze %dma_start3A_835 : memref<1x80xi32, #tpu.memory_space<hbm>> -> memref<80xi32, #tpu.memory_space<hbm>>
        tpu.enqueue_dma source(%dma_start3A_836 : memref<80xi32, #tpu.memory_space<hbm>>) target(%dma_start3A_833 : memref<80xi32, #tpu.memory_space<vmem>>) target_semaphore(%arg18 : memref<!tpu.dma_semaphore, #tpu.memory_space<semaphore_mem>>)
      } else {
      }
      %add3A_726 = arith.constant 4 : i32
      %add3A_727 = arith.addi %add3A_692, %add3A_726 : i32
      %lt3A_728 = arith.constant 125 : i32
      %lt3A_729 = arith.cmpi slt, %add3A_727, %lt3A_728 : i32
      %convert_element_type3A_730 = arith.extui %lt3A_729 : i1 to i32
      %cond3A_731 = arith.constant 0 : i32
      %cond3A_732 = arith.cmpi ne, %convert_element_type3A_730, %cond3A_731 : i32
      scf.if %cond3A_732 {
        %add3A_821 = arith.constant 4 : i32
        %add3A_822 = arith.addi %add3A_692, %add3A_821 : i32
        %add3A_823 = arith.addi %mul3A_4, %add3A_822 : i32
        %dma_wait3A_824 = arith.constant 1 : i32
        %dma_wait3A_825 = arith.constant 0 : i32
        %dma_wait3A_826 = tpu.memref_slice %arg6[%dma_wait3A_824, %dma_wait3A_825] : memref<8x80xi32, #tpu.memory_space<vmem>> -> memref<1x80xi32, #tpu.memory_space<vmem>>
        %dma_wait3A_827 = tpu.memref_squeeze %dma_wait3A_826 : memref<1x80xi32, #tpu.memory_space<vmem>> -> memref<80xi32, #tpu.memory_space<vmem>>
        %dma_wait3A_828 = arith.constant 0 : i32
        %dma_wait3A_829 = tpu.memref_slice %arg2[%add3A_823, %dma_wait3A_828] : memref<2000x80xi32, #tpu.memory_space<hbm>> -> memref<1x80xi32, #tpu.memory_space<hbm>>
        %dma_wait3A_830 = tpu.memref_squeeze %dma_wait3A_829 : memref<1x80xi32, #tpu.memory_space<hbm>> -> memref<80xi32, #tpu.memory_space<hbm>>
        %dma_wait3A_831 = arith.constant 0 : i32
        %dma_wait3A_832 = tpu.memref_slice %arg6[%dma_wait3A_824, %dma_wait3A_831] : memref<8x80xi32, #tpu.memory_space<vmem>> -> memref<1x80xi32, #tpu.memory_space<vmem>>
        %dma_wait3A_833 = tpu.memref_squeeze %dma_wait3A_832 : memref<1x80xi32, #tpu.memory_space<vmem>> -> memref<80xi32, #tpu.memory_space<vmem>>
        %dma_wait3A_834 = arith.constant 0 : i32
        %dma_wait3A_835 = tpu.memref_slice %arg2[%add3A_823, %dma_wait3A_834] : memref<2000x80xi32, #tpu.memory_space<hbm>> -> memref<1x80xi32, #tpu.memory_space<hbm>>
        %dma_wait3A_836 = tpu.memref_squeeze %dma_wait3A_835 : memref<1x80xi32, #tpu.memory_space<hbm>> -> memref<80xi32, #tpu.memory_space<hbm>>
        tpu.wait_dma2 semaphore(%arg14 : memref<!tpu.dma_semaphore, #tpu.memory_space<semaphore_mem>>) src(%dma_wait3A_836 : memref<80xi32, #tpu.memory_space<hbm>>) dst(%dma_wait3A_833 : memref<80xi32, #tpu.memory_space<vmem>>)
        %add3A_837 = arith.constant 4 : i32
        %add3A_838 = arith.addi %add3A_692, %add3A_837 : i32
        %add3A_839 = arith.addi %mul3A_4, %add3A_838 : i32
        %dma_start3A_840 = arith.constant 1 : i32
        %dma_start3A_841 = arith.constant 0 : i32
        %dma_start3A_842 = tpu.memref_slice %arg7[%dma_start3A_840, %dma_start3A_841] : memref<4x80xi32, #tpu.memory_space<vmem>> -> memref<1x80xi32, #tpu.memory_space<vmem>>
        %dma_start3A_843 = tpu.memref_squeeze %dma_start3A_842 : memref<1x80xi32, #tpu.memory_space<vmem>> -> memref<80xi32, #tpu.memory_space<vmem>>
        %dma_start3A_844 = arith.constant 0 : i32
        %dma_start3A_845 = tpu.memref_slice %arg3[%add3A_839, %dma_start3A_844] : memref<2000x80xi32, #tpu.memory_space<hbm>> -> memref<1x80xi32, #tpu.memory_space<hbm>>
        %dma_start3A_846 = tpu.memref_squeeze %dma_start3A_845 : memref<1x80xi32, #tpu.memory_space<hbm>> -> memref<80xi32, #tpu.memory_space<hbm>>
        %dma_start3A_847 = arith.constant 0 : i32
        %dma_start3A_848 = tpu.memref_slice %arg7[%dma_start3A_840, %dma_start3A_847] : memref<4x80xi32, #tpu.memory_space<vmem>> -> memref<1x80xi32, #tpu.memory_space<vmem>>
        %dma_start3A_849 = tpu.memref_squeeze %dma_start3A_848 : memref<1x80xi32, #tpu.memory_space<vmem>> -> memref<80xi32, #tpu.memory_space<vmem>>
        %dma_start3A_850 = arith.constant 0 : i32
        %dma_start3A_851 = tpu.memref_slice %arg3[%add3A_839, %dma_start3A_850] : memref<2000x80xi32, #tpu.memory_space<hbm>> -> memref<1x80xi32, #tpu.memory_space<hbm>>
        %dma_start3A_852 = tpu.memref_squeeze %dma_start3A_851 : memref<1x80xi32, #tpu.memory_space<hbm>> -> memref<80xi32, #tpu.memory_space<hbm>>
        tpu.enqueue_dma source(%dma_start3A_852 : memref<80xi32, #tpu.memory_space<hbm>>) target(%dma_start3A_849 : memref<80xi32, #tpu.memory_space<vmem>>) target_semaphore(%arg22 : memref<!tpu.dma_semaphore, #tpu.memory_space<semaphore_mem>>)
        %dma_start3A_853 = arith.constant 1 : i32
        %dma_start3A_854 = arith.constant 0 : i32
        %dma_start3A_855 = tpu.memref_slice %arg6[%dma_start3A_853, %dma_start3A_854] : memref<8x80xi32, #tpu.memory_space<vmem>> -> memref<1x80xi32, #tpu.memory_space<vmem>>
        %dma_start3A_856 = tpu.memref_squeeze %dma_start3A_855 : memref<1x80xi32, #tpu.memory_space<vmem>> -> memref<80xi32, #tpu.memory_space<vmem>>
        %dma_start3A_857 = arith.constant 0 : i32
        %dma_start3A_858 = arith.constant 0 : i32
        %dma_start3A_859 = tpu.memref_slice %arg4[%arg0, %dma_start3A_857, %dma_start3A_858] : memref<2x10240x128xf32, #tpu.memory_space<hbm>> -> memref<1x10240x128xf32, #tpu.memory_space<hbm>>
        %dma_start3A_860 = tpu.memref_squeeze %dma_start3A_859 : memref<1x10240x128xf32, #tpu.memory_space<hbm>> -> memref<10240x128xf32, #tpu.memory_space<hbm>>
        %dma_start3A_861 = arith.constant 0 : i32
        %dma_start3A_862 = arith.constant 0 : i32
        %dma_start3A_863 = tpu.memref_slice %dma_start3A_860[%dma_start3A_861, %dma_start3A_862] : memref<10240x128xf32, #tpu.memory_space<hbm>> -> memref<10240x128xf32, #tpu.memory_space<hbm>>
        tpu.enqueue_indirect_dma source(%dma_start3A_863 : memref<10240x128xf32, #tpu.memory_space<hbm>>) target(%arg9 : memref<80x128xf32, #tpu.memory_space<vmem>>) offsets(%dma_start3A_856 : memref<80xi32, #tpu.memory_space<vmem>>) semaphore(%arg26 : memref<!tpu.dma_semaphore, #tpu.memory_space<semaphore_mem>>)
      } else {
      }
      %mul3A_733 = arith.constant 8 : i32
      %mul3A_734 = arith.muli %scan3A_471, %mul3A_733 : i32
      %add3A_735 = arith.constant 6 : i32
      %add3A_736 = arith.addi %mul3A_734, %add3A_735 : i32
      %dma_wait3A_737 = arith.constant 6 : i32
      %dma_wait3A_738 = arith.constant 0 : i32
      %dma_wait3A_739 = tpu.memref_slice %arg6[%dma_wait3A_737, %dma_wait3A_738] : memref<8x80xi32, #tpu.memory_space<vmem>> -> memref<1x80xi32, #tpu.memory_space<vmem>>
      %dma_wait3A_740 = tpu.memref_squeeze %dma_wait3A_739 : memref<1x80xi32, #tpu.memory_space<vmem>> -> memref<80xi32, #tpu.memory_space<vmem>>
      %dma_wait3A_741 = arith.constant 0 : i32
      %dma_wait3A_742 = arith.constant 0 : i32
      %dma_wait3A_743 = tpu.memref_slice %arg4[%arg0, %dma_wait3A_741, %dma_wait3A_742] : memref<2x10240x128xf32, #tpu.memory_space<hbm>> -> memref<1x10240x128xf32, #tpu.memory_space<hbm>>
      %dma_wait3A_744 = tpu.memref_squeeze %dma_wait3A_743 : memref<1x10240x128xf32, #tpu.memory_space<hbm>> -> memref<10240x128xf32, #tpu.memory_space<hbm>>
      %dma_wait3A_745 = arith.constant 0 : i32
      %dma_wait3A_746 = arith.constant 0 : i32
      %dma_wait3A_747 = tpu.memref_slice %dma_wait3A_744[%dma_wait3A_745, %dma_wait3A_746] : memref<10240x128xf32, #tpu.memory_space<hbm>> -> memref<10240x128xf32, #tpu.memory_space<hbm>>
      tpu.wait_indirect_dma semaphore(%arg27 : memref<!tpu.dma_semaphore, #tpu.memory_space<semaphore_mem>>) src(%dma_wait3A_747 : memref<10240x128xf32, #tpu.memory_space<hbm>>) dst(%arg10 : memref<80x128xf32, #tpu.memory_space<vmem>>)
      %add3A_748 = arith.addi %mul3A_4, %add3A_736 : i32
      %dma_wait3A_749 = arith.constant 2 : i32
      %dma_wait3A_750 = arith.constant 0 : i32
      %dma_wait3A_751 = tpu.memref_slice %arg7[%dma_wait3A_749, %dma_wait3A_750] : memref<4x80xi32, #tpu.memory_space<vmem>> -> memref<1x80xi32, #tpu.memory_space<vmem>>
      %dma_wait3A_752 = tpu.memref_squeeze %dma_wait3A_751 : memref<1x80xi32, #tpu.memory_space<vmem>> -> memref<80xi32, #tpu.memory_space<vmem>>
      %dma_wait3A_753 = arith.constant 0 : i32
      %dma_wait3A_754 = tpu.memref_slice %arg3[%add3A_748, %dma_wait3A_753] : memref<2000x80xi32, #tpu.memory_space<hbm>> -> memref<1x80xi32, #tpu.memory_space<hbm>>
      %dma_wait3A_755 = tpu.memref_squeeze %dma_wait3A_754 : memref<1x80xi32, #tpu.memory_space<hbm>> -> memref<80xi32, #tpu.memory_space<hbm>>
      %dma_wait3A_756 = arith.constant 0 : i32
      %dma_wait3A_757 = tpu.memref_slice %arg7[%dma_wait3A_749, %dma_wait3A_756] : memref<4x80xi32, #tpu.memory_space<vmem>> -> memref<1x80xi32, #tpu.memory_space<vmem>>
      %dma_wait3A_758 = tpu.memref_squeeze %dma_wait3A_757 : memref<1x80xi32, #tpu.memory_space<vmem>> -> memref<80xi32, #tpu.memory_space<vmem>>
      %dma_wait3A_759 = arith.constant 0 : i32
      %dma_wait3A_760 = tpu.memref_slice %arg3[%add3A_748, %dma_wait3A_759] : memref<2000x80xi32, #tpu.memory_space<hbm>> -> memref<1x80xi32, #tpu.memory_space<hbm>>
      %dma_wait3A_761 = tpu.memref_squeeze %dma_wait3A_760 : memref<1x80xi32, #tpu.memory_space<hbm>> -> memref<80xi32, #tpu.memory_space<hbm>>
      tpu.wait_dma2 semaphore(%arg23 : memref<!tpu.dma_semaphore, #tpu.memory_space<semaphore_mem>>) src(%dma_wait3A_761 : memref<80xi32, #tpu.memory_space<hbm>>) dst(%dma_wait3A_758 : memref<80xi32, #tpu.memory_space<vmem>>)
      %run_scoped3A_762 = arith.constant 2 : i32
      "tpu.region"() ({
        %run_scoped3A_821 = tpu.sem_alloc : memref<!tpu.dma_semaphore, #tpu.memory_space<semaphore_mem>>
        %dma_start3A_822 = arith.constant 0 : i32
        %dma_start3A_823 = tpu.memref_slice %arg7[%run_scoped3A_762, %dma_start3A_822] : memref<4x80xi32, #tpu.memory_space<vmem>> -> memref<1x80xi32, #tpu.memory_space<vmem>>
        %dma_start3A_824 = tpu.memref_squeeze %dma_start3A_823 : memref<1x80xi32, #tpu.memory_space<vmem>> -> memref<80xi32, #tpu.memory_space<vmem>>
        %dma_start3A_825 = arith.constant 0 : i32
        %dma_start3A_826 = arith.constant 0 : i32
        %dma_start3A_827 = tpu.memref_slice %arg12[%dma_start3A_825, %dma_start3A_826] : memref<10240x128xf32, #tpu.memory_space<vmem_shared>> -> memref<10240x128xf32, #tpu.memory_space<vmem_shared>>
        tpu.enqueue_indirect_dma source(%arg10 : memref<80x128xf32, #tpu.memory_space<vmem>>) target(%dma_start3A_827 : memref<10240x128xf32, #tpu.memory_space<vmem_shared>>) offsets(%dma_start3A_824 : memref<80xi32, #tpu.memory_space<vmem>>) semaphore(%run_scoped3A_821 : memref<!tpu.dma_semaphore, #tpu.memory_space<semaphore_mem>>) {add = true}
        %dma_wait3A_828 = arith.constant 0 : i32
        %dma_wait3A_829 = tpu.memref_slice %arg7[%run_scoped3A_762, %dma_wait3A_828] : memref<4x80xi32, #tpu.memory_space<vmem>> -> memref<1x80xi32, #tpu.memory_space<vmem>>
        %dma_wait3A_830 = tpu.memref_squeeze %dma_wait3A_829 : memref<1x80xi32, #tpu.memory_space<vmem>> -> memref<80xi32, #tpu.memory_space<vmem>>
        %dma_wait3A_831 = arith.constant 0 : i32
        %dma_wait3A_832 = arith.constant 0 : i32
        %dma_wait3A_833 = tpu.memref_slice %arg12[%dma_wait3A_831, %dma_wait3A_832] : memref<10240x128xf32, #tpu.memory_space<vmem_shared>> -> memref<10240x128xf32, #tpu.memory_space<vmem_shared>>
        tpu.wait_indirect_dma semaphore(%run_scoped3A_821 : memref<!tpu.dma_semaphore, #tpu.memory_space<semaphore_mem>>) src(%arg10 : memref<80x128xf32, #tpu.memory_space<vmem>>) dst(%dma_wait3A_833 : memref<10240x128xf32, #tpu.memory_space<vmem_shared>>)
        tpu.yield
      }) : () -> ()
      %add3A_763 = arith.constant 8 : i32
      %add3A_764 = arith.addi %add3A_736, %add3A_763 : i32
      %lt3A_765 = arith.constant 125 : i32
      %lt3A_766 = arith.cmpi slt, %add3A_764, %lt3A_765 : i32
      %convert_element_type3A_767 = arith.extui %lt3A_766 : i1 to i32
      %cond3A_768 = arith.constant 0 : i32
      %cond3A_769 = arith.cmpi ne, %convert_element_type3A_767, %cond3A_768 : i32
      scf.if %cond3A_769 {
        %add3A_821 = arith.constant 8 : i32
        %add3A_822 = arith.addi %add3A_736, %add3A_821 : i32
        %add3A_823 = arith.addi %mul3A_4, %add3A_822 : i32
        %dma_start3A_824 = arith.constant 6 : i32
        %dma_start3A_825 = arith.constant 0 : i32
        %dma_start3A_826 = tpu.memref_slice %arg6[%dma_start3A_824, %dma_start3A_825] : memref<8x80xi32, #tpu.memory_space<vmem>> -> memref<1x80xi32, #tpu.memory_space<vmem>>
        %dma_start3A_827 = tpu.memref_squeeze %dma_start3A_826 : memref<1x80xi32, #tpu.memory_space<vmem>> -> memref<80xi32, #tpu.memory_space<vmem>>
        %dma_start3A_828 = arith.constant 0 : i32
        %dma_start3A_829 = tpu.memref_slice %arg2[%add3A_823, %dma_start3A_828] : memref<2000x80xi32, #tpu.memory_space<hbm>> -> memref<1x80xi32, #tpu.memory_space<hbm>>
        %dma_start3A_830 = tpu.memref_squeeze %dma_start3A_829 : memref<1x80xi32, #tpu.memory_space<hbm>> -> memref<80xi32, #tpu.memory_space<hbm>>
        %dma_start3A_831 = arith.constant 0 : i32
        %dma_start3A_832 = tpu.memref_slice %arg6[%dma_start3A_824, %dma_start3A_831] : memref<8x80xi32, #tpu.memory_space<vmem>> -> memref<1x80xi32, #tpu.memory_space<vmem>>
        %dma_start3A_833 = tpu.memref_squeeze %dma_start3A_832 : memref<1x80xi32, #tpu.memory_space<vmem>> -> memref<80xi32, #tpu.memory_space<vmem>>
        %dma_start3A_834 = arith.constant 0 : i32
        %dma_start3A_835 = tpu.memref_slice %arg2[%add3A_823, %dma_start3A_834] : memref<2000x80xi32, #tpu.memory_space<hbm>> -> memref<1x80xi32, #tpu.memory_space<hbm>>
        %dma_start3A_836 = tpu.memref_squeeze %dma_start3A_835 : memref<1x80xi32, #tpu.memory_space<hbm>> -> memref<80xi32, #tpu.memory_space<hbm>>
        tpu.enqueue_dma source(%dma_start3A_836 : memref<80xi32, #tpu.memory_space<hbm>>) target(%dma_start3A_833 : memref<80xi32, #tpu.memory_space<vmem>>) target_semaphore(%arg19 : memref<!tpu.dma_semaphore, #tpu.memory_space<semaphore_mem>>)
      } else {
      }
      %add3A_770 = arith.constant 4 : i32
      %add3A_771 = arith.addi %add3A_736, %add3A_770 : i32
      %lt3A_772 = arith.constant 125 : i32
      %lt3A_773 = arith.cmpi slt, %add3A_771, %lt3A_772 : i32
      %convert_element_type3A_774 = arith.extui %lt3A_773 : i1 to i32
      %cond3A_775 = arith.constant 0 : i32
      %cond3A_776 = arith.cmpi ne, %convert_element_type3A_774, %cond3A_775 : i32
      scf.if %cond3A_776 {
        %add3A_821 = arith.constant 4 : i32
        %add3A_822 = arith.addi %add3A_736, %add3A_821 : i32
        %add3A_823 = arith.addi %mul3A_4, %add3A_822 : i32
        %dma_wait3A_824 = arith.constant 2 : i32
        %dma_wait3A_825 = arith.constant 0 : i32
        %dma_wait3A_826 = tpu.memref_slice %arg6[%dma_wait3A_824, %dma_wait3A_825] : memref<8x80xi32, #tpu.memory_space<vmem>> -> memref<1x80xi32, #tpu.memory_space<vmem>>
        %dma_wait3A_827 = tpu.memref_squeeze %dma_wait3A_826 : memref<1x80xi32, #tpu.memory_space<vmem>> -> memref<80xi32, #tpu.memory_space<vmem>>
        %dma_wait3A_828 = arith.constant 0 : i32
        %dma_wait3A_829 = tpu.memref_slice %arg2[%add3A_823, %dma_wait3A_828] : memref<2000x80xi32, #tpu.memory_space<hbm>> -> memref<1x80xi32, #tpu.memory_space<hbm>>
        %dma_wait3A_830 = tpu.memref_squeeze %dma_wait3A_829 : memref<1x80xi32, #tpu.memory_space<hbm>> -> memref<80xi32, #tpu.memory_space<hbm>>
        %dma_wait3A_831 = arith.constant 0 : i32
        %dma_wait3A_832 = tpu.memref_slice %arg6[%dma_wait3A_824, %dma_wait3A_831] : memref<8x80xi32, #tpu.memory_space<vmem>> -> memref<1x80xi32, #tpu.memory_space<vmem>>
        %dma_wait3A_833 = tpu.memref_squeeze %dma_wait3A_832 : memref<1x80xi32, #tpu.memory_space<vmem>> -> memref<80xi32, #tpu.memory_space<vmem>>
        %dma_wait3A_834 = arith.constant 0 : i32
        %dma_wait3A_835 = tpu.memref_slice %arg2[%add3A_823, %dma_wait3A_834] : memref<2000x80xi32, #tpu.memory_space<hbm>> -> memref<1x80xi32, #tpu.memory_space<hbm>>
        %dma_wait3A_836 = tpu.memref_squeeze %dma_wait3A_835 : memref<1x80xi32, #tpu.memory_space<hbm>> -> memref<80xi32, #tpu.memory_space<hbm>>
        tpu.wait_dma2 semaphore(%arg15 : memref<!tpu.dma_semaphore, #tpu.memory_space<semaphore_mem>>) src(%dma_wait3A_836 : memref<80xi32, #tpu.memory_space<hbm>>) dst(%dma_wait3A_833 : memref<80xi32, #tpu.memory_space<vmem>>)
        %add3A_837 = arith.constant 4 : i32
        %add3A_838 = arith.addi %add3A_736, %add3A_837 : i32
        %add3A_839 = arith.addi %mul3A_4, %add3A_838 : i32
        %dma_start3A_840 = arith.constant 2 : i32
        %dma_start3A_841 = arith.constant 0 : i32
        %dma_start3A_842 = tpu.memref_slice %arg7[%dma_start3A_840, %dma_start3A_841] : memref<4x80xi32, #tpu.memory_space<vmem>> -> memref<1x80xi32, #tpu.memory_space<vmem>>
        %dma_start3A_843 = tpu.memref_squeeze %dma_start3A_842 : memref<1x80xi32, #tpu.memory_space<vmem>> -> memref<80xi32, #tpu.memory_space<vmem>>
        %dma_start3A_844 = arith.constant 0 : i32
        %dma_start3A_845 = tpu.memref_slice %arg3[%add3A_839, %dma_start3A_844] : memref<2000x80xi32, #tpu.memory_space<hbm>> -> memref<1x80xi32, #tpu.memory_space<hbm>>
        %dma_start3A_846 = tpu.memref_squeeze %dma_start3A_845 : memref<1x80xi32, #tpu.memory_space<hbm>> -> memref<80xi32, #tpu.memory_space<hbm>>
        %dma_start3A_847 = arith.constant 0 : i32
        %dma_start3A_848 = tpu.memref_slice %arg7[%dma_start3A_840, %dma_start3A_847] : memref<4x80xi32, #tpu.memory_space<vmem>> -> memref<1x80xi32, #tpu.memory_space<vmem>>
        %dma_start3A_849 = tpu.memref_squeeze %dma_start3A_848 : memref<1x80xi32, #tpu.memory_space<vmem>> -> memref<80xi32, #tpu.memory_space<vmem>>
        %dma_start3A_850 = arith.constant 0 : i32
        %dma_start3A_851 = tpu.memref_slice %arg3[%add3A_839, %dma_start3A_850] : memref<2000x80xi32, #tpu.memory_space<hbm>> -> memref<1x80xi32, #tpu.memory_space<hbm>>
        %dma_start3A_852 = tpu.memref_squeeze %dma_start3A_851 : memref<1x80xi32, #tpu.memory_space<hbm>> -> memref<80xi32, #tpu.memory_space<hbm>>
        tpu.enqueue_dma source(%dma_start3A_852 : memref<80xi32, #tpu.memory_space<hbm>>) target(%dma_start3A_849 : memref<80xi32, #tpu.memory_space<vmem>>) target_semaphore(%arg23 : memref<!tpu.dma_semaphore, #tpu.memory_space<semaphore_mem>>)
        %dma_start3A_853 = arith.constant 2 : i32
        %dma_start3A_854 = arith.constant 0 : i32
        %dma_start3A_855 = tpu.memref_slice %arg6[%dma_start3A_853, %dma_start3A_854] : memref<8x80xi32, #tpu.memory_space<vmem>> -> memref<1x80xi32, #tpu.memory_space<vmem>>
        %dma_start3A_856 = tpu.memref_squeeze %dma_start3A_855 : memref<1x80xi32, #tpu.memory_space<vmem>> -> memref<80xi32, #tpu.memory_space<vmem>>
        %dma_start3A_857 = arith.constant 0 : i32
        %dma_start3A_858 = arith.constant 0 : i32
        %dma_start3A_859 = tpu.memref_slice %arg4[%arg0, %dma_start3A_857, %dma_start3A_858] : memref<2x10240x128xf32, #tpu.memory_space<hbm>> -> memref<1x10240x128xf32, #tpu.memory_space<hbm>>
        %dma_start3A_860 = tpu.memref_squeeze %dma_start3A_859 : memref<1x10240x128xf32, #tpu.memory_space<hbm>> -> memref<10240x128xf32, #tpu.memory_space<hbm>>
        %dma_start3A_861 = arith.constant 0 : i32
        %dma_start3A_862 = arith.constant 0 : i32
        %dma_start3A_863 = tpu.memref_slice %dma_start3A_860[%dma_start3A_861, %dma_start3A_862] : memref<10240x128xf32, #tpu.memory_space<hbm>> -> memref<10240x128xf32, #tpu.memory_space<hbm>>
        tpu.enqueue_indirect_dma source(%dma_start3A_863 : memref<10240x128xf32, #tpu.memory_space<hbm>>) target(%arg10 : memref<80x128xf32, #tpu.memory_space<vmem>>) offsets(%dma_start3A_856 : memref<80xi32, #tpu.memory_space<vmem>>) semaphore(%arg27 : memref<!tpu.dma_semaphore, #tpu.memory_space<semaphore_mem>>)
      } else {
      }
      %mul3A_777 = arith.constant 8 : i32
      %mul3A_778 = arith.muli %scan3A_471, %mul3A_777 : i32
      %add3A_779 = arith.constant 7 : i32
      %add3A_780 = arith.addi %mul3A_778, %add3A_779 : i32
      %dma_wait3A_781 = arith.constant 7 : i32
      %dma_wait3A_782 = arith.constant 0 : i32
      %dma_wait3A_783 = tpu.memref_slice %arg6[%dma_wait3A_781, %dma_wait3A_782] : memref<8x80xi32, #tpu.memory_space<vmem>> -> memref<1x80xi32, #tpu.memory_space<vmem>>
      %dma_wait3A_784 = tpu.memref_squeeze %dma_wait3A_783 : memref<1x80xi32, #tpu.memory_space<vmem>> -> memref<80xi32, #tpu.memory_space<vmem>>
      %dma_wait3A_785 = arith.constant 0 : i32
      %dma_wait3A_786 = arith.constant 0 : i32
      %dma_wait3A_787 = tpu.memref_slice %arg4[%arg0, %dma_wait3A_785, %dma_wait3A_786] : memref<2x10240x128xf32, #tpu.memory_space<hbm>> -> memref<1x10240x128xf32, #tpu.memory_space<hbm>>
      %dma_wait3A_788 = tpu.memref_squeeze %dma_wait3A_787 : memref<1x10240x128xf32, #tpu.memory_space<hbm>> -> memref<10240x128xf32, #tpu.memory_space<hbm>>
      %dma_wait3A_789 = arith.constant 0 : i32
      %dma_wait3A_790 = arith.constant 0 : i32
      %dma_wait3A_791 = tpu.memref_slice %dma_wait3A_788[%dma_wait3A_789, %dma_wait3A_790] : memref<10240x128xf32, #tpu.memory_space<hbm>> -> memref<10240x128xf32, #tpu.memory_space<hbm>>
      tpu.wait_indirect_dma semaphore(%arg28 : memref<!tpu.dma_semaphore, #tpu.memory_space<semaphore_mem>>) src(%dma_wait3A_791 : memref<10240x128xf32, #tpu.memory_space<hbm>>) dst(%arg11 : memref<80x128xf32, #tpu.memory_space<vmem>>)
      %add3A_792 = arith.addi %mul3A_4, %add3A_780 : i32
      %dma_wait3A_793 = arith.constant 3 : i32
      %dma_wait3A_794 = arith.constant 0 : i32
      %dma_wait3A_795 = tpu.memref_slice %arg7[%dma_wait3A_793, %dma_wait3A_794] : memref<4x80xi32, #tpu.memory_space<vmem>> -> memref<1x80xi32, #tpu.memory_space<vmem>>
      %dma_wait3A_796 = tpu.memref_squeeze %dma_wait3A_795 : memref<1x80xi32, #tpu.memory_space<vmem>> -> memref<80xi32, #tpu.memory_space<vmem>>
      %dma_wait3A_797 = arith.constant 0 : i32
      %dma_wait3A_798 = tpu.memref_slice %arg3[%add3A_792, %dma_wait3A_797] : memref<2000x80xi32, #tpu.memory_space<hbm>> -> memref<1x80xi32, #tpu.memory_space<hbm>>
      %dma_wait3A_799 = tpu.memref_squeeze %dma_wait3A_798 : memref<1x80xi32, #tpu.memory_space<hbm>> -> memref<80xi32, #tpu.memory_space<hbm>>
      %dma_wait3A_800 = arith.constant 0 : i32
      %dma_wait3A_801 = tpu.memref_slice %arg7[%dma_wait3A_793, %dma_wait3A_800] : memref<4x80xi32, #tpu.memory_space<vmem>> -> memref<1x80xi32, #tpu.memory_space<vmem>>
      %dma_wait3A_802 = tpu.memref_squeeze %dma_wait3A_801 : memref<1x80xi32, #tpu.memory_space<vmem>> -> memref<80xi32, #tpu.memory_space<vmem>>
      %dma_wait3A_803 = arith.constant 0 : i32
      %dma_wait3A_804 = tpu.memref_slice %arg3[%add3A_792, %dma_wait3A_803] : memref<2000x80xi32, #tpu.memory_space<hbm>> -> memref<1x80xi32, #tpu.memory_space<hbm>>
      %dma_wait3A_805 = tpu.memref_squeeze %dma_wait3A_804 : memref<1x80xi32, #tpu.memory_space<hbm>> -> memref<80xi32, #tpu.memory_space<hbm>>
      tpu.wait_dma2 semaphore(%arg24 : memref<!tpu.dma_semaphore, #tpu.memory_space<semaphore_mem>>) src(%dma_wait3A_805 : memref<80xi32, #tpu.memory_space<hbm>>) dst(%dma_wait3A_802 : memref<80xi32, #tpu.memory_space<vmem>>)
      %run_scoped3A_806 = arith.constant 3 : i32
      "tpu.region"() ({
        %run_scoped3A_821 = tpu.sem_alloc : memref<!tpu.dma_semaphore, #tpu.memory_space<semaphore_mem>>
        %dma_start3A_822 = arith.constant 0 : i32
        %dma_start3A_823 = tpu.memref_slice %arg7[%run_scoped3A_806, %dma_start3A_822] : memref<4x80xi32, #tpu.memory_space<vmem>> -> memref<1x80xi32, #tpu.memory_space<vmem>>
        %dma_start3A_824 = tpu.memref_squeeze %dma_start3A_823 : memref<1x80xi32, #tpu.memory_space<vmem>> -> memref<80xi32, #tpu.memory_space<vmem>>
        %dma_start3A_825 = arith.constant 0 : i32
        %dma_start3A_826 = arith.constant 0 : i32
        %dma_start3A_827 = tpu.memref_slice %arg12[%dma_start3A_825, %dma_start3A_826] : memref<10240x128xf32, #tpu.memory_space<vmem_shared>> -> memref<10240x128xf32, #tpu.memory_space<vmem_shared>>
        tpu.enqueue_indirect_dma source(%arg11 : memref<80x128xf32, #tpu.memory_space<vmem>>) target(%dma_start3A_827 : memref<10240x128xf32, #tpu.memory_space<vmem_shared>>) offsets(%dma_start3A_824 : memref<80xi32, #tpu.memory_space<vmem>>) semaphore(%run_scoped3A_821 : memref<!tpu.dma_semaphore, #tpu.memory_space<semaphore_mem>>) {add = true}
        %dma_wait3A_828 = arith.constant 0 : i32
        %dma_wait3A_829 = tpu.memref_slice %arg7[%run_scoped3A_806, %dma_wait3A_828] : memref<4x80xi32, #tpu.memory_space<vmem>> -> memref<1x80xi32, #tpu.memory_space<vmem>>
        %dma_wait3A_830 = tpu.memref_squeeze %dma_wait3A_829 : memref<1x80xi32, #tpu.memory_space<vmem>> -> memref<80xi32, #tpu.memory_space<vmem>>
        %dma_wait3A_831 = arith.constant 0 : i32
        %dma_wait3A_832 = arith.constant 0 : i32
        %dma_wait3A_833 = tpu.memref_slice %arg12[%dma_wait3A_831, %dma_wait3A_832] : memref<10240x128xf32, #tpu.memory_space<vmem_shared>> -> memref<10240x128xf32, #tpu.memory_space<vmem_shared>>
        tpu.wait_indirect_dma semaphore(%run_scoped3A_821 : memref<!tpu.dma_semaphore, #tpu.memory_space<semaphore_mem>>) src(%arg11 : memref<80x128xf32, #tpu.memory_space<vmem>>) dst(%dma_wait3A_833 : memref<10240x128xf32, #tpu.memory_space<vmem_shared>>)
        tpu.yield
      }) : () -> ()
      %add3A_807 = arith.constant 8 : i32
      %add3A_808 = arith.addi %add3A_780, %add3A_807 : i32
      %lt3A_809 = arith.constant 125 : i32
      %lt3A_810 = arith.cmpi slt, %add3A_808, %lt3A_809 : i32
      %convert_element_type3A_811 = arith.extui %lt3A_810 : i1 to i32
      %cond3A_812 = arith.constant 0 : i32
      %cond3A_813 = arith.cmpi ne, %convert_element_type3A_811, %cond3A_812 : i32
      scf.if %cond3A_813 {
        %add3A_821 = arith.constant 8 : i32
        %add3A_822 = arith.addi %add3A_780, %add3A_821 : i32
        %add3A_823 = arith.addi %mul3A_4, %add3A_822 : i32
        %dma_start3A_824 = arith.constant 7 : i32
        %dma_start3A_825 = arith.constant 0 : i32
        %dma_start3A_826 = tpu.memref_slice %arg6[%dma_start3A_824, %dma_start3A_825] : memref<8x80xi32, #tpu.memory_space<vmem>> -> memref<1x80xi32, #tpu.memory_space<vmem>>
        %dma_start3A_827 = tpu.memref_squeeze %dma_start3A_826 : memref<1x80xi32, #tpu.memory_space<vmem>> -> memref<80xi32, #tpu.memory_space<vmem>>
        %dma_start3A_828 = arith.constant 0 : i32
        %dma_start3A_829 = tpu.memref_slice %arg2[%add3A_823, %dma_start3A_828] : memref<2000x80xi32, #tpu.memory_space<hbm>> -> memref<1x80xi32, #tpu.memory_space<hbm>>
        %dma_start3A_830 = tpu.memref_squeeze %dma_start3A_829 : memref<1x80xi32, #tpu.memory_space<hbm>> -> memref<80xi32, #tpu.memory_space<hbm>>
        %dma_start3A_831 = arith.constant 0 : i32
        %dma_start3A_832 = tpu.memref_slice %arg6[%dma_start3A_824, %dma_start3A_831] : memref<8x80xi32, #tpu.memory_space<vmem>> -> memref<1x80xi32, #tpu.memory_space<vmem>>
        %dma_start3A_833 = tpu.memref_squeeze %dma_start3A_832 : memref<1x80xi32, #tpu.memory_space<vmem>> -> memref<80xi32, #tpu.memory_space<vmem>>
        %dma_start3A_834 = arith.constant 0 : i32
        %dma_start3A_835 = tpu.memref_slice %arg2[%add3A_823, %dma_start3A_834] : memref<2000x80xi32, #tpu.memory_space<hbm>> -> memref<1x80xi32, #tpu.memory_space<hbm>>
        %dma_start3A_836 = tpu.memref_squeeze %dma_start3A_835 : memref<1x80xi32, #tpu.memory_space<hbm>> -> memref<80xi32, #tpu.memory_space<hbm>>
        tpu.enqueue_dma source(%dma_start3A_836 : memref<80xi32, #tpu.memory_space<hbm>>) target(%dma_start3A_833 : memref<80xi32, #tpu.memory_space<vmem>>) target_semaphore(%arg20 : memref<!tpu.dma_semaphore, #tpu.memory_space<semaphore_mem>>)
      } else {
      }
      %add3A_814 = arith.constant 4 : i32
      %add3A_815 = arith.addi %add3A_780, %add3A_814 : i32
      %lt3A_816 = arith.constant 125 : i32
      %lt3A_817 = arith.cmpi slt, %add3A_815, %lt3A_816 : i32
      %convert_element_type3A_818 = arith.extui %lt3A_817 : i1 to i32
      %cond3A_819 = arith.constant 0 : i32
      %cond3A_820 = arith.cmpi ne, %convert_element_type3A_818, %cond3A_819 : i32
      scf.if %cond3A_820 {
        %add3A_821 = arith.constant 4 : i32
        %add3A_822 = arith.addi %add3A_780, %add3A_821 : i32
        %add3A_823 = arith.addi %mul3A_4, %add3A_822 : i32
        %dma_wait3A_824 = arith.constant 3 : i32
        %dma_wait3A_825 = arith.constant 0 : i32
        %dma_wait3A_826 = tpu.memref_slice %arg6[%dma_wait3A_824, %dma_wait3A_825] : memref<8x80xi32, #tpu.memory_space<vmem>> -> memref<1x80xi32, #tpu.memory_space<vmem>>
        %dma_wait3A_827 = tpu.memref_squeeze %dma_wait3A_826 : memref<1x80xi32, #tpu.memory_space<vmem>> -> memref<80xi32, #tpu.memory_space<vmem>>
        %dma_wait3A_828 = arith.constant 0 : i32
        %dma_wait3A_829 = tpu.memref_slice %arg2[%add3A_823, %dma_wait3A_828] : memref<2000x80xi32, #tpu.memory_space<hbm>> -> memref<1x80xi32, #tpu.memory_space<hbm>>
        %dma_wait3A_830 = tpu.memref_squeeze %dma_wait3A_829 : memref<1x80xi32, #tpu.memory_space<hbm>> -> memref<80xi32, #tpu.memory_space<hbm>>
        %dma_wait3A_831 = arith.constant 0 : i32
        %dma_wait3A_832 = tpu.memref_slice %arg6[%dma_wait3A_824, %dma_wait3A_831] : memref<8x80xi32, #tpu.memory_space<vmem>> -> memref<1x80xi32, #tpu.memory_space<vmem>>
        %dma_wait3A_833 = tpu.memref_squeeze %dma_wait3A_832 : memref<1x80xi32, #tpu.memory_space<vmem>> -> memref<80xi32, #tpu.memory_space<vmem>>
        %dma_wait3A_834 = arith.constant 0 : i32
        %dma_wait3A_835 = tpu.memref_slice %arg2[%add3A_823, %dma_wait3A_834] : memref<2000x80xi32, #tpu.memory_space<hbm>> -> memref<1x80xi32, #tpu.memory_space<hbm>>
        %dma_wait3A_836 = tpu.memref_squeeze %dma_wait3A_835 : memref<1x80xi32, #tpu.memory_space<hbm>> -> memref<80xi32, #tpu.memory_space<hbm>>
        tpu.wait_dma2 semaphore(%arg16 : memref<!tpu.dma_semaphore, #tpu.memory_space<semaphore_mem>>) src(%dma_wait3A_836 : memref<80xi32, #tpu.memory_space<hbm>>) dst(%dma_wait3A_833 : memref<80xi32, #tpu.memory_space<vmem>>)
        %add3A_837 = arith.constant 4 : i32
        %add3A_838 = arith.addi %add3A_780, %add3A_837 : i32
        %add3A_839 = arith.addi %mul3A_4, %add3A_838 : i32
        %dma_start3A_840 = arith.constant 3 : i32
        %dma_start3A_841 = arith.constant 0 : i32
        %dma_start3A_842 = tpu.memref_slice %arg7[%dma_start3A_840, %dma_start3A_841] : memref<4x80xi32, #tpu.memory_space<vmem>> -> memref<1x80xi32, #tpu.memory_space<vmem>>
        %dma_start3A_843 = tpu.memref_squeeze %dma_start3A_842 : memref<1x80xi32, #tpu.memory_space<vmem>> -> memref<80xi32, #tpu.memory_space<vmem>>
        %dma_start3A_844 = arith.constant 0 : i32
        %dma_start3A_845 = tpu.memref_slice %arg3[%add3A_839, %dma_start3A_844] : memref<2000x80xi32, #tpu.memory_space<hbm>> -> memref<1x80xi32, #tpu.memory_space<hbm>>
        %dma_start3A_846 = tpu.memref_squeeze %dma_start3A_845 : memref<1x80xi32, #tpu.memory_space<hbm>> -> memref<80xi32, #tpu.memory_space<hbm>>
        %dma_start3A_847 = arith.constant 0 : i32
        %dma_start3A_848 = tpu.memref_slice %arg7[%dma_start3A_840, %dma_start3A_847] : memref<4x80xi32, #tpu.memory_space<vmem>> -> memref<1x80xi32, #tpu.memory_space<vmem>>
        %dma_start3A_849 = tpu.memref_squeeze %dma_start3A_848 : memref<1x80xi32, #tpu.memory_space<vmem>> -> memref<80xi32, #tpu.memory_space<vmem>>
        %dma_start3A_850 = arith.constant 0 : i32
        %dma_start3A_851 = tpu.memref_slice %arg3[%add3A_839, %dma_start3A_850] : memref<2000x80xi32, #tpu.memory_space<hbm>> -> memref<1x80xi32, #tpu.memory_space<hbm>>
        %dma_start3A_852 = tpu.memref_squeeze %dma_start3A_851 : memref<1x80xi32, #tpu.memory_space<hbm>> -> memref<80xi32, #tpu.memory_space<hbm>>
        tpu.enqueue_dma source(%dma_start3A_852 : memref<80xi32, #tpu.memory_space<hbm>>) target(%dma_start3A_849 : memref<80xi32, #tpu.memory_space<vmem>>) target_semaphore(%arg24 : memref<!tpu.dma_semaphore, #tpu.memory_space<semaphore_mem>>)
        %dma_start3A_853 = arith.constant 3 : i32
        %dma_start3A_854 = arith.constant 0 : i32
        %dma_start3A_855 = tpu.memref_slice %arg6[%dma_start3A_853, %dma_start3A_854] : memref<8x80xi32, #tpu.memory_space<vmem>> -> memref<1x80xi32, #tpu.memory_space<vmem>>
        %dma_start3A_856 = tpu.memref_squeeze %dma_start3A_855 : memref<1x80xi32, #tpu.memory_space<vmem>> -> memref<80xi32, #tpu.memory_space<vmem>>
        %dma_start3A_857 = arith.constant 0 : i32
        %dma_start3A_858 = arith.constant 0 : i32
        %dma_start3A_859 = tpu.memref_slice %arg4[%arg0, %dma_start3A_857, %dma_start3A_858] : memref<2x10240x128xf32, #tpu.memory_space<hbm>> -> memref<1x10240x128xf32, #tpu.memory_space<hbm>>
        %dma_start3A_860 = tpu.memref_squeeze %dma_start3A_859 : memref<1x10240x128xf32, #tpu.memory_space<hbm>> -> memref<10240x128xf32, #tpu.memory_space<hbm>>
        %dma_start3A_861 = arith.constant 0 : i32
        %dma_start3A_862 = arith.constant 0 : i32
        %dma_start3A_863 = tpu.memref_slice %dma_start3A_860[%dma_start3A_861, %dma_start3A_862] : memref<10240x128xf32, #tpu.memory_space<hbm>> -> memref<10240x128xf32, #tpu.memory_space<hbm>>
        tpu.enqueue_indirect_dma source(%dma_start3A_863 : memref<10240x128xf32, #tpu.memory_space<hbm>>) target(%arg11 : memref<80x128xf32, #tpu.memory_space<vmem>>) offsets(%dma_start3A_856 : memref<80xi32, #tpu.memory_space<vmem>>) semaphore(%arg28 : memref<!tpu.dma_semaphore, #tpu.memory_space<semaphore_mem>>)
      } else {
      }
    }
    %scan3A_290 = arith.constant 15 : i32
    %dma_wait3A_291 = arith.constant 0 : i32
    %dma_wait3A_292 = arith.constant 0 : i32
    %dma_wait3A_293 = tpu.memref_slice %arg6[%dma_wait3A_291, %dma_wait3A_292] : memref<8x80xi32, #tpu.memory_space<vmem>> -> memref<1x80xi32, #tpu.memory_space<vmem>>
    %dma_wait3A_294 = tpu.memref_squeeze %dma_wait3A_293 : memref<1x80xi32, #tpu.memory_space<vmem>> -> memref<80xi32, #tpu.memory_space<vmem>>
    %dma_wait3A_295 = arith.constant 0 : i32
    %dma_wait3A_296 = arith.constant 0 : i32
    %dma_wait3A_297 = tpu.memref_slice %arg4[%arg0, %dma_wait3A_295, %dma_wait3A_296] : memref<2x10240x128xf32, #tpu.memory_space<hbm>> -> memref<1x10240x128xf32, #tpu.memory_space<hbm>>
    %dma_wait3A_298 = tpu.memref_squeeze %dma_wait3A_297 : memref<1x10240x128xf32, #tpu.memory_space<hbm>> -> memref<10240x128xf32, #tpu.memory_space<hbm>>
    %dma_wait3A_299 = arith.constant 0 : i32
    %dma_wait3A_300 = arith.constant 0 : i32
    %dma_wait3A_301 = tpu.memref_slice %dma_wait3A_298[%dma_wait3A_299, %dma_wait3A_300] : memref<10240x128xf32, #tpu.memory_space<hbm>> -> memref<10240x128xf32, #tpu.memory_space<hbm>>
    tpu.wait_indirect_dma semaphore(%arg25 : memref<!tpu.dma_semaphore, #tpu.memory_space<semaphore_mem>>) src(%dma_wait3A_301 : memref<10240x128xf32, #tpu.memory_space<hbm>>) dst(%arg8 : memref<80x128xf32, #tpu.memory_space<vmem>>)
    %add3A_302 = arith.constant 120 : i32
    %add3A_303 = arith.addi %mul3A_4, %add3A_302 : i32
    %dma_wait3A_304 = arith.constant 0 : i32
    %dma_wait3A_305 = arith.constant 0 : i32
    %dma_wait3A_306 = tpu.memref_slice %arg7[%dma_wait3A_304, %dma_wait3A_305] : memref<4x80xi32, #tpu.memory_space<vmem>> -> memref<1x80xi32, #tpu.memory_space<vmem>>
    %dma_wait3A_307 = tpu.memref_squeeze %dma_wait3A_306 : memref<1x80xi32, #tpu.memory_space<vmem>> -> memref<80xi32, #tpu.memory_space<vmem>>
    %dma_wait3A_308 = arith.constant 0 : i32
    %dma_wait3A_309 = tpu.memref_slice %arg3[%add3A_303, %dma_wait3A_308] : memref<2000x80xi32, #tpu.memory_space<hbm>> -> memref<1x80xi32, #tpu.memory_space<hbm>>
    %dma_wait3A_310 = tpu.memref_squeeze %dma_wait3A_309 : memref<1x80xi32, #tpu.memory_space<hbm>> -> memref<80xi32, #tpu.memory_space<hbm>>
    %dma_wait3A_311 = arith.constant 0 : i32
    %dma_wait3A_312 = tpu.memref_slice %arg7[%dma_wait3A_304, %dma_wait3A_311] : memref<4x80xi32, #tpu.memory_space<vmem>> -> memref<1x80xi32, #tpu.memory_space<vmem>>
    %dma_wait3A_313 = tpu.memref_squeeze %dma_wait3A_312 : memref<1x80xi32, #tpu.memory_space<vmem>> -> memref<80xi32, #tpu.memory_space<vmem>>
    %dma_wait3A_314 = arith.constant 0 : i32
    %dma_wait3A_315 = tpu.memref_slice %arg3[%add3A_303, %dma_wait3A_314] : memref<2000x80xi32, #tpu.memory_space<hbm>> -> memref<1x80xi32, #tpu.memory_space<hbm>>
    %dma_wait3A_316 = tpu.memref_squeeze %dma_wait3A_315 : memref<1x80xi32, #tpu.memory_space<hbm>> -> memref<80xi32, #tpu.memory_space<hbm>>
    tpu.wait_dma2 semaphore(%arg21 : memref<!tpu.dma_semaphore, #tpu.memory_space<semaphore_mem>>) src(%dma_wait3A_316 : memref<80xi32, #tpu.memory_space<hbm>>) dst(%dma_wait3A_313 : memref<80xi32, #tpu.memory_space<vmem>>)
    %run_scoped3A = arith.constant 0 : i32
    "tpu.region"() ({
      %run_scoped3A_471 = tpu.sem_alloc : memref<!tpu.dma_semaphore, #tpu.memory_space<semaphore_mem>>
      %dma_start3A_472 = arith.constant 0 : i32
      %dma_start3A_473 = tpu.memref_slice %arg7[%run_scoped3A, %dma_start3A_472] : memref<4x80xi32, #tpu.memory_space<vmem>> -> memref<1x80xi32, #tpu.memory_space<vmem>>
      %dma_start3A_474 = tpu.memref_squeeze %dma_start3A_473 : memref<1x80xi32, #tpu.memory_space<vmem>> -> memref<80xi32, #tpu.memory_space<vmem>>
      %dma_start3A_475 = arith.constant 0 : i32
      %dma_start3A_476 = arith.constant 0 : i32
      %dma_start3A_477 = tpu.memref_slice %arg12[%dma_start3A_475, %dma_start3A_476] : memref<10240x128xf32, #tpu.memory_space<vmem_shared>> -> memref<10240x128xf32, #tpu.memory_space<vmem_shared>>
      tpu.enqueue_indirect_dma source(%arg8 : memref<80x128xf32, #tpu.memory_space<vmem>>) target(%dma_start3A_477 : memref<10240x128xf32, #tpu.memory_space<vmem_shared>>) offsets(%dma_start3A_474 : memref<80xi32, #tpu.memory_space<vmem>>) semaphore(%run_scoped3A_471 : memref<!tpu.dma_semaphore, #tpu.memory_space<semaphore_mem>>) {add = true}
      %dma_wait3A_478 = arith.constant 0 : i32
      %dma_wait3A_479 = tpu.memref_slice %arg7[%run_scoped3A, %dma_wait3A_478] : memref<4x80xi32, #tpu.memory_space<vmem>> -> memref<1x80xi32, #tpu.memory_space<vmem>>
      %dma_wait3A_480 = tpu.memref_squeeze %dma_wait3A_479 : memref<1x80xi32, #tpu.memory_space<vmem>> -> memref<80xi32, #tpu.memory_space<vmem>>
      %dma_wait3A_481 = arith.constant 0 : i32
      %dma_wait3A_482 = arith.constant 0 : i32
      %dma_wait3A_483 = tpu.memref_slice %arg12[%dma_wait3A_481, %dma_wait3A_482] : memref<10240x128xf32, #tpu.memory_space<vmem_shared>> -> memref<10240x128xf32, #tpu.memory_space<vmem_shared>>
      tpu.wait_indirect_dma semaphore(%run_scoped3A_471 : memref<!tpu.dma_semaphore, #tpu.memory_space<semaphore_mem>>) src(%arg8 : memref<80x128xf32, #tpu.memory_space<vmem>>) dst(%dma_wait3A_483 : memref<10240x128xf32, #tpu.memory_space<vmem_shared>>)
      tpu.yield
    }) : () -> ()
    %add3A_317 = arith.constant 124 : i32
    %add3A_318 = arith.addi %mul3A_4, %add3A_317 : i32
    %dma_wait3A_319 = arith.constant 4 : i32
    %dma_wait3A_320 = arith.constant 0 : i32
    %dma_wait3A_321 = tpu.memref_slice %arg6[%dma_wait3A_319, %dma_wait3A_320] : memref<8x80xi32, #tpu.memory_space<vmem>> -> memref<1x80xi32, #tpu.memory_space<vmem>>
    %dma_wait3A_322 = tpu.memref_squeeze %dma_wait3A_321 : memref<1x80xi32, #tpu.memory_space<vmem>> -> memref<80xi32, #tpu.memory_space<vmem>>
    %dma_wait3A_323 = arith.constant 0 : i32
    %dma_wait3A_324 = tpu.memref_slice %arg2[%add3A_318, %dma_wait3A_323] : memref<2000x80xi32, #tpu.memory_space<hbm>> -> memref<1x80xi32, #tpu.memory_space<hbm>>
    %dma_wait3A_325 = tpu.memref_squeeze %dma_wait3A_324 : memref<1x80xi32, #tpu.memory_space<hbm>> -> memref<80xi32, #tpu.memory_space<hbm>>
    %dma_wait3A_326 = arith.constant 0 : i32
    %dma_wait3A_327 = tpu.memref_slice %arg6[%dma_wait3A_319, %dma_wait3A_326] : memref<8x80xi32, #tpu.memory_space<vmem>> -> memref<1x80xi32, #tpu.memory_space<vmem>>
    %dma_wait3A_328 = tpu.memref_squeeze %dma_wait3A_327 : memref<1x80xi32, #tpu.memory_space<vmem>> -> memref<80xi32, #tpu.memory_space<vmem>>
    %dma_wait3A_329 = arith.constant 0 : i32
    %dma_wait3A_330 = tpu.memref_slice %arg2[%add3A_318, %dma_wait3A_329] : memref<2000x80xi32, #tpu.memory_space<hbm>> -> memref<1x80xi32, #tpu.memory_space<hbm>>
    %dma_wait3A_331 = tpu.memref_squeeze %dma_wait3A_330 : memref<1x80xi32, #tpu.memory_space<hbm>> -> memref<80xi32, #tpu.memory_space<hbm>>
    tpu.wait_dma2 semaphore(%arg17 : memref<!tpu.dma_semaphore, #tpu.memory_space<semaphore_mem>>) src(%dma_wait3A_331 : memref<80xi32, #tpu.memory_space<hbm>>) dst(%dma_wait3A_328 : memref<80xi32, #tpu.memory_space<vmem>>)
    %add3A_332 = arith.constant 124 : i32
    %add3A_333 = arith.addi %mul3A_4, %add3A_332 : i32
    %dma_start3A_334 = arith.constant 0 : i32
    %dma_start3A_335 = arith.constant 0 : i32
    %dma_start3A_336 = tpu.memref_slice %arg7[%dma_start3A_334, %dma_start3A_335] : memref<4x80xi32, #tpu.memory_space<vmem>> -> memref<1x80xi32, #tpu.memory_space<vmem>>
    %dma_start3A_337 = tpu.memref_squeeze %dma_start3A_336 : memref<1x80xi32, #tpu.memory_space<vmem>> -> memref<80xi32, #tpu.memory_space<vmem>>
    %dma_start3A_338 = arith.constant 0 : i32
    %dma_start3A_339 = tpu.memref_slice %arg3[%add3A_333, %dma_start3A_338] : memref<2000x80xi32, #tpu.memory_space<hbm>> -> memref<1x80xi32, #tpu.memory_space<hbm>>
    %dma_start3A_340 = tpu.memref_squeeze %dma_start3A_339 : memref<1x80xi32, #tpu.memory_space<hbm>> -> memref<80xi32, #tpu.memory_space<hbm>>
    %dma_start3A_341 = arith.constant 0 : i32
    %dma_start3A_342 = tpu.memref_slice %arg7[%dma_start3A_334, %dma_start3A_341] : memref<4x80xi32, #tpu.memory_space<vmem>> -> memref<1x80xi32, #tpu.memory_space<vmem>>
    %dma_start3A_343 = tpu.memref_squeeze %dma_start3A_342 : memref<1x80xi32, #tpu.memory_space<vmem>> -> memref<80xi32, #tpu.memory_space<vmem>>
    %dma_start3A_344 = arith.constant 0 : i32
    %dma_start3A_345 = tpu.memref_slice %arg3[%add3A_333, %dma_start3A_344] : memref<2000x80xi32, #tpu.memory_space<hbm>> -> memref<1x80xi32, #tpu.memory_space<hbm>>
    %dma_start3A_346 = tpu.memref_squeeze %dma_start3A_345 : memref<1x80xi32, #tpu.memory_space<hbm>> -> memref<80xi32, #tpu.memory_space<hbm>>
    tpu.enqueue_dma source(%dma_start3A_346 : memref<80xi32, #tpu.memory_space<hbm>>) target(%dma_start3A_343 : memref<80xi32, #tpu.memory_space<vmem>>) target_semaphore(%arg21 : memref<!tpu.dma_semaphore, #tpu.memory_space<semaphore_mem>>)
    %dma_start3A_347 = arith.constant 4 : i32
    %dma_start3A_348 = arith.constant 0 : i32
    %dma_start3A_349 = tpu.memref_slice %arg6[%dma_start3A_347, %dma_start3A_348] : memref<8x80xi32, #tpu.memory_space<vmem>> -> memref<1x80xi32, #tpu.memory_space<vmem>>
    %dma_start3A_350 = tpu.memref_squeeze %dma_start3A_349 : memref<1x80xi32, #tpu.memory_space<vmem>> -> memref<80xi32, #tpu.memory_space<vmem>>
    %dma_start3A_351 = arith.constant 0 : i32
    %dma_start3A_352 = arith.constant 0 : i32
    %dma_start3A_353 = tpu.memref_slice %arg4[%arg0, %dma_start3A_351, %dma_start3A_352] : memref<2x10240x128xf32, #tpu.memory_space<hbm>> -> memref<1x10240x128xf32, #tpu.memory_space<hbm>>
    %dma_start3A_354 = tpu.memref_squeeze %dma_start3A_353 : memref<1x10240x128xf32, #tpu.memory_space<hbm>> -> memref<10240x128xf32, #tpu.memory_space<hbm>>
    %dma_start3A_355 = arith.constant 0 : i32
    %dma_start3A_356 = arith.constant 0 : i32
    %dma_start3A_357 = tpu.memref_slice %dma_start3A_354[%dma_start3A_355, %dma_start3A_356] : memref<10240x128xf32, #tpu.memory_space<hbm>> -> memref<10240x128xf32, #tpu.memory_space<hbm>>
    tpu.enqueue_indirect_dma source(%dma_start3A_357 : memref<10240x128xf32, #tpu.memory_space<hbm>>) target(%arg8 : memref<80x128xf32, #tpu.memory_space<vmem>>) offsets(%dma_start3A_350 : memref<80xi32, #tpu.memory_space<vmem>>) semaphore(%arg25 : memref<!tpu.dma_semaphore, #tpu.memory_space<semaphore_mem>>)
    %dma_wait3A_358 = arith.constant 1 : i32
    %dma_wait3A_359 = arith.constant 0 : i32
    %dma_wait3A_360 = tpu.memref_slice %arg6[%dma_wait3A_358, %dma_wait3A_359] : memref<8x80xi32, #tpu.memory_space<vmem>> -> memref<1x80xi32, #tpu.memory_space<vmem>>
    %dma_wait3A_361 = tpu.memref_squeeze %dma_wait3A_360 : memref<1x80xi32, #tpu.memory_space<vmem>> -> memref<80xi32, #tpu.memory_space<vmem>>
    %dma_wait3A_362 = arith.constant 0 : i32
    %dma_wait3A_363 = arith.constant 0 : i32
    %dma_wait3A_364 = tpu.memref_slice %arg4[%arg0, %dma_wait3A_362, %dma_wait3A_363] : memref<2x10240x128xf32, #tpu.memory_space<hbm>> -> memref<1x10240x128xf32, #tpu.memory_space<hbm>>
    %dma_wait3A_365 = tpu.memref_squeeze %dma_wait3A_364 : memref<1x10240x128xf32, #tpu.memory_space<hbm>> -> memref<10240x128xf32, #tpu.memory_space<hbm>>
    %dma_wait3A_366 = arith.constant 0 : i32
    %dma_wait3A_367 = arith.constant 0 : i32
    %dma_wait3A_368 = tpu.memref_slice %dma_wait3A_365[%dma_wait3A_366, %dma_wait3A_367] : memref<10240x128xf32, #tpu.memory_space<hbm>> -> memref<10240x128xf32, #tpu.memory_space<hbm>>
    tpu.wait_indirect_dma semaphore(%arg26 : memref<!tpu.dma_semaphore, #tpu.memory_space<semaphore_mem>>) src(%dma_wait3A_368 : memref<10240x128xf32, #tpu.memory_space<hbm>>) dst(%arg9 : memref<80x128xf32, #tpu.memory_space<vmem>>)
    %add3A_369 = arith.constant 121 : i32
    %add3A_370 = arith.addi %mul3A_4, %add3A_369 : i32
    %dma_wait3A_371 = arith.constant 1 : i32
    %dma_wait3A_372 = arith.constant 0 : i32
    %dma_wait3A_373 = tpu.memref_slice %arg7[%dma_wait3A_371, %dma_wait3A_372] : memref<4x80xi32, #tpu.memory_space<vmem>> -> memref<1x80xi32, #tpu.memory_space<vmem>>
    %dma_wait3A_374 = tpu.memref_squeeze %dma_wait3A_373 : memref<1x80xi32, #tpu.memory_space<vmem>> -> memref<80xi32, #tpu.memory_space<vmem>>
    %dma_wait3A_375 = arith.constant 0 : i32
    %dma_wait3A_376 = tpu.memref_slice %arg3[%add3A_370, %dma_wait3A_375] : memref<2000x80xi32, #tpu.memory_space<hbm>> -> memref<1x80xi32, #tpu.memory_space<hbm>>
    %dma_wait3A_377 = tpu.memref_squeeze %dma_wait3A_376 : memref<1x80xi32, #tpu.memory_space<hbm>> -> memref<80xi32, #tpu.memory_space<hbm>>
    %dma_wait3A_378 = arith.constant 0 : i32
    %dma_wait3A_379 = tpu.memref_slice %arg7[%dma_wait3A_371, %dma_wait3A_378] : memref<4x80xi32, #tpu.memory_space<vmem>> -> memref<1x80xi32, #tpu.memory_space<vmem>>
    %dma_wait3A_380 = tpu.memref_squeeze %dma_wait3A_379 : memref<1x80xi32, #tpu.memory_space<vmem>> -> memref<80xi32, #tpu.memory_space<vmem>>
    %dma_wait3A_381 = arith.constant 0 : i32
    %dma_wait3A_382 = tpu.memref_slice %arg3[%add3A_370, %dma_wait3A_381] : memref<2000x80xi32, #tpu.memory_space<hbm>> -> memref<1x80xi32, #tpu.memory_space<hbm>>
    %dma_wait3A_383 = tpu.memref_squeeze %dma_wait3A_382 : memref<1x80xi32, #tpu.memory_space<hbm>> -> memref<80xi32, #tpu.memory_space<hbm>>
    tpu.wait_dma2 semaphore(%arg22 : memref<!tpu.dma_semaphore, #tpu.memory_space<semaphore_mem>>) src(%dma_wait3A_383 : memref<80xi32, #tpu.memory_space<hbm>>) dst(%dma_wait3A_380 : memref<80xi32, #tpu.memory_space<vmem>>)
    %run_scoped3A_384 = arith.constant 1 : i32
    "tpu.region"() ({
      %run_scoped3A_471 = tpu.sem_alloc : memref<!tpu.dma_semaphore, #tpu.memory_space<semaphore_mem>>
      %dma_start3A_472 = arith.constant 0 : i32
      %dma_start3A_473 = tpu.memref_slice %arg7[%run_scoped3A_384, %dma_start3A_472] : memref<4x80xi32, #tpu.memory_space<vmem>> -> memref<1x80xi32, #tpu.memory_space<vmem>>
      %dma_start3A_474 = tpu.memref_squeeze %dma_start3A_473 : memref<1x80xi32, #tpu.memory_space<vmem>> -> memref<80xi32, #tpu.memory_space<vmem>>
      %dma_start3A_475 = arith.constant 0 : i32
      %dma_start3A_476 = arith.constant 0 : i32
      %dma_start3A_477 = tpu.memref_slice %arg12[%dma_start3A_475, %dma_start3A_476] : memref<10240x128xf32, #tpu.memory_space<vmem_shared>> -> memref<10240x128xf32, #tpu.memory_space<vmem_shared>>
      tpu.enqueue_indirect_dma source(%arg9 : memref<80x128xf32, #tpu.memory_space<vmem>>) target(%dma_start3A_477 : memref<10240x128xf32, #tpu.memory_space<vmem_shared>>) offsets(%dma_start3A_474 : memref<80xi32, #tpu.memory_space<vmem>>) semaphore(%run_scoped3A_471 : memref<!tpu.dma_semaphore, #tpu.memory_space<semaphore_mem>>) {add = true}
      %dma_wait3A_478 = arith.constant 0 : i32
      %dma_wait3A_479 = tpu.memref_slice %arg7[%run_scoped3A_384, %dma_wait3A_478] : memref<4x80xi32, #tpu.memory_space<vmem>> -> memref<1x80xi32, #tpu.memory_space<vmem>>
      %dma_wait3A_480 = tpu.memref_squeeze %dma_wait3A_479 : memref<1x80xi32, #tpu.memory_space<vmem>> -> memref<80xi32, #tpu.memory_space<vmem>>
      %dma_wait3A_481 = arith.constant 0 : i32
      %dma_wait3A_482 = arith.constant 0 : i32
      %dma_wait3A_483 = tpu.memref_slice %arg12[%dma_wait3A_481, %dma_wait3A_482] : memref<10240x128xf32, #tpu.memory_space<vmem_shared>> -> memref<10240x128xf32, #tpu.memory_space<vmem_shared>>
      tpu.wait_indirect_dma semaphore(%run_scoped3A_471 : memref<!tpu.dma_semaphore, #tpu.memory_space<semaphore_mem>>) src(%arg9 : memref<80x128xf32, #tpu.memory_space<vmem>>) dst(%dma_wait3A_483 : memref<10240x128xf32, #tpu.memory_space<vmem_shared>>)
      tpu.yield
    }) : () -> ()
    %dma_wait3A_385 = arith.constant 2 : i32
    %dma_wait3A_386 = arith.constant 0 : i32
    %dma_wait3A_387 = tpu.memref_slice %arg6[%dma_wait3A_385, %dma_wait3A_386] : memref<8x80xi32, #tpu.memory_space<vmem>> -> memref<1x80xi32, #tpu.memory_space<vmem>>
    %dma_wait3A_388 = tpu.memref_squeeze %dma_wait3A_387 : memref<1x80xi32, #tpu.memory_space<vmem>> -> memref<80xi32, #tpu.memory_space<vmem>>
    %dma_wait3A_389 = arith.constant 0 : i32
    %dma_wait3A_390 = arith.constant 0 : i32
    %dma_wait3A_391 = tpu.memref_slice %arg4[%arg0, %dma_wait3A_389, %dma_wait3A_390] : memref<2x10240x128xf32, #tpu.memory_space<hbm>> -> memref<1x10240x128xf32, #tpu.memory_space<hbm>>
    %dma_wait3A_392 = tpu.memref_squeeze %dma_wait3A_391 : memref<1x10240x128xf32, #tpu.memory_space<hbm>> -> memref<10240x128xf32, #tpu.memory_space<hbm>>
    %dma_wait3A_393 = arith.constant 0 : i32
    %dma_wait3A_394 = arith.constant 0 : i32
    %dma_wait3A_395 = tpu.memref_slice %dma_wait3A_392[%dma_wait3A_393, %dma_wait3A_394] : memref<10240x128xf32, #tpu.memory_space<hbm>> -> memref<10240x128xf32, #tpu.memory_space<hbm>>
    tpu.wait_indirect_dma semaphore(%arg27 : memref<!tpu.dma_semaphore, #tpu.memory_space<semaphore_mem>>) src(%dma_wait3A_395 : memref<10240x128xf32, #tpu.memory_space<hbm>>) dst(%arg10 : memref<80x128xf32, #tpu.memory_space<vmem>>)
    %add3A_396 = arith.constant 122 : i32
    %add3A_397 = arith.addi %mul3A_4, %add3A_396 : i32
    %dma_wait3A_398 = arith.constant 2 : i32
    %dma_wait3A_399 = arith.constant 0 : i32
    %dma_wait3A_400 = tpu.memref_slice %arg7[%dma_wait3A_398, %dma_wait3A_399] : memref<4x80xi32, #tpu.memory_space<vmem>> -> memref<1x80xi32, #tpu.memory_space<vmem>>
    %dma_wait3A_401 = tpu.memref_squeeze %dma_wait3A_400 : memref<1x80xi32, #tpu.memory_space<vmem>> -> memref<80xi32, #tpu.memory_space<vmem>>
    %dma_wait3A_402 = arith.constant 0 : i32
    %dma_wait3A_403 = tpu.memref_slice %arg3[%add3A_397, %dma_wait3A_402] : memref<2000x80xi32, #tpu.memory_space<hbm>> -> memref<1x80xi32, #tpu.memory_space<hbm>>
    %dma_wait3A_404 = tpu.memref_squeeze %dma_wait3A_403 : memref<1x80xi32, #tpu.memory_space<hbm>> -> memref<80xi32, #tpu.memory_space<hbm>>
    %dma_wait3A_405 = arith.constant 0 : i32
    %dma_wait3A_406 = tpu.memref_slice %arg7[%dma_wait3A_398, %dma_wait3A_405] : memref<4x80xi32, #tpu.memory_space<vmem>> -> memref<1x80xi32, #tpu.memory_space<vmem>>
    %dma_wait3A_407 = tpu.memref_squeeze %dma_wait3A_406 : memref<1x80xi32, #tpu.memory_space<vmem>> -> memref<80xi32, #tpu.memory_space<vmem>>
    %dma_wait3A_408 = arith.constant 0 : i32
    %dma_wait3A_409 = tpu.memref_slice %arg3[%add3A_397, %dma_wait3A_408] : memref<2000x80xi32, #tpu.memory_space<hbm>> -> memref<1x80xi32, #tpu.memory_space<hbm>>
    %dma_wait3A_410 = tpu.memref_squeeze %dma_wait3A_409 : memref<1x80xi32, #tpu.memory_space<hbm>> -> memref<80xi32, #tpu.memory_space<hbm>>
    tpu.wait_dma2 semaphore(%arg23 : memref<!tpu.dma_semaphore, #tpu.memory_space<semaphore_mem>>) src(%dma_wait3A_410 : memref<80xi32, #tpu.memory_space<hbm>>) dst(%dma_wait3A_407 : memref<80xi32, #tpu.memory_space<vmem>>)
    %run_scoped3A_411 = arith.constant 2 : i32
    "tpu.region"() ({
      %run_scoped3A_471 = tpu.sem_alloc : memref<!tpu.dma_semaphore, #tpu.memory_space<semaphore_mem>>
      %dma_start3A_472 = arith.constant 0 : i32
      %dma_start3A_473 = tpu.memref_slice %arg7[%run_scoped3A_411, %dma_start3A_472] : memref<4x80xi32, #tpu.memory_space<vmem>> -> memref<1x80xi32, #tpu.memory_space<vmem>>
      %dma_start3A_474 = tpu.memref_squeeze %dma_start3A_473 : memref<1x80xi32, #tpu.memory_space<vmem>> -> memref<80xi32, #tpu.memory_space<vmem>>
      %dma_start3A_475 = arith.constant 0 : i32
      %dma_start3A_476 = arith.constant 0 : i32
      %dma_start3A_477 = tpu.memref_slice %arg12[%dma_start3A_475, %dma_start3A_476] : memref<10240x128xf32, #tpu.memory_space<vmem_shared>> -> memref<10240x128xf32, #tpu.memory_space<vmem_shared>>
      tpu.enqueue_indirect_dma source(%arg10 : memref<80x128xf32, #tpu.memory_space<vmem>>) target(%dma_start3A_477 : memref<10240x128xf32, #tpu.memory_space<vmem_shared>>) offsets(%dma_start3A_474 : memref<80xi32, #tpu.memory_space<vmem>>) semaphore(%run_scoped3A_471 : memref<!tpu.dma_semaphore, #tpu.memory_space<semaphore_mem>>) {add = true}
      %dma_wait3A_478 = arith.constant 0 : i32
      %dma_wait3A_479 = tpu.memref_slice %arg7[%run_scoped3A_411, %dma_wait3A_478] : memref<4x80xi32, #tpu.memory_space<vmem>> -> memref<1x80xi32, #tpu.memory_space<vmem>>
      %dma_wait3A_480 = tpu.memref_squeeze %dma_wait3A_479 : memref<1x80xi32, #tpu.memory_space<vmem>> -> memref<80xi32, #tpu.memory_space<vmem>>
      %dma_wait3A_481 = arith.constant 0 : i32
      %dma_wait3A_482 = arith.constant 0 : i32
      %dma_wait3A_483 = tpu.memref_slice %arg12[%dma_wait3A_481, %dma_wait3A_482] : memref<10240x128xf32, #tpu.memory_space<vmem_shared>> -> memref<10240x128xf32, #tpu.memory_space<vmem_shared>>
      tpu.wait_indirect_dma semaphore(%run_scoped3A_471 : memref<!tpu.dma_semaphore, #tpu.memory_space<semaphore_mem>>) src(%arg10 : memref<80x128xf32, #tpu.memory_space<vmem>>) dst(%dma_wait3A_483 : memref<10240x128xf32, #tpu.memory_space<vmem_shared>>)
      tpu.yield
    }) : () -> ()
    %dma_wait3A_412 = arith.constant 3 : i32
    %dma_wait3A_413 = arith.constant 0 : i32
    %dma_wait3A_414 = tpu.memref_slice %arg6[%dma_wait3A_412, %dma_wait3A_413] : memref<8x80xi32, #tpu.memory_space<vmem>> -> memref<1x80xi32, #tpu.memory_space<vmem>>
    %dma_wait3A_415 = tpu.memref_squeeze %dma_wait3A_414 : memref<1x80xi32, #tpu.memory_space<vmem>> -> memref<80xi32, #tpu.memory_space<vmem>>
    %dma_wait3A_416 = arith.constant 0 : i32
    %dma_wait3A_417 = arith.constant 0 : i32
    %dma_wait3A_418 = tpu.memref_slice %arg4[%arg0, %dma_wait3A_416, %dma_wait3A_417] : memref<2x10240x128xf32, #tpu.memory_space<hbm>> -> memref<1x10240x128xf32, #tpu.memory_space<hbm>>
    %dma_wait3A_419 = tpu.memref_squeeze %dma_wait3A_418 : memref<1x10240x128xf32, #tpu.memory_space<hbm>> -> memref<10240x128xf32, #tpu.memory_space<hbm>>
    %dma_wait3A_420 = arith.constant 0 : i32
    %dma_wait3A_421 = arith.constant 0 : i32
    %dma_wait3A_422 = tpu.memref_slice %dma_wait3A_419[%dma_wait3A_420, %dma_wait3A_421] : memref<10240x128xf32, #tpu.memory_space<hbm>> -> memref<10240x128xf32, #tpu.memory_space<hbm>>
    tpu.wait_indirect_dma semaphore(%arg28 : memref<!tpu.dma_semaphore, #tpu.memory_space<semaphore_mem>>) src(%dma_wait3A_422 : memref<10240x128xf32, #tpu.memory_space<hbm>>) dst(%arg11 : memref<80x128xf32, #tpu.memory_space<vmem>>)
    %add3A_423 = arith.constant 123 : i32
    %add3A_424 = arith.addi %mul3A_4, %add3A_423 : i32
    %dma_wait3A_425 = arith.constant 3 : i32
    %dma_wait3A_426 = arith.constant 0 : i32
    %dma_wait3A_427 = tpu.memref_slice %arg7[%dma_wait3A_425, %dma_wait3A_426] : memref<4x80xi32, #tpu.memory_space<vmem>> -> memref<1x80xi32, #tpu.memory_space<vmem>>
    %dma_wait3A_428 = tpu.memref_squeeze %dma_wait3A_427 : memref<1x80xi32, #tpu.memory_space<vmem>> -> memref<80xi32, #tpu.memory_space<vmem>>
    %dma_wait3A_429 = arith.constant 0 : i32
    %dma_wait3A_430 = tpu.memref_slice %arg3[%add3A_424, %dma_wait3A_429] : memref<2000x80xi32, #tpu.memory_space<hbm>> -> memref<1x80xi32, #tpu.memory_space<hbm>>
    %dma_wait3A_431 = tpu.memref_squeeze %dma_wait3A_430 : memref<1x80xi32, #tpu.memory_space<hbm>> -> memref<80xi32, #tpu.memory_space<hbm>>
    %dma_wait3A_432 = arith.constant 0 : i32
    %dma_wait3A_433 = tpu.memref_slice %arg7[%dma_wait3A_425, %dma_wait3A_432] : memref<4x80xi32, #tpu.memory_space<vmem>> -> memref<1x80xi32, #tpu.memory_space<vmem>>
    %dma_wait3A_434 = tpu.memref_squeeze %dma_wait3A_433 : memref<1x80xi32, #tpu.memory_space<vmem>> -> memref<80xi32, #tpu.memory_space<vmem>>
    %dma_wait3A_435 = arith.constant 0 : i32
    %dma_wait3A_436 = tpu.memref_slice %arg3[%add3A_424, %dma_wait3A_435] : memref<2000x80xi32, #tpu.memory_space<hbm>> -> memref<1x80xi32, #tpu.memory_space<hbm>>
    %dma_wait3A_437 = tpu.memref_squeeze %dma_wait3A_436 : memref<1x80xi32, #tpu.memory_space<hbm>> -> memref<80xi32, #tpu.memory_space<hbm>>
    tpu.wait_dma2 semaphore(%arg24 : memref<!tpu.dma_semaphore, #tpu.memory_space<semaphore_mem>>) src(%dma_wait3A_437 : memref<80xi32, #tpu.memory_space<hbm>>) dst(%dma_wait3A_434 : memref<80xi32, #tpu.memory_space<vmem>>)
    %run_scoped3A_438 = arith.constant 3 : i32
    "tpu.region"() ({
      %run_scoped3A_471 = tpu.sem_alloc : memref<!tpu.dma_semaphore, #tpu.memory_space<semaphore_mem>>
      %dma_start3A_472 = arith.constant 0 : i32
      %dma_start3A_473 = tpu.memref_slice %arg7[%run_scoped3A_438, %dma_start3A_472] : memref<4x80xi32, #tpu.memory_space<vmem>> -> memref<1x80xi32, #tpu.memory_space<vmem>>
      %dma_start3A_474 = tpu.memref_squeeze %dma_start3A_473 : memref<1x80xi32, #tpu.memory_space<vmem>> -> memref<80xi32, #tpu.memory_space<vmem>>
      %dma_start3A_475 = arith.constant 0 : i32
      %dma_start3A_476 = arith.constant 0 : i32
      %dma_start3A_477 = tpu.memref_slice %arg12[%dma_start3A_475, %dma_start3A_476] : memref<10240x128xf32, #tpu.memory_space<vmem_shared>> -> memref<10240x128xf32, #tpu.memory_space<vmem_shared>>
      tpu.enqueue_indirect_dma source(%arg11 : memref<80x128xf32, #tpu.memory_space<vmem>>) target(%dma_start3A_477 : memref<10240x128xf32, #tpu.memory_space<vmem_shared>>) offsets(%dma_start3A_474 : memref<80xi32, #tpu.memory_space<vmem>>) semaphore(%run_scoped3A_471 : memref<!tpu.dma_semaphore, #tpu.memory_space<semaphore_mem>>) {add = true}
      %dma_wait3A_478 = arith.constant 0 : i32
      %dma_wait3A_479 = tpu.memref_slice %arg7[%run_scoped3A_438, %dma_wait3A_478] : memref<4x80xi32, #tpu.memory_space<vmem>> -> memref<1x80xi32, #tpu.memory_space<vmem>>
      %dma_wait3A_480 = tpu.memref_squeeze %dma_wait3A_479 : memref<1x80xi32, #tpu.memory_space<vmem>> -> memref<80xi32, #tpu.memory_space<vmem>>
      %dma_wait3A_481 = arith.constant 0 : i32
      %dma_wait3A_482 = arith.constant 0 : i32
      %dma_wait3A_483 = tpu.memref_slice %arg12[%dma_wait3A_481, %dma_wait3A_482] : memref<10240x128xf32, #tpu.memory_space<vmem_shared>> -> memref<10240x128xf32, #tpu.memory_space<vmem_shared>>
      tpu.wait_indirect_dma semaphore(%run_scoped3A_471 : memref<!tpu.dma_semaphore, #tpu.memory_space<semaphore_mem>>) src(%arg11 : memref<80x128xf32, #tpu.memory_space<vmem>>) dst(%dma_wait3A_483 : memref<10240x128xf32, #tpu.memory_space<vmem_shared>>)
      tpu.yield
    }) : () -> ()
    %dma_wait3A_439 = arith.constant 4 : i32
    %dma_wait3A_440 = arith.constant 0 : i32
    %dma_wait3A_441 = tpu.memref_slice %arg6[%dma_wait3A_439, %dma_wait3A_440] : memref<8x80xi32, #tpu.memory_space<vmem>> -> memref<1x80xi32, #tpu.memory_space<vmem>>
    %dma_wait3A_442 = tpu.memref_squeeze %dma_wait3A_441 : memref<1x80xi32, #tpu.memory_space<vmem>> -> memref<80xi32, #tpu.memory_space<vmem>>
    %dma_wait3A_443 = arith.constant 0 : i32
    %dma_wait3A_444 = arith.constant 0 : i32
    %dma_wait3A_445 = tpu.memref_slice %arg4[%arg0, %dma_wait3A_443, %dma_wait3A_444] : memref<2x10240x128xf32, #tpu.memory_space<hbm>> -> memref<1x10240x128xf32, #tpu.memory_space<hbm>>
    %dma_wait3A_446 = tpu.memref_squeeze %dma_wait3A_445 : memref<1x10240x128xf32, #tpu.memory_space<hbm>> -> memref<10240x128xf32, #tpu.memory_space<hbm>>
    %dma_wait3A_447 = arith.constant 0 : i32
    %dma_wait3A_448 = arith.constant 0 : i32
    %dma_wait3A_449 = tpu.memref_slice %dma_wait3A_446[%dma_wait3A_447, %dma_wait3A_448] : memref<10240x128xf32, #tpu.memory_space<hbm>> -> memref<10240x128xf32, #tpu.memory_space<hbm>>
    tpu.wait_indirect_dma semaphore(%arg25 : memref<!tpu.dma_semaphore, #tpu.memory_space<semaphore_mem>>) src(%dma_wait3A_449 : memref<10240x128xf32, #tpu.memory_space<hbm>>) dst(%arg8 : memref<80x128xf32, #tpu.memory_space<vmem>>)
    %add3A_450 = arith.constant 124 : i32
    %add3A_451 = arith.addi %mul3A_4, %add3A_450 : i32
    %dma_wait3A_452 = arith.constant 0 : i32
    %dma_wait3A_453 = arith.constant 0 : i32
    %dma_wait3A_454 = tpu.memref_slice %arg7[%dma_wait3A_452, %dma_wait3A_453] : memref<4x80xi32, #tpu.memory_space<vmem>> -> memref<1x80xi32, #tpu.memory_space<vmem>>
    %dma_wait3A_455 = tpu.memref_squeeze %dma_wait3A_454 : memref<1x80xi32, #tpu.memory_space<vmem>> -> memref<80xi32, #tpu.memory_space<vmem>>
    %dma_wait3A_456 = arith.constant 0 : i32
    %dma_wait3A_457 = tpu.memref_slice %arg3[%add3A_451, %dma_wait3A_456] : memref<2000x80xi32, #tpu.memory_space<hbm>> -> memref<1x80xi32, #tpu.memory_space<hbm>>
    %dma_wait3A_458 = tpu.memref_squeeze %dma_wait3A_457 : memref<1x80xi32, #tpu.memory_space<hbm>> -> memref<80xi32, #tpu.memory_space<hbm>>
    %dma_wait3A_459 = arith.constant 0 : i32
    %dma_wait3A_460 = tpu.memref_slice %arg7[%dma_wait3A_452, %dma_wait3A_459] : memref<4x80xi32, #tpu.memory_space<vmem>> -> memref<1x80xi32, #tpu.memory_space<vmem>>
    %dma_wait3A_461 = tpu.memref_squeeze %dma_wait3A_460 : memref<1x80xi32, #tpu.memory_space<vmem>> -> memref<80xi32, #tpu.memory_space<vmem>>
    %dma_wait3A_462 = arith.constant 0 : i32
    %dma_wait3A_463 = tpu.memref_slice %arg3[%add3A_451, %dma_wait3A_462] : memref<2000x80xi32, #tpu.memory_space<hbm>> -> memref<1x80xi32, #tpu.memory_space<hbm>>
    %dma_wait3A_464 = tpu.memref_squeeze %dma_wait3A_463 : memref<1x80xi32, #tpu.memory_space<hbm>> -> memref<80xi32, #tpu.memory_space<hbm>>
    tpu.wait_dma2 semaphore(%arg21 : memref<!tpu.dma_semaphore, #tpu.memory_space<semaphore_mem>>) src(%dma_wait3A_464 : memref<80xi32, #tpu.memory_space<hbm>>) dst(%dma_wait3A_461 : memref<80xi32, #tpu.memory_space<vmem>>)
    %run_scoped3A_465 = arith.constant 0 : i32
    "tpu.region"() ({
      %run_scoped3A_471 = tpu.sem_alloc : memref<!tpu.dma_semaphore, #tpu.memory_space<semaphore_mem>>
      %dma_start3A_472 = arith.constant 0 : i32
      %dma_start3A_473 = tpu.memref_slice %arg7[%run_scoped3A_465, %dma_start3A_472] : memref<4x80xi32, #tpu.memory_space<vmem>> -> memref<1x80xi32, #tpu.memory_space<vmem>>
      %dma_start3A_474 = tpu.memref_squeeze %dma_start3A_473 : memref<1x80xi32, #tpu.memory_space<vmem>> -> memref<80xi32, #tpu.memory_space<vmem>>
      %dma_start3A_475 = arith.constant 0 : i32
      %dma_start3A_476 = arith.constant 0 : i32
      %dma_start3A_477 = tpu.memref_slice %arg12[%dma_start3A_475, %dma_start3A_476] : memref<10240x128xf32, #tpu.memory_space<vmem_shared>> -> memref<10240x128xf32, #tpu.memory_space<vmem_shared>>
      tpu.enqueue_indirect_dma source(%arg8 : memref<80x128xf32, #tpu.memory_space<vmem>>) target(%dma_start3A_477 : memref<10240x128xf32, #tpu.memory_space<vmem_shared>>) offsets(%dma_start3A_474 : memref<80xi32, #tpu.memory_space<vmem>>) semaphore(%run_scoped3A_471 : memref<!tpu.dma_semaphore, #tpu.memory_space<semaphore_mem>>) {add = true}
      %dma_wait3A_478 = arith.constant 0 : i32
      %dma_wait3A_479 = tpu.memref_slice %arg7[%run_scoped3A_465, %dma_wait3A_478] : memref<4x80xi32, #tpu.memory_space<vmem>> -> memref<1x80xi32, #tpu.memory_space<vmem>>
      %dma_wait3A_480 = tpu.memref_squeeze %dma_wait3A_479 : memref<1x80xi32, #tpu.memory_space<vmem>> -> memref<80xi32, #tpu.memory_space<vmem>>
      %dma_wait3A_481 = arith.constant 0 : i32
      %dma_wait3A_482 = arith.constant 0 : i32
      %dma_wait3A_483 = tpu.memref_slice %arg12[%dma_wait3A_481, %dma_wait3A_482] : memref<10240x128xf32, #tpu.memory_space<vmem_shared>> -> memref<10240x128xf32, #tpu.memory_space<vmem_shared>>
      tpu.wait_indirect_dma semaphore(%run_scoped3A_471 : memref<!tpu.dma_semaphore, #tpu.memory_space<semaphore_mem>>) src(%arg8 : memref<80x128xf32, #tpu.memory_space<vmem>>) dst(%dma_wait3A_483 : memref<10240x128xf32, #tpu.memory_space<vmem_shared>>)
      tpu.yield
    }) : () -> ()
    %barrier3A_466 = arith.constant 0 : index
    tpu.barrier barrier_id(%barrier3A_466)
    %mul3A_467 = arith.constant 640 : i32
    %mul3A_468 = arith.muli %arg1, %mul3A_467 : i32
    %mul3A_469 = arith.constant 640 : i32
    %mul3A_470 = arith.muli %arg1, %mul3A_469 : i32
    "tpu.region"() ({
      %run_scoped3A_471 = tpu.sem_alloc : memref<!tpu.dma_semaphore, #tpu.memory_space<semaphore_mem>>
      %dma_start3A_472 = arith.constant 0 : i32
      %dma_start3A_473 = tpu.memref_slice %arg5[%arg0, %mul3A_470, %dma_start3A_472] : memref<2x10240x128xf32, #tpu.memory_space<hbm>> -> memref<1x640x128xf32, #tpu.memory_space<hbm>>
      %dma_start3A_474 = tpu.memref_squeeze %dma_start3A_473 : memref<1x640x128xf32, #tpu.memory_space<hbm>> -> memref<640x128xf32, #tpu.memory_space<hbm>>
      %dma_start3A_475 = arith.constant 0 : i32
      %dma_start3A_476 = tpu.memref_slice %arg12[%mul3A_468, %dma_start3A_475] : memref<10240x128xf32, #tpu.memory_space<vmem_shared>> -> memref<640x128xf32, #tpu.memory_space<vmem_shared>>
      tpu.enqueue_dma source(%dma_start3A_476 : memref<640x128xf32, #tpu.memory_space<vmem_shared>>) target(%dma_start3A_474 : memref<640x128xf32, #tpu.memory_space<hbm>>) target_semaphore(%run_scoped3A_471 : memref<!tpu.dma_semaphore, #tpu.memory_space<semaphore_mem>>)
      %dma_wait3A_477 = arith.constant 0 : i32
      %dma_wait3A_478 = tpu.memref_slice %arg5[%arg0, %mul3A_470, %dma_wait3A_477] : memref<2x10240x128xf32, #tpu.memory_space<hbm>> -> memref<1x640x128xf32, #tpu.memory_space<hbm>>
      %dma_wait3A_479 = tpu.memref_squeeze %dma_wait3A_478 : memref<1x640x128xf32, #tpu.memory_space<hbm>> -> memref<640x128xf32, #tpu.memory_space<hbm>>
      %dma_wait3A_480 = arith.constant 0 : i32
      %dma_wait3A_481 = tpu.memref_slice %arg12[%mul3A_468, %dma_wait3A_480] : memref<10240x128xf32, #tpu.memory_space<vmem_shared>> -> memref<640x128xf32, #tpu.memory_space<vmem_shared>>
      tpu.wait_dma2 semaphore(%run_scoped3A_471 : memref<!tpu.dma_semaphore, #tpu.memory_space<semaphore_mem>>) src(%dma_wait3A_481 : memref<640x128xf32, #tpu.memory_space<vmem_shared>>) dst(%dma_wait3A_479 : memref<640x128xf32, #tpu.memory_space<hbm>>)
      tpu.yield
    }) : () -> ()
    return
  }
}

module attributes {stable_mosaic.version = 14 : i64} {
  func.func @_tc_scale_body(%arg0: i32, %arg1: memref<10240x256xf32, #tpu.memory_space<vmem>>, %arg2: memref<256x256xf32, #tpu.memory_space<vmem>>, %arg3: memref<2x10240x128xf32, #tpu.memory_space<vmem>>, %arg4: memref<2x10240x128xf32, #tpu.memory_space<vmem>>, %arg5: memref<10240xf32, #tpu.memory_space<vmem>>) attributes {dimension_semantics = [#tpu.dimension_semantics<arbitrary>], iteration_bounds = array<i64: 1>, scalar_prefetch = 0 : i64, scratch_operands = 0 : i64, tpu.core_type = #tpu.core_type<tc>, window_params = [{transform_indices = @transform_0, window_bounds = array<i64: 10240, 256>}, {pipeline_mode = #tpu.pipeline_mode<synchronous>, transform_indices = @transform_1, window_bounds = array<i64: 256, 256>}, {transform_indices = @transform_2, window_bounds = array<i64: 2, 10240, 128>}, {transform_indices = @transform_3, window_bounds = array<i64: 2, 10240, 128>}, {transform_indices = @transform_4, window_bounds = array<i64: 10240>}]} {
    %get3A = arith.constant 0 : index
    %get3A_0 = arith.constant 0 : index
    %get3A_1 = vector.load %arg1[%get3A, %get3A_0] : memref<10240x256xf32, #tpu.memory_space<vmem>>, vector<10240x256xf32>
    %get3A_2 = arith.constant 0 : index
    %get3A_3 = arith.constant 0 : index
    %get3A_4 = vector.load %arg2[%get3A_2, %get3A_3] : memref<256x256xf32, #tpu.memory_space<vmem>>, vector<256x256xf32>
    %dot_general3A = arith.constant dense<0.000000e+00> : vector<10240x256xf32>
    %dot_general3A_5 = tpu.matmul %get3A_1, %get3A_4, %dot_general3A {dimension_numbers = #tpu.dot_dimension_numbers<[1], [0], [0], [1], [0, 0, 1, 1], [], []>, transpose_lhs_hint = false} : vector<10240x256xf32>, vector<256x256xf32>, vector<10240x256xf32> -> vector<10240x256xf32>
    %get3A_6 = arith.constant 0 : index
    %get3A_7 = arith.constant 0 : index
    %get3A_8 = arith.constant 0 : index
    %get3A_9 = vector.load %arg3[%get3A_6, %get3A_7, %get3A_8] : memref<2x10240x128xf32, #tpu.memory_space<vmem>>, vector<2x10240x128xf32>
    %reduce_sum3A = arith.constant dense<0.000000e+00> : vector<10240xf32>
    %reduce_sum3A_10 = vector.multi_reduction <add>, %get3A_9, %reduce_sum3A [0, 2] : vector<2x10240x128xf32> to vector<10240xf32>
    %mul3A = arith.constant 7.812500e-03 : f32
    %mul3A_11 = vector.broadcast %mul3A : f32 to vector<10240xf32>
    %mul3A_12 = arith.mulf %mul3A_11, %reduce_sum3A_10 : vector<10240xf32>
    %add3A = arith.constant 1.000000e+00 : f32
    %add3A_13 = vector.broadcast %add3A : f32 to vector<10240xf32>
    %add3A_14 = arith.addf %add3A_13, %mul3A_12 : vector<10240xf32>
    %rsqrt3A = math.rsqrt %add3A_14 : vector<10240xf32>
    %swap3A = arith.constant 0 : index
    %swap3A_15 = vector.load %arg5[%swap3A] : memref<10240xf32, #tpu.memory_space<vmem>>, vector<10240xf32>
    tpu.vector_store %arg5[%swap3A], %rsqrt3A {strides = array<i32>} : memref<10240xf32, #tpu.memory_space<vmem>>, vector<10240xf32>,
    %broadcast_in_dim3A = vector.shape_cast %rsqrt3A : vector<10240xf32> to vector<10240x1xf32>
    %mul3A_16 = vector.broadcast %broadcast_in_dim3A : vector<10240x1xf32> to vector<10240x256xf32>
    %mul3A_17 = arith.mulf %dot_general3A_5, %mul3A_16 : vector<10240x256xf32>
    %slice3A = vector.extract_strided_slice %mul3A_17 {offsets = [0, 0], sizes = [10240, 128], strides = [1, 1]} : vector<10240x256xf32> to vector<10240x128xf32>
    %swap3A_18 = arith.constant 0 : index
    %swap3A_19 = arith.constant 0 : index
    %swap3A_20 = arith.constant 0 : index
    %swap3A_21 = vector.load %arg4[%swap3A_18, %swap3A_19, %swap3A_20] : memref<2x10240x128xf32, #tpu.memory_space<vmem>>, vector<1x10240x128xf32>
    %swap3A_22 = vector.shape_cast %swap3A_21 : vector<1x10240x128xf32> to vector<10240x128xf32>
    %swap3A_23 = vector.shape_cast %slice3A : vector<10240x128xf32> to vector<1x10240x128xf32>
    tpu.vector_store %arg4[%swap3A_18, %swap3A_19, %swap3A_20], %swap3A_23 {strides = array<i32>} : memref<2x10240x128xf32, #tpu.memory_space<vmem>>, vector<1x10240x128xf32>,
    %slice3A_24 = vector.extract_strided_slice %mul3A_17 {offsets = [0, 128], sizes = [10240, 128], strides = [1, 1]} : vector<10240x256xf32> to vector<10240x128xf32>
    %swap3A_25 = arith.constant 1 : index
    %swap3A_26 = arith.constant 0 : index
    %swap3A_27 = arith.constant 0 : index
    %swap3A_28 = vector.load %arg4[%swap3A_25, %swap3A_26, %swap3A_27] : memref<2x10240x128xf32, #tpu.memory_space<vmem>>, vector<1x10240x128xf32>
    %swap3A_29 = vector.shape_cast %swap3A_28 : vector<1x10240x128xf32> to vector<10240x128xf32>
    %swap3A_30 = vector.shape_cast %slice3A_24 : vector<10240x128xf32> to vector<1x10240x128xf32>
    tpu.vector_store %arg4[%swap3A_25, %swap3A_26, %swap3A_27], %swap3A_30 {strides = array<i32>} : memref<2x10240x128xf32, #tpu.memory_space<vmem>>, vector<1x10240x128xf32>,
    return
  }
  func.func @transform_0(%arg0: i32) -> (i32, i32) {
    %c0_i32 = arith.constant 0 : i32
    %c0_i32_0 = arith.constant 0 : i32
    return %arg0, %c0_i32 : i32, i32
  }
  func.func @transform_1(%arg0: i32) -> (i32, i32) {
    %c0_i32 = arith.constant 0 : i32
    %c0_i32_0 = arith.constant 0 : i32
    %c0_i32_1 = arith.constant 0 : i32
    return %c0_i32, %c0_i32_0 : i32, i32
  }
  func.func @transform_2(%arg0: i32) -> (i32, i32, i32) {
    %c0_i32 = arith.constant 0 : i32
    %c0_i32_0 = arith.constant 0 : i32
    %c0_i32_1 = arith.constant 0 : i32
    return %c0_i32, %arg0, %c0_i32_0 : i32, i32, i32
  }
  func.func @transform_3(%arg0: i32) -> (i32, i32, i32) {
    %c0_i32 = arith.constant 0 : i32
    %c0_i32_0 = arith.constant 0 : i32
    %c0_i32_1 = arith.constant 0 : i32
    return %c0_i32, %arg0, %c0_i32_0 : i32, i32, i32
  }
  func.func @transform_4(%arg0: i32) -> i32 {
    %c0_i32 = arith.constant 0 : i32
    return %arg0 : i32
  }
}

module attributes {stable_mosaic.version = 14 : i64} {
  func.func @_tc_heads_body(%arg0: i32, %arg1: memref<2x10240x128xf32, #tpu.memory_space<vmem>>, %arg2: memref<10240xf32, #tpu.memory_space<vmem>>, %arg3: memref<256xf32, #tpu.memory_space<vmem>>, %arg4: memref<256x128xf32, #tpu.memory_space<vmem>>, %arg5: memref<128xf32, #tpu.memory_space<vmem>>, %arg6: memref<256x128xf32, #tpu.memory_space<vmem>>, %arg7: memref<128xf32, #tpu.memory_space<vmem>>, %arg8: memref<2x10240x128xf32, #tpu.memory_space<vmem>>) attributes {dimension_semantics = [#tpu.dimension_semantics<arbitrary>], iteration_bounds = array<i64: 1>, scalar_prefetch = 0 : i64, scratch_operands = 0 : i64, tpu.core_type = #tpu.core_type<tc>, window_params = [{transform_indices = @transform_0, window_bounds = array<i64: 2, 10240, 128>}, {transform_indices = @transform_1, window_bounds = array<i64: 10240>}, {pipeline_mode = #tpu.pipeline_mode<synchronous>, transform_indices = @transform_2, window_bounds = array<i64: 256>}, {pipeline_mode = #tpu.pipeline_mode<synchronous>, transform_indices = @transform_3, window_bounds = array<i64: 256, 128>}, {pipeline_mode = #tpu.pipeline_mode<synchronous>, transform_indices = @transform_4, window_bounds = array<i64: 128>}, {pipeline_mode = #tpu.pipeline_mode<synchronous>, transform_indices = @transform_5, window_bounds = array<i64: 256, 128>}, {pipeline_mode = #tpu.pipeline_mode<synchronous>, transform_indices = @transform_6, window_bounds = array<i64: 128>}, {transform_indices = @transform_7, window_bounds = array<i64: 2, 10240, 128>}]} {
    %get3A = arith.constant 0 : index
    %get3A_0 = arith.constant 0 : index
    %get3A_1 = arith.constant 0 : index
    %get3A_2 = vector.load %arg1[%get3A, %get3A_0, %get3A_1] : memref<2x10240x128xf32, #tpu.memory_space<vmem>>, vector<1x10240x128xf32>
    %get3A_3 = vector.shape_cast %get3A_2 : vector<1x10240x128xf32> to vector<10240x128xf32>
    %get3A_4 = arith.constant 1 : index
    %get3A_5 = arith.constant 0 : index
    %get3A_6 = arith.constant 0 : index
    %get3A_7 = vector.load %arg1[%get3A_4, %get3A_5, %get3A_6] : memref<2x10240x128xf32, #tpu.memory_space<vmem>>, vector<1x10240x128xf32>
    %get3A_8 = vector.shape_cast %get3A_7 : vector<1x10240x128xf32> to vector<10240x128xf32>
    %concatenate3A = tpu.concatenate %get3A_3, %get3A_8 in 1 : vector<10240x128xf32>, vector<10240x128xf32> -> vector<10240x256xf32>
    %get3A_9 = arith.constant 0 : index
    %get3A_10 = vector.load %arg2[%get3A_9] : memref<10240xf32, #tpu.memory_space<vmem>>, vector<10240xf32>
    %broadcast_in_dim3A = vector.shape_cast %get3A_10 : vector<10240xf32> to vector<10240x1xf32>
    %mul3A = vector.broadcast %broadcast_in_dim3A : vector<10240x1xf32> to vector<10240x256xf32>
    %mul3A_11 = arith.mulf %concatenate3A, %mul3A : vector<10240x256xf32>
    %get3A_12 = arith.constant 0 : index
    %get3A_13 = vector.load %arg3[%get3A_12] : memref<256xf32, #tpu.memory_space<vmem>>, vector<256xf32>
    %broadcast_in_dim3A_14 = vector.shape_cast %get3A_13 : vector<256xf32> to vector<1x256xf32>
    %add3A = vector.broadcast %broadcast_in_dim3A_14 : vector<1x256xf32> to vector<10240x256xf32>
    %add3A_15 = arith.addf %mul3A_11, %add3A : vector<10240x256xf32>
    %max3A = arith.constant 0.000000e+00 : f32
    %max3A_16 = vector.broadcast %max3A : f32 to vector<10240x256xf32>
    %max3A_17 = arith.maximumf %add3A_15, %max3A_16 : vector<10240x256xf32>
    %get3A_18 = arith.constant 0 : index
    %get3A_19 = arith.constant 0 : index
    %get3A_20 = vector.load %arg4[%get3A_18, %get3A_19] : memref<256x128xf32, #tpu.memory_space<vmem>>, vector<256x128xf32>
    %dot_general3A = arith.constant dense<0.000000e+00> : vector<10240x128xf32>
    %dot_general3A_21 = tpu.matmul %max3A_17, %get3A_20, %dot_general3A {dimension_numbers = #tpu.dot_dimension_numbers<[1], [0], [0], [1], [0, 0, 1, 1], [], []>, transpose_lhs_hint = false} : vector<10240x256xf32>, vector<256x128xf32>, vector<10240x128xf32> -> vector<10240x128xf32>
    %get3A_22 = arith.constant 0 : index
    %get3A_23 = vector.load %arg5[%get3A_22] : memref<128xf32, #tpu.memory_space<vmem>>, vector<128xf32>
    %broadcast_in_dim3A_24 = vector.shape_cast %get3A_23 : vector<128xf32> to vector<1x128xf32>
    %add3A_25 = vector.broadcast %broadcast_in_dim3A_24 : vector<1x128xf32> to vector<10240x128xf32>
    %add3A_26 = arith.addf %dot_general3A_21, %add3A_25 : vector<10240x128xf32>
    %get3A_27 = arith.constant 0 : index
    %get3A_28 = arith.constant 0 : index
    %get3A_29 = vector.load %arg6[%get3A_27, %get3A_28] : memref<256x128xf32, #tpu.memory_space<vmem>>, vector<256x128xf32>
    %dot_general3A_30 = arith.constant dense<0.000000e+00> : vector<10240x128xf32>
    %dot_general3A_31 = tpu.matmul %max3A_17, %get3A_29, %dot_general3A_30 {dimension_numbers = #tpu.dot_dimension_numbers<[1], [0], [0], [1], [0, 0, 1, 1], [], []>, transpose_lhs_hint = false} : vector<10240x256xf32>, vector<256x128xf32>, vector<10240x128xf32> -> vector<10240x128xf32>
    %get3A_32 = arith.constant 0 : index
    %get3A_33 = vector.load %arg7[%get3A_32] : memref<128xf32, #tpu.memory_space<vmem>>, vector<128xf32>
    %broadcast_in_dim3A_34 = vector.shape_cast %get3A_33 : vector<128xf32> to vector<1x128xf32>
    %add3A_35 = vector.broadcast %broadcast_in_dim3A_34 : vector<1x128xf32> to vector<10240x128xf32>
    %add3A_36 = arith.addf %dot_general3A_31, %add3A_35 : vector<10240x128xf32>
    %gt3A = arith.constant 0.000000e+00 : f32
    %gt3A_37 = vector.broadcast %gt3A : f32 to vector<10240x128xf32>
    %gt3A_38 = arith.cmpf ogt, %add3A_36, %gt3A_37 : vector<10240x128xf32>
    %exp3A = math.exp %add3A_36 : vector<10240x128xf32>
    %sub3A = arith.constant 1.000000e+00 : f32
    %sub3A_39 = vector.broadcast %sub3A : f32 to vector<10240x128xf32>
    %sub3A_40 = arith.subf %exp3A, %sub3A_39 : vector<10240x128xf32>
    %select_n3A = arith.select %gt3A_38, %add3A_36, %sub3A_40 : vector<10240x128xi1>, vector<10240x128xf32>
    %add3A_41 = arith.constant 1.000000e+00 : f32
    %add3A_42 = vector.broadcast %add3A_41 : f32 to vector<10240x128xf32>
    %add3A_43 = arith.addf %select_n3A, %add3A_42 : vector<10240x128xf32>
    %swap3A = arith.constant 0 : index
    %swap3A_44 = arith.constant 0 : index
    %swap3A_45 = arith.constant 0 : index
    %swap3A_46 = vector.load %arg8[%swap3A, %swap3A_44, %swap3A_45] : memref<2x10240x128xf32, #tpu.memory_space<vmem>>, vector<1x10240x128xf32>
    %swap3A_47 = vector.shape_cast %swap3A_46 : vector<1x10240x128xf32> to vector<10240x128xf32>
    %swap3A_48 = vector.shape_cast %add3A_26 : vector<10240x128xf32> to vector<1x10240x128xf32>
    tpu.vector_store %arg8[%swap3A, %swap3A_44, %swap3A_45], %swap3A_48 {strides = array<i32>} : memref<2x10240x128xf32, #tpu.memory_space<vmem>>, vector<1x10240x128xf32>,
    %swap3A_49 = arith.constant 1 : index
    %swap3A_50 = arith.constant 0 : index
    %swap3A_51 = arith.constant 0 : index
    %swap3A_52 = vector.load %arg8[%swap3A_49, %swap3A_50, %swap3A_51] : memref<2x10240x128xf32, #tpu.memory_space<vmem>>, vector<1x10240x128xf32>
    %swap3A_53 = vector.shape_cast %swap3A_52 : vector<1x10240x128xf32> to vector<10240x128xf32>
    %swap3A_54 = vector.shape_cast %add3A_43 : vector<10240x128xf32> to vector<1x10240x128xf32>
    tpu.vector_store %arg8[%swap3A_49, %swap3A_50, %swap3A_51], %swap3A_54 {strides = array<i32>} : memref<2x10240x128xf32, #tpu.memory_space<vmem>>, vector<1x10240x128xf32>,
    return
  }
  func.func @transform_0(%arg0: i32) -> (i32, i32, i32) {
    %c0_i32 = arith.constant 0 : i32
    %c0_i32_0 = arith.constant 0 : i32
    %c0_i32_1 = arith.constant 0 : i32
    return %c0_i32, %arg0, %c0_i32_0 : i32, i32, i32
  }
  func.func @transform_1(%arg0: i32) -> i32 {
    %c0_i32 = arith.constant 0 : i32
    return %arg0 : i32
  }
  func.func @transform_2(%arg0: i32) -> i32 {
    %c0_i32 = arith.constant 0 : i32
    %c0_i32_0 = arith.constant 0 : i32
    return %c0_i32 : i32
  }
  func.func @transform_3(%arg0: i32) -> (i32, i32) {
    %c0_i32 = arith.constant 0 : i32
    %c0_i32_0 = arith.constant 0 : i32
    %c0_i32_1 = arith.constant 0 : i32
    return %c0_i32, %c0_i32_0 : i32, i32
  }
  func.func @transform_4(%arg0: i32) -> i32 {
    %c0_i32 = arith.constant 0 : i32
    %c0_i32_0 = arith.constant 0 : i32
    return %c0_i32 : i32
  }
  func.func @transform_5(%arg0: i32) -> (i32, i32) {
    %c0_i32 = arith.constant 0 : i32
    %c0_i32_0 = arith.constant 0 : i32
    %c0_i32_1 = arith.constant 0 : i32
    return %c0_i32, %c0_i32_0 : i32, i32
  }
  func.func @transform_6(%arg0: i32) -> i32 {
    %c0_i32 = arith.constant 0 : i32
    %c0_i32_0 = arith.constant 0 : i32
    return %c0_i32 : i32
  }
  func.func @transform_7(%arg0: i32) -> (i32, i32, i32) {
    %c0_i32 = arith.constant 0 : i32
    %c0_i32_0 = arith.constant 0 : i32
    %c0_i32_1 = arith.constant 0 : i32
    return %c0_i32, %arg0, %c0_i32_0 : i32, i32, i32
  }
}

</mosaic_0001>

<sc_bundles>
// kernel: kernel.6.cloned.1.call-start
scs
__scs_entry_jumppad:
0x0: {  	(pc) =	sbr.rel $0x88, $3  }
0x1: {  	(tag) =	ssettag $0x0;
	lr =	simm.s32 $0x1  }
0x2: {  	[smem:$0x3F99] =	sst lr;
	_ =	strace $0xD0000000  }
0x3: {  	_ = 	snop  }
0x4: {  	_ = 	snop  }
0x5: {  	_ = 	snop  }
0x6: {  	_ = 	snop  }
0x7: {  	_ = 	snop  }
__scs_overlays_trampoline_lowered:
0x8: {  	[smem:$0x3FA8] =	sst s0  }
0x9: {  	[smem:$0x3FA9] =	sst s1  }
0xa: {  	[smem:$0x3FAA] =	sst s2  }
0xb: {  	[smem:$0x3FAB] =	sst s3  }
0xc: {  	[smem:$0x3FAC] =	sst s4  }
0xd: {  	[smem:$0x3FAD] =	sst s5  }
0xe: {  	[smem:$0x3FAE] =	sst s6  }
0xf: {  	[smem:$0x3FAF] =	sst s7  }
0x10: {  	[smem:$0x3FB0] =	sst s8  }
0x11: {  	[smem:$0x3FB1] =	sst s9;
	s0 =	simm.s32 @!p0 $0x0  }
0x12: {  	s1 =	sld [smem:$0x3F97];
	s0 =	simm.s32 @p0 $0x1  }
0x13: {  	[smem:$0x3FB2] =	sst s0;
	s0 =	simm.s32 @!p1 $0x0  }
0x14: {  	s2 =	sld [smem:$0x3F96];
	s0 =	simm.s32 @p1 $0x1  }
0x15: {  	[smem:$0x3FB3] =	sst s0;
	s0 =	simm.s32 @!p2 $0x0  }
0x16: {  	s3 =	sld [smem:$0x3FDB];
	s0 =	simm.s32 @p2 $0x1  }
0x17: {  	s4 =	simm.s32 $0x1BF5;
	[smem:$0x3FB5] =	sst s0  }
0x18: {  	s0 =	sld [smem:$0x3F98];
	_ =	swait.ge [sflag:s4], $0x0  }
0x19: {  	s7 =	sld [smem:$0x3F99]  }
0x1a: {  	s8 =	sadd.s32 $0xFFFFE003, lr  }
0x1b: {  	s9 =	sadd.s32 $0xFFFFFEF7, lr;
	s5 =	simm.s32 $0xFFFFFFFF;
	p2 =	slt.u32 s8, $0xFFFFF086  }
0x1c: {  	p1 =	slt.u32 s9, $0xF7A;
	s5 =	simm.s32 @!p2 $0x0  }
0x1d: {  	s5 =	simm.s32 @p1 $0x1;
	p0 =	seq.s32 s7, s2  }
0x1e: {  	s7 =	smul.u32 @!p0 $0xF7A, s2;
	p2 =	seq.s32 @!p0 s5, $0x0  }
0x1f: {  	s9 =	smul.u32 $0xF7A, s1;
	s8 =	simm.s32 @!p0 $0x1BF5;
	p2 =	por !p2, p0  }
0x20: {  	[sflag:s8] =	ssyncset.s32 @!p0 $0xFFFFF086;
	s6 =	sadd.s32 @!p0 s3, s7;
	s7 =	simm.s32 @!p0 $0x108  }
0x21: {  	s3 =	sadd.s32 s3, s9;
	s6 =	sadd.s32 @!p0 $0x88, s6;
	s7 =	simm.s32 @p2 $0x1082  }
0x22: {  	[simem:s7], [sflag:s8] =	dma.local @!p0 [hbm:s6], $0xF7A  }
0x23: {  	s9 =	sor.u32 $0xD0000000, s2;
	s6 =	simm.s32 $0x108;
	_ =	swait.ge @!p0 [sflag:s8], $0x0  }
0x24: {  	s3 =	sadd.s32 $0x88, s3;
	s6 =	simm.s32 @!p1 $0x1082;
	[sflag:s4] =	ssyncset.s32 $0xFFFFF086  }
0x25: {  	[simem:s6], [sflag:s4] =	dma.local [hbm:s3], $0xF7A  }
0x26: {  	[smem:$0x3F99] =	sst s1;
	(tag) =	ssettag s2;
	_ =	strace s9  }
0x27: {  	s1 =	sld [smem:$0x3FA9]  }
0x28: {  	s2 =	sld [smem:$0x3FAA]  }
0x29: {  	s4 =	sld [smem:$0x3FAC]  }
0x2a: {  	p0 =	seq.s32 s5, $0x0;
	s5 =	sld [smem:$0x3FAD]  }
0x2b: {  	s6 =	sld [smem:$0x3FAE]  }
0x2c: {  	s7 =	sld [smem:$0x3FAF]  }
0x2d: {  	s3 =	simm.s32 $0x108;
	s8 =	sld [smem:$0x3FB0]  }
0x2e: {  	s3 =	simm.s32 @!p0 $0x1082;
	s9 =	sld [smem:$0x3FB1]  }
0x2f: {  	lr =	sadd.s32 s0, s3;
	s0 =	sld [smem:$0x3FA8]  }
0x30: {  	s3 =	sld [smem:$0x3FAB]  }
0x31: {  	[smem:$0x3FB4] =	sst s10  }
0x32: {  	s10 =	sld [smem:$0x3FB2];
	_ =	sdelay $0x3  }
0x33: {  	p0 =	seq.s32 s10, $0x1;
	s10 =	sld [smem:$0x3FB4];
	_ =	sdelay $0x3  }
0x34: {  	[smem:$0x3FB4] =	sst s10  }
0x35: {  	s10 =	sld [smem:$0x3FB3];
	_ =	sdelay $0x3  }
0x36: {  	p1 =	seq.s32 s10, $0x1;
	s10 =	sld [smem:$0x3FB4];
	_ =	sdelay $0x3  }
0x37: {  	[smem:$0x3FB4] =	sst s10  }
0x38: {  	s10 =	sld [smem:$0x3FB5]  }
0x39: {  	_ = 	snop;
	(pc) =	sbr.ind lr, $3  }
0x3a: {  	_ = 	snop  }
0x3b: {  	_ = 	snop  }
0x3c: {  	p2 =	seq.s32 s10, $0x1;
	s10 =	sld [smem:$0x3FB4]  }
0x3d: {  	_ =	shalt  }
0x3e: {  	_ =	shalt  }
0x3f: {  	_ =	shalt  }
0x40: {  	_ =	shalt  }
0x41: {  	_ =	shalt  }
0x42: {  	_ =	shalt  }
0x43: {  	_ =	shalt  }
0x44: {  	_ =	shalt  }
0x45: {  	_ =	shalt  }
0x46: {  	_ =	shalt  }
0x47: {  	_ =	shalt  }
0x48: {  	_ =	shalt  }
0x49: {  	_ =	shalt  }
0x4a: {  	_ =	shalt  }
0x4b: {  	_ =	shalt  }
0x4c: {  	_ =	shalt  }
0x4d: {  	_ =	shalt  }
0x4e: {  	_ =	shalt  }
0x4f: {  	_ =	shalt  }
0x50: {  	_ =	shalt  }
0x51: {  	_ =	shalt  }
0x52: {  	_ =	shalt  }
0x53: {  	_ =	shalt  }
0x54: {  	_ =	shalt  }
0x55: {  	_ =	shalt  }
0x56: {  	_ =	shalt  }
0x57: {  	_ =	shalt  }
0x58: {  	_ =	shalt  }
0x59: {  	_ =	shalt  }
0x5a: {  	_ =	shalt  }
0x5b: {  	_ =	shalt  }
0x5c: {  	_ =	shalt  }
0x5d: {  	_ =	shalt  }
0x5e: {  	_ =	shalt  }
0x5f: {  	_ =	shalt  }
0x60: {  	_ =	shalt  }
0x61: {  	_ =	shalt  }
0x62: {  	_ =	shalt  }
0x63: {  	_ =	shalt  }
0x64: {  	_ =	shalt  }
0x65: {  	_ =	shalt  }
0x66: {  	_ =	shalt  }
0x67: {  	_ =	shalt  }
0x68: {  	_ =	shalt  }
0x69: {  	_ =	shalt  }
0x6a: {  	_ =	shalt  }
0x6b: {  	_ =	shalt  }
0x6c: {  	_ =	shalt  }
0x6d: {  	_ =	shalt  }
0x6e: {  	_ =	shalt  }
0x6f: {  	_ =	shalt  }
0x70: {  	_ =	shalt  }
0x71: {  	_ =	shalt  }
0x72: {  	_ =	shalt  }
0x73: {  	_ =	shalt  }
0x74: {  	_ =	shalt  }
0x75: {  	_ =	shalt  }
0x76: {  	_ =	shalt  }
0x77: {  	_ =	shalt  }
0x78: {  	_ =	shalt  }
0x79: {  	_ =	shalt  }
0x7a: {  	_ =	shalt  }
0x7b: {  	_ =	shalt  }
0x7c: {  	_ =	shalt  }
0x7d: {  	_ =	shalt  }
0x7e: {  	_ =	shalt  }
0x7f: {  	_ =	shalt  }
0x80: {  	_ =	shalt  }
0x81: {  	_ =	shalt  }
0x82: {  	_ =	shalt  }
0x83: {  	_ =	shalt  }
0x84: {  	_ =	shalt  }
0x85: {  	_ =	shalt  }
0x86: {  	_ =	shalt  }
0x87: {  	_ =	shalt  }
.Lfunc_end0:
.L_simem_size_0:
called_computation_lowered:
.L_overlay_start_0:
0x88: {  	s2 =	sld [smem:$0x3FD9]  }
0x89: {  	s3 =	sld [smem:$0x3FFE];
	_ =	sdelay $0x1  }
0x8a: {  	s1 =	srdreg.scid  }
0x8b: {  	s0 =	sand.u32 $0x1, s1  }
0x8c: {  	s17 =	sshll.u32 s0, $0xA;
	s2 =	sadd.s32 s3, s2  }
0x8d: {  	s2 =	sadd.s32 s2, s17  }
0x8e: {  	[smem:$0x3FC0] =	sst s2  }
0x8f: {  	_ = 	snop  }
0x90: {  	s2 =	sld [smem:$0x3FD0];
	(tm) =	ssettm $0x1  }
0x91: {  	s18 =	sld [smem:$0x3FFB];
	_ =	sdelay $0x3  }
0x92: {  	_ =	strace s18  }
0x93: {  	s3 =	sld [smem:$0x3FFC];
	_ =	sdelay $0x3  }
0x94: {  	_ =	strace s3  }
0x95: {  	s3 =	sld [smem:$0x3FFD];
	_ =	sdelay $0x3  }
0x96: {  	_ =	strace s3  }
0x97: {  	_ =	strace $0x8FFFFFFF  }
0x98: {  	s19 =	sld [smem:$0x3FDB];
	_ =	sdelay $0x1  }
0x99: {  	s4 =	simm.s32 $_scs_section_size  }
0x9a: {  	s5 =	simm.s32 $_size__tile_overlayer_lowered;
	s6 =	simm.s32 $_tile_overlayer_lowered  }
0x9b: {  	s22 =	simm.s32 $0x1BFF;
	s21 =	sshll.u32 s6, $0x1;
	s3 =	sadd.s32 s4, s19  }
0x9c: {  	s7 =	simm.s32 $0x0;
	s20 =	sshll.u32 s5, $0x1;
	s5 =	sadd.s32 s21, s3  }
0x9d: {  	[timem:s7], [sflag:s22] =	dma.local [hbm:s5], s20  }
0x9e: {  	_ =	swait.ge [sflag:s22], s20  }
0x9f: {  	s4 =	ssub.s32 $0x0, s20;
	[sflag:s22] =	ssyncset.done $0x0  }
0xa0: {  	[sflag:s22] =	ssyncadd.s32 s4;
	_ =	sdelay $0x1  }
0xa1: {  	s23 =	simm.s32 $0x1B8B  }
0xa2: {  	_ =	swait.ge [sflag:s23], $0x1  }
0xa3: {  	[sflag:s23] =	ssyncset.done $0x0  }
0xa4: {  	s25 =	simm.s32 $0x1B8E;
	s24 =	sld [smem:$0x3FFE];
	[sflag:s23] =	ssyncadd.s32 $0xFFFFFFFF  }
0xa5: {  	s26 =	simm.s32 $execute0_lowered;
	[smem:$0x3FD2] =	sst s25  }
0xa6: {  	s5 =	sshll.u32 s26, $0x1;
	_ =	strace $0x80000046;
	[dreg:$0x1] =	wrdreg $0xFFFFFFFF  }
0xa7: {  	s28 =	simm.s32 $_size_execute0_lowered;
	s3 =	sadd.s32 s3, s5;
	[dreg:$0x0] =	wrdreg $0x0  }
0xa8: {  	s5 =	sshll.u32 s28, $0x1;
	[dreg:$0x2] =	wrdreg s3  }
0xa9: {  	[dreg:$0x3] =	wrdreg s5  }
0xaa: {  	[dreg:$0x4] =	wrdreg $0xC0  }
0xab: {  	_ =	task [dreg:s7], $0x5FFFF  }
0xac: {  	[dreg:$0x1] =	wrdreg $0xFFFFFFFF  }
0xad: {  	[dreg:$0x0] =	wrdreg $0x60  }
0xae: {  	[dreg:$0x2] =	wrdreg s24  }
0xaf: {  	[dreg:$0x3] =	wrdreg s2  }
0xb0: {  	[dreg:$0x4] =	wrdreg $0x54000  }
0xb1: {  	[dreg:$0x5] =	wrdreg $0x9  }
0xb2: {  	_ =	task.clear_ibuf [dreg:s7], $0x6FFFF;
	_ =	strace $0x90000046  }
0xb3: {  	s29 =	simm.s32 $0x9;
	_ =	strace $0x80000048  }
0xb4: {  	_ =	swait.ge [sflag:s29], $0x1  }
0xb5: {  	[sflag:s29] =	ssyncadd.s32 $0xFFFFFFFF  }
0xb6: {  	_ =	strace $0x90000048  }
0xb7: {  	_ =	sfence  }
0xb8: {  	s30 =	sld [smem:$0x0];
	_ =	sdelay $0x2  }
0xb9: {  	s31 =	sshll.u32 s1, $0xD;
	s1 =	sshrl.u32 s1, $0x2  }
0xba: {  	s3 =	sand.u32 $0x4000, s31;
	s1 =	sadd.s32 s1, s30  }
0xbb: {  	s0 =	sor.u32 s3, s0;
	s1 =	sshll.u32 s1, $0x11  }
0xbc: {  	s0 =	sor.u32 s1, s0  }
0xbd: {  	s0 =	sadd.s32 $0x8F2B, s0  }
0xbe: {  	[sflag:s0] =	ssyncadd.remote.s32 $0x1  }
0xbf: {  	_ =	sfence.sel $0xFFFF  }
0xc0: {  	[dreg:$0x0] =	wrdreg $0xFFFFFFFF;
	(pc) =	sbr.abs _section_cstart, $3  }
0xc1: {  	[dreg:$0x1] =	wrdreg $0xFFFFFFFF  }
0xc2: {  	_ =	task.clear_ibuf [dreg:s7], $0x2FFFF;
	_ =	strace $0x9FFFFFFF  }
0xc3: {  	(tm) =	ssettm $0x7FFFFFFF  }
tec
execute0_lowered:
.L_overlay_start_1:
0x0: {  	(tag) =	ssettag $0x1  }
0x1: {  	s5 =	rddreg [dreg:$0x0]  }
0x2: {  	s6 =	rddreg [dreg:$0x1]  }
0x3: {  	s2 =	rddreg [dreg:$0x2]  }
0x4: {  	s0 =	rddreg [dreg:$0x3];
	s1 =	stileid.u32  }
0x5: {  	s4 =	srdreg.scid;
	s3 =	simm.s32 $0x0;
	s14 =	simm.s32 $0x80  }
0x6: {  	s15 =	simm.s32 $0x100;
	s16 =	simm.s32 $0x180;
	s17 =	simm.s32 $0x200  }
0x7: {  	s18 =	simm.s32 $0x1;
	s19 =	simm.s32 $0x2;
	s20 =	simm.s32 $0x3  }
0x8: {  	s21 =	simm.s32 $0x4;
	s22 =	simm.s32 $0x5;
	s23 =	simm.s32 $0x0  }
0x9: {  	s7 =	sand.u32 $0x1, s4;
	s8 =	smul.u32 $0x14000, s1;
	[smem:$0x7FF] =	sst s3  }
0xa: {  	s28 =	sshll.u32 s1, $0xB;
	s12 =	smul.u32 $0x50000, s1;
	s4 =	sadd.s32 $0x11E00, s5  }
0xb: {  	s31 =	sshll.u32 s1, $0x6;
	s9 =	smul.u32 $0x140000, s7;
	_ =	strace $0x80000047  }
0xc: {  	s10 =	sadd.s32 s28, s5;
	s11 =	ssub.s32 $0x2, s7;
	s7 =	sshll.u32 s7, $0xF  }
0xd: {  	s13 =	sshrl.u32 s11, $0x1;
	s29 =	sshrl.u32 s12, $0x2;
	s30 =	sshrl.u32 s8, $0x3  }
0xe: {  	s7 =	sadd.s32 s7, s10;
	s9 =	sadd.s32 s8, s9;
	s11 =	ssub.s32 s11, s13  }
0xf: {  	s12 =	sadd.s32 s29, s2;
	s7 =	sadd.s32 $0x1E00, s7;
	s13 =	simm.s32 $0x28  }
0x10: {  	s9 =	sshrl.u32 s9, $0x3;
	s10 =	sshrl.u32 s12, $0x3;
	s12 =	simm.s32 $0x4000  }
0x11: {  	s9 =	sadd.s32 s9, s5;
	s5 =	sadd.s32 s6, s30;
	s6 =	sor.u32 $0x1C06, s31  }
0x12: {  	s8 =	sadd.s32 $0x12200, s9;
	s9 =	smax.u32 s11, $0x1;
	s11 =	simm.s32 $0x6  }
.LBB2_1:
0x13: {  	[spmem:s10], [sflag:s6] =	dma.local [hbm:s5], $0x2800  }
0x14: {  	_ =	swait.ge [sflag:s11], $0x2800  }
0x15: {  	[sflag:s11] =	ssyncset.done $0x0  }
0x16: {  	[sflag:s11] =	ssyncadd.s32 $0xFFFFD800  }
0x17: {  	[tilespmem:s12], [sflag:$0x6] =	stream.linear.gather [hbm4b:s4+s3], $0x1400, $0x38;
	[tilespmem:$0x19400] =	vst v63  }
0x18: {  	_ =	swait.ge [sflag:s11], $0x1400  }
0x19: {  	[sflag:s11] =	ssyncset.done $0x0  }
0x1a: {  	[sflag:s11] =	ssyncadd.s32 $0xFFFFEC00  }
0x1b: {  	[tilespmem:s3], [sflag:$0x6] =	stream.linear.gather [hbm4b:s7+s3], $0x3E80, $0x38;
	[tilespmem:$0x19400] =	vst v63  }
0x1c: {  	_ =	swait.ge [sflag:s11], $0x3E80  }
0x1d: {  	[sflag:s11] =	ssyncset.done $0x0  }
0x1e: {  	[sflag:s11] =	ssyncadd.s32 $0xFFFFC180  }
0x1f: {  	[bflag:$0x0] =	sbarrier.arrive $0xFFFF  }
0x20: {  	[spmem:s2] =	stream.indirect.scatter.add.f32 [tilespmem:s12], [sflag:$0x1], $0x80, s3, s13, $0xb8;
	[tilespmem:$0x19400] =	vst v63  }
0x21: {  	_ = 	snop  }
0x22: {  	[spmem:s2] =	stream.indirect.scatter.add.f32 [tilespmem:s12], [sflag:$0x2], $0x80, s14, s13, $0xb8;
	[tilespmem:$0x19400] =	vst v63  }
0x23: {  	_ = 	snop  }
0x24: {  	[spmem:s2] =	stream.indirect.scatter.add.f32 [tilespmem:s12], [sflag:$0x3], $0x80, s15, s13, $0xb8;
	[tilespmem:$0x19400] =	vst v63  }
0x25: {  	_ = 	snop  }
0x26: {  	[spmem:s2] =	stream.indirect.scatter.add.f32 [tilespmem:s12], [sflag:$0x4], $0x80, s16, s13, $0xb8;
	[tilespmem:$0x19400] =	vst v63  }
0x27: {  	_ = 	snop  }
0x28: {  	[spmem:s2] =	stream.indirect.scatter.add.f32 [tilespmem:s12], [sflag:$0x5], $0x80, s17, s13, $0xb8;
	[tilespmem:$0x19400] =	vst v63  }
0x29: {  	_ =	swait.ge [sflag:s18], $0x1400  }
0x2a: {  	[sflag:s18] =	ssyncset.done $0x0  }
0x2b: {  	s24 =	simm.s32 $0x280;
	[sflag:s18] =	ssyncadd.s32 $0xFFFFEC00  }
0x2c: {  	[spmem:s2] =	stream.indirect.scatter.add.f32 [tilespmem:s12], [sflag:$0x1], $0x80, s24, s13, $0xb8;
	[tilespmem:$0x19400] =	vst v63  }
0x2d: {  	_ =	swait.ge [sflag:s19], $0x1400  }
0x2e: {  	[sflag:s19] =	ssyncset.done $0x0  }
0x2f: {  	s29 =	simm.s32 $0x300;
	[sflag:s19] =	ssyncadd.s32 $0xFFFFEC00  }
0x30: {  	[spmem:s2] =	stream.indirect.scatter.add.f32 [tilespmem:s12], [sflag:$0x2], $0x80, s29, s13, $0xb8;
	[tilespmem:$0x19400] =	vst v63  }
0x31: {  	_ =	swait.ge [sflag:s20], $0x1400  }
0x32: {  	[sflag:s20] =	ssyncset.done $0x0  }
0x33: {  	s30 =	simm.s32 $0x380;
	[sflag:s20] =	ssyncadd.s32 $0xFFFFEC00  }
0x34: {  	[spmem:s2] =	stream.indirect.scatter.add.f32 [tilespmem:s12], [sflag:$0x3], $0x80, s30, s13, $0xb8;
	[tilespmem:$0x19400] =	vst v63  }
0x35: {  	_ =	swait.ge [sflag:s21], $0x1400  }
0x36: {  	[sflag:s21] =	ssyncset.done $0x0  }
0x37: {  	s31 =	simm.s32 $0x400;
	[sflag:s21] =	ssyncadd.s32 $0xFFFFEC00  }
0x38: {  	[spmem:s2] =	stream.indirect.scatter.add.f32 [tilespmem:s12], [sflag:$0x4], $0x80, s31, s13, $0xb8;
	[tilespmem:$0x19400] =	vst v63  }
0x39: {  	_ =	swait.ge [sflag:s22], $0x1400  }
0x3a: {  	[sflag:s22] =	ssyncset.done $0x0  }
0x3b: {  	s25 =	simm.s32 $0x480;
	s24 =	simm.s32 $0xFFFF1A00;
	[sflag:s22] =	ssyncadd.s32 $0xFFFFEC00  }
.LBB2_2:
0x3c: {  	[spmem:s2] =	stream.indirect.scatter.add.f32 [tilespmem:s12], [sflag:$0x5], $0x80, s25, s13, $0xb8;
	[tilespmem:$0x19400] =	vst v63  }
0x3d: {  	s25 =	smov.u32 s24  }
0x3e: {  	p0 =	sne.s32 s24, $0xFFFFF600;
	s24 =	sadd.s32 $0xA00, s24;
	_ =	swait.ge [sflag:s18], $0x1400  }
0x3f: {  	s25 =	sshra.s32 s25, $0x2;
	[sflag:s18] =	ssyncset.done $0x0  }
0x40: {  	s26 =	sadd.s32 $0x3E80, s25;
	[sflag:s18] =	ssyncadd.s32 $0xFFFFEC00  }
0x41: {  	[spmem:s2] =	stream.indirect.scatter.add.f32 [tilespmem:s12], [sflag:$0x1], $0x80, s26, s13, $0xb8;
	[tilespmem:$0x19400] =	vst v63  }
0x42: {  	_ =	swait.ge [sflag:s19], $0x1400  }
0x43: {  	[sflag:s19] =	ssyncset.done $0x0  }
0x44: {  	s26 =	sadd.s32 $0x3F00, s25;
	[sflag:s19] =	ssyncadd.s32 $0xFFFFEC00  }
0x45: {  	[spmem:s2] =	stream.indirect.scatter.add.f32 [tilespmem:s12], [sflag:$0x2], $0x80, s26, s13, $0xb8;
	[tilespmem:$0x19400] =	vst v63  }
0x46: {  	_ =	swait.ge [sflag:s20], $0x1400  }
0x47: {  	[sflag:s20] =	ssyncset.done $0x0  }
0x48: {  	s26 =	sadd.s32 $0x3F80, s25;
	[sflag:s20] =	ssyncadd.s32 $0xFFFFEC00  }
0x49: {  	[spmem:s2] =	stream.indirect.scatter.add.f32 [tilespmem:s12], [sflag:$0x3], $0x80, s26, s13, $0xb8;
	[tilespmem:$0x19400] =	vst v63  }
0x4a: {  	_ =	swait.ge [sflag:s21], $0x1400  }
0x4b: {  	[sflag:s21] =	ssyncset.done $0x0  }
.Ltmp0:
0x4c: {  	s26 =	sadd.s32 $0x4000, s25;
	[sflag:s21] =	ssyncadd.s32 $0xFFFFEC00;
	(pc) =	sbr.rel @p0 .LBB2_2-.Ltmp0, $4  }
0x4d: {  	[spmem:s2] =	stream.indirect.scatter.add.f32 [tilespmem:s12], [sflag:$0x4], $0x80, s26, s13, $0xb8;
	[tilespmem:$0x19400] =	vst v63  }
0x4e: {  	_ =	swait.ge [sflag:s22], $0x1400  }
0x4f: {  	[sflag:s22] =	ssyncset.done $0x0  }
0x50: {  	s25 =	sadd.s32 $0x4080, s25;
	[sflag:s22] =	ssyncadd.s32 $0xFFFFEC00  }
0x51: {  	[spmem:s2] =	stream.indirect.scatter.add.f32 [tilespmem:s12], [sflag:$0x5], $0x80, s25, s13, $0xb8;
	[tilespmem:$0x19400] =	vst v63  }
0x52: {  	_ =	swait.ge [sflag:s18], $0x1400  }
0x53: {  	[sflag:s18] =	ssyncset.done $0x0  }
0x54: {  	[sflag:s18] =	ssyncadd.s32 $0xFFFFEC00  }
0x55: {  	_ =	swait.ge [sflag:s19], $0x1400  }
0x56: {  	[sflag:s19] =	ssyncset.done $0x0  }
0x57: {  	[sflag:s19] =	ssyncadd.s32 $0xFFFFEC00  }
0x58: {  	_ =	swait.ge [sflag:s20], $0x1400  }
0x59: {  	[sflag:s20] =	ssyncset.done $0x0  }
0x5a: {  	[sflag:s20] =	ssyncadd.s32 $0xFFFFEC00  }
0x5b: {  	_ =	swait.ge [sflag:s21], $0x1400  }
0x5c: {  	[sflag:s21] =	ssyncset.done $0x0  }
0x5d: {  	[sflag:s21] =	ssyncadd.s32 $0xFFFFEC00  }
0x5e: {  	_ =	swait.ge [sflag:s22], $0x1400  }
0x5f: {  	s23 =	sadd.s32 $0x1, s23;
	[sflag:s22] =	ssyncset.done $0x0  }
0x60: {  	p0 =	sne.s32 s23, s9;
	[sflag:s22] =	ssyncadd.s32 $0xFFFFEC00  }
.Ltmp1:
0x61: {  	[bflag:$0x0] =	sbarrier.arrive $0xFFFF;
	(pc) =	sbr.rel @p0 .LBB2_1-.Ltmp1, $4  }
0x62: {  	[hbm:s8], [sflag:s6] =	dma.local [spmem:s10], $0x2800  }
0x63: {  	_ =	swait.ge [sflag:s11], $0x2800  }
0x64: {  	[sflag:s11] =	ssyncset.done $0x0  }
0x65: {  	[sflag:s11] =	ssyncadd.s32 $0xFFFFD800  }
0x66: {  	_ =	sfence.sel $0x180000  }
0x67: {  	[bflag:$0x0] =	sbarrier.arrive $0xFFFF  }
0x68: {  	p0 =	sne.s32 s1, $0x0;
	_ =	strace $0x90000047  }
0x69: {  	s0 =	sadd.s32 @!p0 $0x100000, s0;
	[bflag:$0x2] =	sbarrier.arrive $0xFFFF  }
0x6a: {  	[sflag:s0] =	ssyncadd.tile.s32 @!p0 $0x1;
	_ =	shalt  }
.Lfunc_end2:
_tile_overlayer_lowered:
.L_overlay_start_2:
0x6b: {  	(tag) =	ssettag $0x2  }
0x6c: {  	s0 =	rddreg [dreg:$0x0];
	s2 =	stileid.u32  }
0x6d: {  	s1 =	rddreg [dreg:$0x1];
	p0 =	sne.s32 s2, $0x0  }
0x6e: {  	s3 =	rddreg [dreg:$0x2];
	[bflag:$0x3] =	sbarrier.arrive $0xFFFF;
	s2 =	simm.s32 @!p0 $0x1C06  }
0x6f: {  	[timem:s3], [sflag:s2] =	dma.local @!p0 [hbm:s0], s1  }
0x70: {  	s0 =	simm.s32 @!p0 $0x6  }
0x71: {  	_ =	swait.ge @!p0 [sflag:s0], s1  }
0x72: {  	s1 =	ssub.s32 @!p0 $0x0, s1;
	[sflag:s0] =	ssyncset.done @!p0 $0x0  }
0x73: {  	[sflag:s0] =	ssyncadd.s32 @!p0 s1  }
0x74: {  	[bflag:$0x3] =	sbarrier.arrive $0xFFFF  }
0x75: {  	_ =	shalt  }

// kernel: kernel.9.cloned.1.call-start
scs
__scs_entry_jumppad:
0x0: {  	(pc) =	sbr.rel $0x88, $3  }
0x1: {  	(tag) =	ssettag $0x0;
	lr =	simm.s32 $0x1  }
0x2: {  	[smem:$0x3F99] =	sst lr;
	_ =	strace $0xD0000000  }
0x3: {  	_ = 	snop  }
0x4: {  	_ = 	snop  }
0x5: {  	_ = 	snop  }
0x6: {  	_ = 	snop  }
0x7: {  	_ = 	snop  }
__scs_overlays_trampoline_lowered:
0x8: {  	[smem:$0x3FA8] =	sst s0  }
0x9: {  	[smem:$0x3FA9] =	sst s1  }
0xa: {  	[smem:$0x3FAA] =	sst s2  }
0xb: {  	[smem:$0x3FAB] =	sst s3  }
0xc: {  	[smem:$0x3FAC] =	sst s4  }
0xd: {  	[smem:$0x3FAD] =	sst s5  }
0xe: {  	[smem:$0x3FAE] =	sst s6  }
0xf: {  	[smem:$0x3FAF] =	sst s7  }
0x10: {  	[smem:$0x3FB0] =	sst s8  }
0x11: {  	[smem:$0x3FB1] =	sst s9;
	s0 =	simm.s32 @!p0 $0x0  }
0x12: {  	s1 =	sld [smem:$0x3F97];
	s0 =	simm.s32 @p0 $0x1  }
0x13: {  	[smem:$0x3FB2] =	sst s0;
	s0 =	simm.s32 @!p1 $0x0  }
0x14: {  	s2 =	sld [smem:$0x3F96];
	s0 =	simm.s32 @p1 $0x1  }
0x15: {  	[smem:$0x3FB3] =	sst s0;
	s0 =	simm.s32 @!p2 $0x0  }
0x16: {  	s3 =	sld [smem:$0x3FDB];
	s0 =	simm.s32 @p2 $0x1  }
0x17: {  	s4 =	simm.s32 $0x1BF5;
	[smem:$0x3FB5] =	sst s0  }
0x18: {  	s0 =	sld [smem:$0x3F98];
	_ =	swait.ge [sflag:s4], $0x0  }
0x19: {  	s7 =	sld [smem:$0x3F99]  }
0x1a: {  	s8 =	sadd.s32 $0xFFFFE003, lr  }
0x1b: {  	s9 =	sadd.s32 $0xFFFFFEF7, lr;
	s5 =	simm.s32 $0xFFFFFFFF;
	p2 =	slt.u32 s8, $0xFFFFF086  }
0x1c: {  	p1 =	slt.u32 s9, $0xF7A;
	s5 =	simm.s32 @!p2 $0x0  }
0x1d: {  	s5 =	simm.s32 @p1 $0x1;
	p0 =	seq.s32 s7, s2  }
0x1e: {  	s7 =	smul.u32 @!p0 $0xF7A, s2;
	p2 =	seq.s32 @!p0 s5, $0x0  }
0x1f: {  	s9 =	smul.u32 $0xF7A, s1;
	s8 =	simm.s32 @!p0 $0x1BF5;
	p2 =	por !p2, p0  }
0x20: {  	[sflag:s8] =	ssyncset.s32 @!p0 $0xFFFFF086;
	s6 =	sadd.s32 @!p0 s3, s7;
	s7 =	simm.s32 @!p0 $0x108  }
0x21: {  	s3 =	sadd.s32 s3, s9;
	s6 =	sadd.s32 @!p0 $0x88, s6;
	s7 =	simm.s32 @p2 $0x1082  }
0x22: {  	[simem:s7], [sflag:s8] =	dma.local @!p0 [hbm:s6], $0xF7A  }
0x23: {  	s9 =	sor.u32 $0xD0000000, s2;
	s6 =	simm.s32 $0x108;
	_ =	swait.ge @!p0 [sflag:s8], $0x0  }
0x24: {  	s3 =	sadd.s32 $0x88, s3;
	s6 =	simm.s32 @!p1 $0x1082;
	[sflag:s4] =	ssyncset.s32 $0xFFFFF086  }
0x25: {  	[simem:s6], [sflag:s4] =	dma.local [hbm:s3], $0xF7A  }
0x26: {  	[smem:$0x3F99] =	sst s1;
	(tag) =	ssettag s2;
	_ =	strace s9  }
0x27: {  	s1 =	sld [smem:$0x3FA9]  }
0x28: {  	s2 =	sld [smem:$0x3FAA]  }
0x29: {  	s4 =	sld [smem:$0x3FAC]  }
0x2a: {  	p0 =	seq.s32 s5, $0x0;
	s5 =	sld [smem:$0x3FAD]  }
0x2b: {  	s6 =	sld [smem:$0x3FAE]  }
0x2c: {  	s7 =	sld [smem:$0x3FAF]  }
0x2d: {  	s3 =	simm.s32 $0x108;
	s8 =	sld [smem:$0x3FB0]  }
0x2e: {  	s3 =	simm.s32 @!p0 $0x1082;
	s9 =	sld [smem:$0x3FB1]  }
0x2f: {  	lr =	sadd.s32 s0, s3;
	s0 =	sld [smem:$0x3FA8]  }
0x30: {  	s3 =	sld [smem:$0x3FAB]  }
0x31: {  	[smem:$0x3FB4] =	sst s10  }
0x32: {  	s10 =	sld [smem:$0x3FB2];
	_ =	sdelay $0x3  }
0x33: {  	p0 =	seq.s32 s10, $0x1;
	s10 =	sld [smem:$0x3FB4];
	_ =	sdelay $0x3  }
0x34: {  	[smem:$0x3FB4] =	sst s10  }
0x35: {  	s10 =	sld [smem:$0x3FB3];
	_ =	sdelay $0x3  }
0x36: {  	p1 =	seq.s32 s10, $0x1;
	s10 =	sld [smem:$0x3FB4];
	_ =	sdelay $0x3  }
0x37: {  	[smem:$0x3FB4] =	sst s10  }
0x38: {  	s10 =	sld [smem:$0x3FB5]  }
0x39: {  	_ = 	snop;
	(pc) =	sbr.ind lr, $3  }
0x3a: {  	_ = 	snop  }
0x3b: {  	_ = 	snop  }
0x3c: {  	p2 =	seq.s32 s10, $0x1;
	s10 =	sld [smem:$0x3FB4]  }
0x3d: {  	_ =	shalt  }
0x3e: {  	_ =	shalt  }
0x3f: {  	_ =	shalt  }
0x40: {  	_ =	shalt  }
0x41: {  	_ =	shalt  }
0x42: {  	_ =	shalt  }
0x43: {  	_ =	shalt  }
0x44: {  	_ =	shalt  }
0x45: {  	_ =	shalt  }
0x46: {  	_ =	shalt  }
0x47: {  	_ =	shalt  }
0x48: {  	_ =	shalt  }
0x49: {  	_ =	shalt  }
0x4a: {  	_ =	shalt  }
0x4b: {  	_ =	shalt  }
0x4c: {  	_ =	shalt  }
0x4d: {  	_ =	shalt  }
0x4e: {  	_ =	shalt  }
0x4f: {  	_ =	shalt  }
0x50: {  	_ =	shalt  }
0x51: {  	_ =	shalt  }
0x52: {  	_ =	shalt  }
0x53: {  	_ =	shalt  }
0x54: {  	_ =	shalt  }
0x55: {  	_ =	shalt  }
0x56: {  	_ =	shalt  }
0x57: {  	_ =	shalt  }
0x58: {  	_ =	shalt  }
0x59: {  	_ =	shalt  }
0x5a: {  	_ =	shalt  }
0x5b: {  	_ =	shalt  }
0x5c: {  	_ =	shalt  }
0x5d: {  	_ =	shalt  }
0x5e: {  	_ =	shalt  }
0x5f: {  	_ =	shalt  }
0x60: {  	_ =	shalt  }
0x61: {  	_ =	shalt  }
0x62: {  	_ =	shalt  }
0x63: {  	_ =	shalt  }
0x64: {  	_ =	shalt  }
0x65: {  	_ =	shalt  }
0x66: {  	_ =	shalt  }
0x67: {  	_ =	shalt  }
0x68: {  	_ =	shalt  }
0x69: {  	_ =	shalt  }
0x6a: {  	_ =	shalt  }
0x6b: {  	_ =	shalt  }
0x6c: {  	_ =	shalt  }
0x6d: {  	_ =	shalt  }
0x6e: {  	_ =	shalt  }
0x6f: {  	_ =	shalt  }
0x70: {  	_ =	shalt  }
0x71: {  	_ =	shalt  }
0x72: {  	_ =	shalt  }
0x73: {  	_ =	shalt  }
0x74: {  	_ =	shalt  }
0x75: {  	_ =	shalt  }
0x76: {  	_ =	shalt  }
0x77: {  	_ =	shalt  }
0x78: {  	_ =	shalt  }
0x79: {  	_ =	shalt  }
0x7a: {  	_ =	shalt  }
0x7b: {  	_ =	shalt  }
0x7c: {  	_ =	shalt  }
0x7d: {  	_ =	shalt  }
0x7e: {  	_ =	shalt  }
0x7f: {  	_ =	shalt  }
0x80: {  	_ =	shalt  }
0x81: {  	_ =	shalt  }
0x82: {  	_ =	shalt  }
0x83: {  	_ =	shalt  }
0x84: {  	_ =	shalt  }
0x85: {  	_ =	shalt  }
0x86: {  	_ =	shalt  }
0x87: {  	_ =	shalt  }
.Lfunc_end0:
.L_simem_size_0:
called_computation.1_lowered:
.L_overlay_start_0:
0x88: {  	s2 =	sld [smem:$0x3FD9]  }
0x89: {  	s3 =	sld [smem:$0x3FFE];
	_ =	sdelay $0x1  }
0x8a: {  	s1 =	srdreg.scid  }
0x8b: {  	s0 =	sand.u32 $0x1, s1  }
0x8c: {  	s16 =	sshll.u32 s0, $0xA;
	s2 =	sadd.s32 s3, s2  }
0x8d: {  	s2 =	sadd.s32 s2, s16  }
0x8e: {  	[smem:$0x3FC0] =	sst s2  }
0x8f: {  	_ = 	snop  }
0x90: {  	(tm) =	ssettm $0x1  }
0x91: {  	s17 =	sld [smem:$0x3FFB];
	_ =	sdelay $0x3  }
0x92: {  	_ =	strace s17  }
0x93: {  	s2 =	sld [smem:$0x3FFC];
	_ =	sdelay $0x3  }
0x94: {  	_ =	strace s2  }
0x95: {  	s2 =	sld [smem:$0x3FFD];
	_ =	sdelay $0x3  }
0x96: {  	_ =	strace s2  }
0x97: {  	_ =	strace $0x8FFFFFFF  }
0x98: {  	s18 =	sld [smem:$0x3FDB];
	_ =	sdelay $0x1  }
0x99: {  	s19 =	simm.s32 $_scs_section_size  }
0x9a: {  	s4 =	simm.s32 $_size__tile_overlayer_lowered;
	s5 =	simm.s32 $_tile_overlayer_lowered  }
0x9b: {  	s22 =	simm.s32 $0x1BFF;
	s21 =	sshll.u32 s5, $0x1;
	s2 =	sadd.s32 s19, s18  }
0x9c: {  	s6 =	simm.s32 $0x0;
	s20 =	sshll.u32 s4, $0x1;
	s4 =	sadd.s32 s21, s2  }
0x9d: {  	[timem:s6], [sflag:s22] =	dma.local [hbm:s4], s20  }
0x9e: {  	_ =	swait.ge [sflag:s22], s20  }
0x9f: {  	s3 =	ssub.s32 $0x0, s20;
	[sflag:s22] =	ssyncset.done $0x0  }
0xa0: {  	[sflag:s22] =	ssyncadd.s32 s3;
	_ =	sdelay $0x1  }
0xa1: {  	s23 =	simm.s32 $0x1B8B  }
0xa2: {  	_ =	swait.ge [sflag:s23], $0x1  }
0xa3: {  	[sflag:s23] =	ssyncset.done $0x0  }
0xa4: {  	s25 =	simm.s32 $0x1B8E;
	s24 =	sld [smem:$0x3FFE];
	[sflag:s23] =	ssyncadd.s32 $0xFFFFFFFF  }
0xa5: {  	s26 =	simm.s32 $execute0_lowered;
	[smem:$0x3FD2] =	sst s25  }
0xa6: {  	s4 =	sshll.u32 s26, $0x1;
	_ =	strace $0x80000049;
	[dreg:$0x1] =	wrdreg $0xFFFFFFFF  }
0xa7: {  	s28 =	simm.s32 $_size_execute0_lowered;
	s2 =	sadd.s32 s2, s4;
	[dreg:$0x0] =	wrdreg $0x0  }
0xa8: {  	s4 =	sshll.u32 s28, $0x1;
	[dreg:$0x2] =	wrdreg s2  }
0xa9: {  	[dreg:$0x3] =	wrdreg s4  }
0xaa: {  	[dreg:$0x4] =	wrdreg $0xC0  }
0xab: {  	_ =	task [dreg:s6], $0x5FFFF  }
0xac: {  	[dreg:$0x1] =	wrdreg $0xFFFFFFFF  }
0xad: {  	[dreg:$0x0] =	wrdreg $0x60  }
0xae: {  	[dreg:$0x2] =	wrdreg s24  }
0xaf: {  	[dreg:$0x3] =	wrdreg $0xA6000  }
0xb0: {  	[dreg:$0x4] =	wrdreg $0x9  }
0xb1: {  	_ =	task.clear_ibuf [dreg:s6], $0x5FFFF;
	_ =	strace $0x90000049  }
0xb2: {  	s29 =	simm.s32 $0x9;
	_ =	strace $0x8000004B  }
0xb3: {  	_ =	swait.ge [sflag:s29], $0x1  }
0xb4: {  	[sflag:s29] =	ssyncadd.s32 $0xFFFFFFFF  }
0xb5: {  	_ =	strace $0x9000004B  }
0xb6: {  	_ =	sfence  }
0xb7: {  	s30 =	sld [smem:$0x0];
	_ =	sdelay $0x2  }
0xb8: {  	s31 =	sshll.u32 s1, $0xD;
	s1 =	sshrl.u32 s1, $0x2  }
0xb9: {  	s3 =	sand.u32 $0x4000, s31;
	s1 =	sadd.s32 s1, s30  }
0xba: {  	s0 =	sor.u32 s3, s0;
	s1 =	sshll.u32 s1, $0x11  }
0xbb: {  	s0 =	sor.u32 s1, s0  }
0xbc: {  	s0 =	sadd.s32 $0x8F2B, s0  }
0xbd: {  	[sflag:s0] =	ssyncadd.remote.s32 $0x1  }
0xbe: {  	_ =	sfence.sel $0xFFFF  }
0xbf: {  	[dreg:$0x0] =	wrdreg $0xFFFFFFFF;
	(pc) =	sbr.abs _section_cstart, $3  }
0xc0: {  	[dreg:$0x1] =	wrdreg $0xFFFFFFFF  }
0xc1: {  	_ =	task.clear_ibuf [dreg:s6], $0x2FFFF;
	_ =	strace $0x9FFFFFFF  }
0xc2: {  	(tm) =	ssettm $0x7FFFFFFF  }
0xc3: {  	_ =	shalt  }
tec
execute0_lowered:
.L_overlay_start_1:
0x0: {  	(tag) =	ssettag $0x1  }
0x1: {  	s0 =	rddreg [dreg:$0x0]  }
0x2: {  	s1 =	rddreg [dreg:$0x1]  }
0x3: {  	s2 =	srdreg.scid;
	s15 =	stileid.u32  }
0x4: {  	s3 =	simm.s32 $0x0;
	s28 =	simm.s32 $0x280;
	s5 =	smul.u32 $0x14000, s15  }
0x5: {  	s29 =	simm.s32 $0x300;
	s2 =	sand.u32 $0x1, s2;
	s9 =	smul.u32 $0x50000, s15  }
0x6: {  	[smem:$0x7FF] =	sst s3;
	s6 =	sadd.s32 $0x6A000, s0;
	s10 =	smul.u32 $0x3E80, s15  }
0x7: {  	s7 =	sadd.s32 $0x62200, s0;
	s8 =	sadd.s32 $0x1E00, s0;
	s12 =	smul.u32 $0x280, s15  }
0x8: {  	s18 =	sshll.u32 s15, $0x6;
	s4 =	smul.u32 $0x140000, s2;
	_ =	strace $0x8000004A  }
0x9: {  	s2 =	ssub.s32 $0x2, s2;
	s20 =	sor.u32 $0x1C11, s18;
	s9 =	sshrl.u32 s9, $0x2  }
0xa: {  	s19 =	sand.u32 $0x3FC00, s10;
	s21 =	sand.u32 $0x380, s12;
	[dreg:$0x9] =	wrdreg s20  }
0xb: {  	s5 =	sadd.s32 s5, s4;
	s9 =	sadd.s32 s9, s1;
	s22 =	sor.u32 s21, s19  }
0xc: {  	s1 =	smul.u32 $0x7D0, s15;
	s5 =	sshrl.u32 s5, $0x3;
	[dreg:$0x7] =	wrdreg s9  }
0xd: {  	s9 =	sshrl.u32 s10, $0x3;
	s0 =	sadd.s32 s5, s0;
	s5 =	sadd.s32 s8, s5  }
0xe: {  	s23 =	sadd.s32 $0x10, s9;
	s19 =	sadd.s32 s1, s7;
	[dreg:$0x8] =	wrdreg s5  }
0xf: {  	s13 =	sadd.s32 $0x20, s9;
	s24 =	sadd.s32 s6, s23;
	[dreg:$0x3] =	wrdreg s19  }
0x10: {  	s26 =	sadd.s32 $0x30, s9;
	s25 =	sadd.s32 s6, s13;
	[dreg:$0xb] =	wrdreg s24  }
0x11: {  	s16 =	sadd.s32 s6, s9;
	s17 =	sadd.s32 s6, s26;
	[dreg:$0xc] =	wrdreg s25  }
0x12: {  	s10 =	sadd.s32 $0x400, s10;
	s30 =	sadd.s32 $0x40, s16;
	[dreg:$0xd] =	wrdreg s17  }
0x13: {  	s10 =	sand.u32 $0x7FC00, s10;
	s18 =	sadd.s32 s7, s13;
	[dreg:$0xe] =	wrdreg s30  }
0x14: {  	s31 =	sor.u32 s21, s10;
	s21 =	sadd.s32 s7, s26;
	[dreg:$0x11] =	wrdreg s18  }
0x15: {  	s5 =	sshrl.u32 s22, $0x3;
	s0 =	sadd.s32 $0x71E00, s0;
	[dreg:$0x12] =	wrdreg s21  }
0x16: {  	s11 =	sshrl.u32 s2, $0x1;
	s14 =	sadd.s32 s6, s5;
	[dreg:$0x17] =	wrdreg s0  }
0x17: {  	s2 =	ssub.s32 s2, s11;
	s5 =	sadd.s32 s7, s5;
	[dreg:$0xa] =	wrdreg s14  }
0x18: {  	s4 =	sshrl.u32 s4, $0x3;
	s17 =	sadd.s32 s7, s23;
	[dreg:$0xf] =	wrdreg s5  }
0x19: {  	s11 =	simm.s32 $0x380;
	s23 =	sadd.s32 $0x50, s16;
	[dreg:$0x10] =	wrdreg s17  }
0x1a: {  	s15 =	sadd.s32 s8, s4;
	s24 =	sadd.s32 $0x60, s16;
	[dreg:$0x13] =	wrdreg s23  }
0x1b: {  	s4 =	simm.s32 $0x0;
	s25 =	sadd.s32 $0x70, s16;
	[dreg:$0x14] =	wrdreg s24  }
0x1c: {  	s13 =	simm.s32 $0x1;
	s30 =	smax.u32 s2, $0x1;
	[dreg:$0x15] =	wrdreg s25  }
0x1d: {  	s18 =	sadd.s32 s1, s6;
	s5 =	sshrl.u32 s31, $0x3;
	[dreg:$0x18] =	wrdreg s30  }
0x1e: {  	s24 =	simm.s32 $0x11;
	[dreg:$0x6] =	wrdreg s18;
	s22 =	sadd.s32 s5, s7  }
0x1f: {  	s7 =	sadd.s32 s7, s9;
	s31 =	sadd.s32 s5, s6;
	[dreg:$0x4] =	wrdreg s22  }
0x20: {  	s17 =	simm.s32 $0x100;
	s26 =	sadd.s32 $0x7C0, s7;
	[dreg:$0x5] =	wrdreg s31  }
0x21: {  	s6 =	simm.s32 $0x80;
	s9 =	simm.s32 $0x50;
	[dreg:$0x16] =	wrdreg s26  }
.LBB2_1:
0x22: {  	[dreg:$0x19] =	wrdreg s4  }
0x23: {  	s8 =	rddreg [dreg:$0x7]  }
0x24: {  	s25 =	rddreg [dreg:$0x8];
	s23 =	sshrl.u32 s8, $0x3  }
0x25: {  	[dreg:$0x1a] =	wrdreg s23  }
0x26: {  	[spmem:s23], [sflag:s20] =	dma.local [hbm:s25], $0x2800  }
0x27: {  	_ =	swait.ge [sflag:s24], $0x2800  }
0x28: {  	[sflag:s24] =	ssyncset.done $0x0  }
0x29: {  	[sflag:s24] =	ssyncadd.s32 $0xFFFFD800  }
0x2a: {  	[bflag:$0x0] =	sbarrier.arrive $0xFFFF  }
0x2b: {  	s26 =	rddreg [dreg:$0xa]  }
0x2c: {  	[tilespmem:s3], [sflag:$0x1] =	stream.linear.gather [hbm4b:s26+s3], $0x80, $0x38;
	[tilespmem:$0x1E600] =	vst v63  }
0x2d: {  	s30 =	rddreg [dreg:$0xb]  }
0x2e: {  	[tilespmem:s6], [sflag:$0x2] =	stream.linear.gather [hbm4b:s30+s3], $0x80, $0x38;
	[tilespmem:$0x1E600] =	vst v63  }
0x2f: {  	s31 =	rddreg [dreg:$0xc]  }
0x30: {  	[tilespmem:s17], [sflag:$0x3] =	stream.linear.gather [hbm4b:s31+s3], $0x80, $0x38;
	[tilespmem:$0x1E600] =	vst v63  }
0x31: {  	s1 =	simm.s32 $0x180;
	s0 =	rddreg [dreg:$0xd]  }
0x32: {  	[tilespmem:s1], [sflag:$0x4] =	stream.linear.gather [hbm4b:s0+s3], $0x80, $0x38;
	[tilespmem:$0x1E600] =	vst v63  }
0x33: {  	s4 =	simm.s32 $0x200;
	s1 =	rddreg [dreg:$0xe]  }
0x34: {  	[tilespmem:s4], [sflag:$0x5] =	stream.linear.gather [hbm4b:s1+s3], $0x80, $0x38;
	[tilespmem:$0x1E600] =	vst v63  }
0x35: {  	s5 =	rddreg [dreg:$0x13]  }
0x36: {  	[tilespmem:s28], [sflag:$0x6] =	stream.linear.gather [hbm4b:s5+s3], $0x80, $0x38;
	[tilespmem:$0x1E600] =	vst v63  }
0x37: {  	s7 =	rddreg [dreg:$0x14]  }
0x38: {  	[tilespmem:s29], [sflag:$0x7] =	stream.linear.gather [hbm4b:s7+s3], $0x80, $0x38;
	[tilespmem:$0x1E600] =	vst v63  }
0x39: {  	s10 =	rddreg [dreg:$0x15]  }
0x3a: {  	[tilespmem:s11], [sflag:$0x8] =	stream.linear.gather [hbm4b:s10+s3], $0x80, $0x38;
	[tilespmem:$0x1E600] =	vst v63  }
0x3b: {  	s12 =	rddreg [dreg:$0xf];
	s7 =	simm.s32 $0x400  }
0x3c: {  	[tilespmem:s7], [sflag:$0x9] =	stream.linear.gather [hbm4b:s12+s3], $0x80, $0x38;
	[tilespmem:$0x1E600] =	vst v63  }
0x3d: {  	s16 =	simm.s32 $0x480;
	s14 =	rddreg [dreg:$0x10]  }
0x3e: {  	[tilespmem:s16], [sflag:$0xA] =	stream.linear.gather [hbm4b:s14+s3], $0x80, $0x38;
	[tilespmem:$0x1E600] =	vst v63  }
0x3f: {  	s19 =	rddreg [dreg:$0x11];
	s0 =	simm.s32 $0x500  }
0x40: {  	[tilespmem:s0], [sflag:$0xB] =	stream.linear.gather [hbm4b:s19+s3], $0x80, $0x38;
	[tilespmem:$0x1E600] =	vst v63  }
0x41: {  	s21 =	simm.s32 $0x580;
	s20 =	rddreg [dreg:$0x12]  }
0x42: {  	[tilespmem:s21], [sflag:$0xC] =	stream.linear.gather [hbm4b:s20+s3], $0x80, $0x38;
	[tilespmem:$0x1E600] =	vst v63  }
0x43: {  	_ =	swait.ge [sflag:s13], $0x80  }
0x44: {  	[sflag:s13] =	ssyncset.done $0x0  }
0x45: {  	s23 =	simm.s32 $0x600;
	s5 =	simm.s32 $0x2;
	[sflag:s13] =	ssyncadd.s32 $0xFFFFFF80  }
0x46: {  	[tilespmem:s23], [sflag:$0xD] =	stream.indirect.gather [hbm4b:s15+s9], $0x80, s3, s9, $0xb8;
	[tilespmem:$0x1E600] =	vst v63  }
0x47: {  	_ =	swait.ge [sflag:s5], $0x80  }
0x48: {  	[sflag:s5] =	ssyncset.done $0x0  }
0x49: {  	s10 =	simm.s32 $0x3;
	s14 =	simm.s32 $0x2E00;
	[sflag:s5] =	ssyncadd.s32 $0xFFFFFF80  }
0x4a: {  	[tilespmem:s14], [sflag:$0xE] =	stream.indirect.gather [hbm4b:s15+s9], $0x80, s6, s9, $0xb8;
	[tilespmem:$0x1E600] =	vst v63  }
0x4b: {  	_ =	swait.ge [sflag:s10], $0x80  }
0x4c: {  	[sflag:s10] =	ssyncset.done $0x0  }
0x4d: {  	s12 =	simm.s32 $0x4;
	s20 =	simm.s32 $0x5600;
	[sflag:s10] =	ssyncadd.s32 $0xFFFFFF80  }
0x4e: {  	[tilespmem:s20], [sflag:$0xF] =	stream.indirect.gather [hbm4b:s15+s9], $0x80, s17, s9, $0xb8;
	[tilespmem:$0x1E600] =	vst v63  }
0x4f: {  	_ =	swait.ge [sflag:s12], $0x80  }
0x50: {  	[sflag:s12] =	ssyncset.done $0x0  }
0x51: {  	s2 =	simm.s32 $0x180;
	s22 =	simm.s32 $0x7E00;
	[sflag:s12] =	ssyncadd.s32 $0xFFFFFF80  }
0x52: {  	[tilespmem:s22], [sflag:$0x10] =	stream.indirect.gather [hbm4b:s15+s9], $0x80, s2, s9, $0xb8;
	[tilespmem:$0x1E600] =	vst v63  }
0x53: {  	s2 =	simm.s32 $0xD  }
0x54: {  	_ =	swait.ge [sflag:s2], $0x2800  }
0x55: {  	[sflag:s2] =	ssyncset.done $0x0  }
0x56: {  	s19 =	simm.s32 $0x9;
	[sflag:s2] =	ssyncadd.s32 $0xFFFFD800  }
0x57: {  	_ =	swait.ge [sflag:s19], $0x80  }
0x58: {  	[sflag:s19] =	ssyncset.done $0x0  }
0x59: {  	[sflag:s19] =	ssyncadd.s32 $0xFFFFFF80  }
0x5a: {  	s30 =	rddreg [dreg:$0x1]  }
0x5b: {  	[spmem:s30] =	stream.indirect.scatter.add.f32 [tilespmem:s23], [sflag:$0x11], $0x80, s7, s9, $0xb8;
	[tilespmem:$0x1E600] =	vst v63  }
0x5c: {  	_ =	swait.ge [sflag:s24], $0x2800  }
0x5d: {  	s25 =	rddreg [dreg:$0x5];
	[sflag:s24] =	ssyncset.done $0x0  }
0x5e: {  	s26 =	simm.s32 $0x5;
	[sflag:s24] =	ssyncadd.s32 $0xFFFFD800;
	s8 =	sadd.s32 $0x0, s25  }
0x5f: {  	[tilespmem:s3], [sflag:$0x1] =	stream.linear.gather [hbm4b:s8+s3], $0x80, $0x38;
	[tilespmem:$0x1E600] =	vst v63  }
0x60: {  	_ =	swait.ge [sflag:s26], $0x80  }
0x61: {  	s31 =	rddreg [dreg:$0x3]  }
0x62: {  	[sflag:s26] =	ssyncset.done $0x0;
	s8 =	sadd.s32 $0x0, s31  }
0x63: {  	[sflag:s26] =	ssyncadd.s32 $0xFFFFFF80;
	s0 =	sadd.s32 $0x40, s8  }
0x64: {  	[tilespmem:s7], [sflag:$0x9] =	stream.linear.gather [hbm4b:s0+s3], $0x80, $0x38;
	[tilespmem:$0x1E600] =	vst v63  }
0x65: {  	s4 =	simm.s32 $0x200;
	s21 =	simm.s32 $0xE  }
0x66: {  	[tilespmem:s23], [sflag:$0xD] =	stream.indirect.gather [hbm4b:s15+s9], $0x80, s4, s9, $0xb8;
	[tilespmem:$0x1E600] =	vst v63  }
0x67: {  	_ =	swait.ge [sflag:s21], $0x2800  }
0x68: {  	[sflag:s21] =	ssyncset.done $0x0  }
0x69: {  	s22 =	simm.s32 $0xA;
	[sflag:s21] =	ssyncadd.s32 $0xFFFFD800  }
0x6a: {  	_ =	swait.ge [sflag:s22], $0x80  }
0x6b: {  	[sflag:s22] =	ssyncset.done $0x0  }
0x6c: {  	[sflag:s22] =	ssyncadd.s32 $0xFFFFFF80  }
0x6d: {  	[spmem:s30] =	stream.indirect.scatter.add.f32 [tilespmem:s14], [sflag:$0x11], $0x80, s16, s9, $0xb8;
	[tilespmem:$0x1E600] =	vst v63  }
0x6e: {  	_ =	swait.ge [sflag:s24], $0x2800  }
0x6f: {  	s11 =	sadd.s32 $0x0, s18;
	[sflag:s24] =	ssyncset.done $0x0  }
0x70: {  	s1 =	sadd.s32 $0x90, s11;
	s25 =	simm.s32 $0x6;
	[sflag:s24] =	ssyncadd.s32 $0xFFFFD800  }
0x71: {  	[tilespmem:s6], [sflag:$0x2] =	stream.linear.gather [hbm4b:s1+s3], $0x80, $0x38;
	[tilespmem:$0x1E600] =	vst v63  }
0x72: {  	_ =	swait.ge [sflag:s25], $0x80  }
0x73: {  	[sflag:s25] =	ssyncset.done $0x0  }
0x74: {  	s26 =	sadd.s32 $0x50, s8;
	[sflag:s25] =	ssyncadd.s32 $0xFFFFFF80  }
0x75: {  	[tilespmem:s16], [sflag:$0xA] =	stream.linear.gather [hbm4b:s26+s3], $0x80, $0x38;
	[tilespmem:$0x1E600] =	vst v63  }
0x76: {  	_ = 	snop  }
0x77: {  	[tilespmem:s14], [sflag:$0xE] =	stream.indirect.gather [hbm4b:s15+s9], $0x80, s28, s9, $0xb8;
	[tilespmem:$0x1E600] =	vst v63  }
0x78: {  	s28 =	simm.s32 $0xF  }
0x79: {  	_ =	swait.ge [sflag:s28], $0x2800  }
0x7a: {  	[sflag:s28] =	ssyncset.done $0x0  }
0x7b: {  	s25 =	simm.s32 $0xB;
	[sflag:s28] =	ssyncadd.s32 $0xFFFFD800  }
0x7c: {  	_ =	swait.ge [sflag:s25], $0x80  }
0x7d: {  	[sflag:s25] =	ssyncset.done $0x0  }
0x7e: {  	s0 =	simm.s32 $0x500;
	[sflag:s25] =	ssyncadd.s32 $0xFFFFFF80  }
0x7f: {  	[spmem:s30] =	stream.indirect.scatter.add.f32 [tilespmem:s20], [sflag:$0x11], $0x80, s0, s9, $0xb8;
	[tilespmem:$0x1E600] =	vst v63  }
0x80: {  	_ =	swait.ge [sflag:s24], $0x2800  }
0x81: {  	[sflag:s24] =	ssyncset.done $0x0  }
0x82: {  	s31 =	sadd.s32 $0xA0, s11;
	s1 =	simm.s32 $0x7;
	[sflag:s24] =	ssyncadd.s32 $0xFFFFD800  }
0x83: {  	[tilespmem:s17], [sflag:$0x3] =	stream.linear.gather [hbm4b:s31+s3], $0x80, $0x38;
	[tilespmem:$0x1E600] =	vst v63  }
0x84: {  	_ =	swait.ge [sflag:s1], $0x80  }
0x85: {  	[sflag:s1] =	ssyncset.done $0x0  }
0x86: {  	s26 =	sadd.s32 $0x60, s8;
	[sflag:s1] =	ssyncadd.s32 $0xFFFFFF80  }
0x87: {  	[tilespmem:s0], [sflag:$0xB] =	stream.linear.gather [hbm4b:s26+s3], $0x80, $0x38;
	[tilespmem:$0x1E600] =	vst v63  }
0x88: {  	s26 =	simm.s32 $0x10  }
0x89: {  	[tilespmem:s20], [sflag:$0xF] =	stream.indirect.gather [hbm4b:s15+s9], $0x80, s29, s9, $0xb8;
	[tilespmem:$0x1E600] =	vst v63  }
0x8a: {  	_ =	swait.ge [sflag:s26], $0x2800  }
0x8b: {  	[sflag:s26] =	ssyncset.done $0x0  }
0x8c: {  	s1 =	simm.s32 $0xC;
	[sflag:s26] =	ssyncadd.s32 $0xFFFFD800  }
0x8d: {  	_ =	swait.ge [sflag:s1], $0x80  }
0x8e: {  	[sflag:s1] =	ssyncset.done $0x0  }
0x8f: {  	s0 =	simm.s32 $0x580;
	s29 =	simm.s32 $0x7E00;
	[sflag:s1] =	ssyncadd.s32 $0xFFFFFF80  }
0x90: {  	[spmem:s30] =	stream.indirect.scatter.add.f32 [tilespmem:s29], [sflag:$0x11], $0x80, s0, s9, $0xb8;
	[tilespmem:$0x1E600] =	vst v63  }
0x91: {  	_ =	swait.ge [sflag:s24], $0x2800  }
0x92: {  	[sflag:s24] =	ssyncset.done $0x0  }
0x93: {  	s13 =	sadd.s32 $0xB0, s11;
	s31 =	simm.s32 $0x180;
	[sflag:s24] =	ssyncadd.s32 $0xFFFFD800  }
0x94: {  	[tilespmem:s31], [sflag:$0x4] =	stream.linear.gather [hbm4b:s13+s3], $0x80, $0x38;
	[tilespmem:$0x1E600] =	vst v63  }
0x95: {  	s31 =	simm.s32 $0x8  }
0x96: {  	_ =	swait.ge [sflag:s31], $0x80  }
0x97: {  	[sflag:s31] =	ssyncset.done $0x0  }
0x98: {  	[sflag:s31] =	ssyncadd.s32 $0xFFFFFF80;
	s31 =	sadd.s32 $0x70, s8  }
0x99: {  	[tilespmem:s0], [sflag:$0xC] =	stream.linear.gather [hbm4b:s31+s3], $0x80, $0x38;
	[tilespmem:$0x1E600] =	vst v63  }
0x9a: {  	s13 =	simm.s32 $0x380  }
0x9b: {  	[tilespmem:s29], [sflag:$0x10] =	stream.indirect.gather [hbm4b:s15+s9], $0x80, s13, s9, $0xb8;
	[tilespmem:$0x1E600] =	vst v63  }
0x9c: {  	_ =	swait.ge [sflag:s2], $0x2800  }
0x9d: {  	[sflag:s2] =	ssyncset.done $0x0  }
0x9e: {  	[sflag:s2] =	ssyncadd.s32 $0xFFFFD800  }
0x9f: {  	_ =	swait.ge [sflag:s19], $0x80  }
0xa0: {  	[sflag:s19] =	ssyncset.done $0x0  }
0xa1: {  	[sflag:s19] =	ssyncadd.s32 $0xFFFFFF80  }
0xa2: {  	[spmem:s30] =	stream.indirect.scatter.add.f32 [tilespmem:s23], [sflag:$0x11], $0x80, s7, s9, $0xb8;
	[tilespmem:$0x1E600] =	vst v63  }
0xa3: {  	_ =	swait.ge [sflag:s24], $0x2800  }
0xa4: {  	s11 =	sadd.s32 $0xC0, s11;
	[sflag:s24] =	ssyncset.done $0x0  }
0xa5: {  	s4 =	simm.s32 $0x1;
	s13 =	simm.s32 $0x200;
	[sflag:s24] =	ssyncadd.s32 $0xFFFFD800  }
0xa6: {  	[tilespmem:s13], [sflag:$0x5] =	stream.linear.gather [hbm4b:s11+s3], $0x80, $0x38;
	[tilespmem:$0x1E600] =	vst v63  }
0xa7: {  	_ =	swait.ge [sflag:s4], $0x80  }
0xa8: {  	s19 =	rddreg [dreg:$0x4];
	[sflag:s4] =	ssyncset.done $0x0  }
0xa9: {  	[sflag:s4] =	ssyncadd.s32 $0xFFFFFF80;
	s11 =	sadd.s32 $0x0, s19  }
0xaa: {  	[tilespmem:s7], [sflag:$0x9] =	stream.linear.gather [hbm4b:s11+s3], $0x80, $0x38;
	[tilespmem:$0x1E600] =	vst v63  }
0xab: {  	_ = 	snop  }
0xac: {  	[tilespmem:s23], [sflag:$0xD] =	stream.indirect.gather [hbm4b:s15+s9], $0x80, s3, s9, $0xb8;
	[tilespmem:$0x1E600] =	vst v63  }
0xad: {  	_ =	swait.ge [sflag:s21], $0x2800  }
0xae: {  	[sflag:s21] =	ssyncset.done $0x0  }
0xaf: {  	[sflag:s21] =	ssyncadd.s32 $0xFFFFD800  }
0xb0: {  	_ =	swait.ge [sflag:s22], $0x80  }
0xb1: {  	[sflag:s22] =	ssyncset.done $0x0  }
0xb2: {  	[sflag:s22] =	ssyncadd.s32 $0xFFFFFF80  }
0xb3: {  	[spmem:s30] =	stream.indirect.scatter.add.f32 [tilespmem:s14], [sflag:$0x11], $0x80, s16, s9, $0xb8;
	[tilespmem:$0x1E600] =	vst v63  }
0xb4: {  	p0 =	por $0x0, $0x0;
	_ =	swait.ge [sflag:s24], $0x2800  }
0xb5: {  	s2 =	simm.s32 @!p0 $0x0;
	s11 =	sadd.s32 @!p0 $0x0, s18;
	[sflag:s24] =	ssyncset.done $0x0  }
0xb6: {  	s13 =	simm.s32 @!p0 $0x280;
	s29 =	sadd.s32 @!p0 $0xD0, s11;
	[sflag:s24] =	ssyncadd.s32 $0xFFFFD800  }
0xb7: {  	[tilespmem:s13], [sflag:$0x6] =	stream.linear.gather @!p0 [hbm4b:s29+s2], $0x80, $0x38;
	[tilespmem:$0x1E600] =	vst v63  }
0xb8: {  	_ =	swait.ge [sflag:s5], $0x80  }
0xb9: {  	[sflag:s5] =	ssyncset.done $0x0  }
0xba: {  	s22 =	sadd.s32 $0x90, s8;
	[sflag:s5] =	ssyncadd.s32 $0xFFFFFF80  }
0xbb: {  	[tilespmem:s16], [sflag:$0xA] =	stream.linear.gather [hbm4b:s22+s3], $0x80, $0x38;
	[tilespmem:$0x1E600] =	vst v63  }
0xbc: {  	_ = 	snop  }
0xbd: {  	[tilespmem:s14], [sflag:$0xE] =	stream.indirect.gather [hbm4b:s15+s9], $0x80, s6, s9, $0xb8;
	[tilespmem:$0x1E600] =	vst v63  }
0xbe: {  	_ =	swait.ge [sflag:s28], $0x2800  }
0xbf: {  	[sflag:s28] =	ssyncset.done $0x0  }
0xc0: {  	[sflag:s28] =	ssyncadd.s32 $0xFFFFD800  }
0xc1: {  	_ =	swait.ge [sflag:s25], $0x80  }
0xc2: {  	[sflag:s25] =	ssyncset.done $0x0  }
0xc3: {  	s23 =	simm.s32 $0x500;
	[sflag:s25] =	ssyncadd.s32 $0xFFFFFF80  }
0xc4: {  	[spmem:s30] =	stream.indirect.scatter.add.f32 [tilespmem:s20], [sflag:$0x11], $0x80, s23, s9, $0xb8;
	[tilespmem:$0x1E600] =	vst v63  }
0xc5: {  	_ =	swait.ge [sflag:s24], $0x2800  }
0xc6: {  	[sflag:s24] =	ssyncset.done $0x0  }
0xc7: {  	s13 =	sadd.s32 @!p0 $0xE0, s11;
	s29 =	simm.s32 @!p0 $0x300;
	[sflag:s24] =	ssyncadd.s32 $0xFFFFD800  }
0xc8: {  	[tilespmem:s29], [sflag:$0x7] =	stream.linear.gather @!p0 [hbm4b:s13+s2], $0x80, $0x38;
	[tilespmem:$0x1E600] =	vst v63  }
0xc9: {  	_ =	swait.ge [sflag:s10], $0x80  }
0xca: {  	[sflag:s10] =	ssyncset.done $0x0  }
0xcb: {  	s25 =	sadd.s32 $0xA0, s8;
	[sflag:s10] =	ssyncadd.s32 $0xFFFFFF80  }
0xcc: {  	[tilespmem:s23], [sflag:$0xB] =	stream.linear.gather [hbm4b:s25+s3], $0x80, $0x38;
	[tilespmem:$0x1E600] =	vst v63  }
0xcd: {  	_ = 	snop  }
0xce: {  	[tilespmem:s20], [sflag:$0xF] =	stream.indirect.gather [hbm4b:s15+s9], $0x80, s17, s9, $0xb8;
	[tilespmem:$0x1E600] =	vst v63  }
0xcf: {  	_ =	swait.ge [sflag:s26], $0x2800  }
0xd0: {  	[sflag:s26] =	ssyncset.done $0x0  }
0xd1: {  	[sflag:s26] =	ssyncadd.s32 $0xFFFFD800  }
0xd2: {  	_ =	swait.ge [sflag:s1], $0x80  }
0xd3: {  	[sflag:s1] =	ssyncset.done $0x0  }
0xd4: {  	s31 =	simm.s32 $0x580;
	s28 =	simm.s32 $0x7E00;
	[sflag:s1] =	ssyncadd.s32 $0xFFFFFF80  }
0xd5: {  	[spmem:s30] =	stream.indirect.scatter.add.f32 [tilespmem:s28], [sflag:$0x11], $0x80, s31, s9, $0xb8;
	[tilespmem:$0x1E600] =	vst v63  }
0xd6: {  	_ =	swait.ge [sflag:s24], $0x2800  }
0xd7: {  	[sflag:s24] =	ssyncset.done $0x0  }
0xd8: {  	s11 =	sadd.s32 @!p0 $0xF0, s11;
	s13 =	simm.s32 @!p0 $0x380;
	[sflag:s24] =	ssyncadd.s32 $0xFFFFD800  }
0xd9: {  	[tilespmem:s13], [sflag:$0x8] =	stream.linear.gather @!p0 [hbm4b:s11+s2], $0x80, $0x38;
	[tilespmem:$0x1E600] =	vst v63  }
0xda: {  	_ =	swait.ge [sflag:s12], $0x80  }
0xdb: {  	[sflag:s12] =	ssyncset.done $0x0  }
0xdc: {  	s8 =	sadd.s32 $0xB0, s8;
	s29 =	simm.s32 $0x80;
	[sflag:s12] =	ssyncadd.s32 $0xFFFFFF80  }
0xdd: {  	[tilespmem:s31], [sflag:$0xC] =	stream.linear.gather [hbm4b:s8+s3], $0x80, $0x38;
	[tilespmem:$0x1E600] =	vst v63  }
.LBB2_2:
0xde: {  	s20 =	simm.s32 $0x180;
	s17 =	simm.s32 $0x7E00;
	s19 =	simm.s32 $0xD  }
0xdf: {  	[tilespmem:s17], [sflag:$0x10] =	stream.indirect.gather [hbm4b:s15+s9], $0x80, s20, s9, $0xb8;
	[tilespmem:$0x1E600] =	vst v63  }
0xe0: {  	_ =	swait.ge [sflag:s19], $0x2800  }
0xe1: {  	[sflag:s19] =	ssyncset.done $0x0  }
0xe2: {  	s21 =	simm.s32 $0x9;
	[sflag:s19] =	ssyncadd.s32 $0xFFFFD800  }
0xe3: {  	_ =	swait.ge [sflag:s21], $0x80  }
0xe4: {  	[sflag:s21] =	ssyncset.done $0x0  }
0xe5: {  	[sflag:s21] =	ssyncadd.s32 $0xFFFFFF80  }
0xe6: {  	s4 =	simm.s32 $0x400;
	s23 =	simm.s32 $0x600;
	s28 =	rddreg [dreg:$0x1]  }
0xe7: {  	[spmem:s28] =	stream.indirect.scatter.add.f32 [tilespmem:s23], [sflag:$0x11], $0x80, s4, s9, $0xb8;
	[tilespmem:$0x1E600] =	vst v63  }
0xe8: {  	_ =	swait.ge [sflag:s24], $0x2800  }
0xe9: {  	s11 =	smov.u32 s29;
	s8 =	rddreg [dreg:$0x5];
	[sflag:s24] =	ssyncset.done $0x0  }
0xea: {  	s0 =	simm.s32 $0x5;
	[sflag:s24] =	ssyncadd.s32 $0xFFFFD800;
	s8 =	sadd.s32 s11, s8  }
0xeb: {  	[tilespmem:s3], [sflag:$0x1] =	stream.linear.gather [hbm4b:s8+s3], $0x80, $0x38;
	[tilespmem:$0x1E600] =	vst v63  }
0xec: {  	_ =	swait.ge [sflag:s0], $0x80  }
0xed: {  	s31 =	rddreg [dreg:$0x3]  }
0xee: {  	[sflag:s0] =	ssyncset.done $0x0;
	s8 =	sadd.s32 s11, s31  }
0xef: {  	[sflag:s0] =	ssyncadd.s32 $0xFFFFFF80;
	s13 =	sadd.s32 $0x40, s8  }
0xf0: {  	[tilespmem:s4], [sflag:$0x9] =	stream.linear.gather [hbm4b:s13+s3], $0x80, $0x38;
	[tilespmem:$0x1E600] =	vst v63  }
0xf1: {  	s22 =	simm.s32 $0xE;
	s0 =	simm.s32 $0x200  }
0xf2: {  	[tilespmem:s23], [sflag:$0xD] =	stream.indirect.gather [hbm4b:s15+s9], $0x80, s0, s9, $0xb8;
	[tilespmem:$0x1E600] =	vst v63  }
0xf3: {  	_ =	swait.ge [sflag:s22], $0x2800  }
0xf4: {  	[sflag:s22] =	ssyncset.done $0x0  }
0xf5: {  	s30 =	simm.s32 $0xA;
	[sflag:s22] =	ssyncadd.s32 $0xFFFFD800  }
0xf6: {  	_ =	swait.ge [sflag:s30], $0x80  }
0xf7: {  	[sflag:s30] =	ssyncset.done $0x0  }
0xf8: {  	s5 =	simm.s32 $0x480;
	s14 =	simm.s32 $0x2E00;
	[sflag:s30] =	ssyncadd.s32 $0xFFFFFF80  }
0xf9: {  	[spmem:s28] =	stream.indirect.scatter.add.f32 [tilespmem:s14], [sflag:$0x11], $0x80, s5, s9, $0xb8;
	[tilespmem:$0x1E600] =	vst v63  }
0xfa: {  	_ =	swait.ge [sflag:s24], $0x2800  }
0xfb: {  	s2 =	rddreg [dreg:$0x6]  }
0xfc: {  	s18 =	simm.s32 $0x80;
	[sflag:s24] =	ssyncset.done $0x0;
	s13 =	sadd.s32 s11, s2  }
0xfd: {  	s6 =	simm.s32 $0x6;
	[sflag:s24] =	ssyncadd.s32 $0xFFFFD800;
	s16 =	sadd.s32 $0x90, s13  }
0xfe: {  	[tilespmem:s18], [sflag:$0x2] =	stream.linear.gather [hbm4b:s16+s3], $0x80, $0x38;
	[tilespmem:$0x1E600] =	vst v63  }
0xff: {  	_ =	swait.ge [sflag:s6], $0x80  }
0x100: {  	[sflag:s6] =	ssyncset.done $0x0  }
0x101: {  	s1 =	sadd.s32 $0x50, s8;
	[sflag:s6] =	ssyncadd.s32 $0xFFFFFF80  }
0x102: {  	[tilespmem:s5], [sflag:$0xA] =	stream.linear.gather [hbm4b:s1+s3], $0x80, $0x38;
	[tilespmem:$0x1E600] =	vst v63  }
0x103: {  	s31 =	simm.s32 $0xF;
	s1 =	simm.s32 $0x280  }
0x104: {  	[tilespmem:s14], [sflag:$0xE] =	stream.indirect.gather [hbm4b:s15+s9], $0x80, s1, s9, $0xb8;
	[tilespmem:$0x1E600] =	vst v63  }
0x105: {  	_ =	swait.ge [sflag:s31], $0x2800  }
0x106: {  	[sflag:s31] =	ssyncset.done $0x0  }
0x107: {  	s25 =	simm.s32 $0xB;
	[sflag:s31] =	ssyncadd.s32 $0xFFFFD800  }
0x108: {  	_ =	swait.ge [sflag:s25], $0x80  }
0x109: {  	[sflag:s25] =	ssyncset.done $0x0  }
0x10a: {  	s7 =	simm.s32 $0x500;
	s12 =	simm.s32 $0x5600;
	[sflag:s25] =	ssyncadd.s32 $0xFFFFFF80  }
0x10b: {  	[spmem:s28] =	stream.indirect.scatter.add.f32 [tilespmem:s12], [sflag:$0x11], $0x80, s7, s9, $0xb8;
	[tilespmem:$0x1E600] =	vst v63  }
0x10c: {  	_ =	swait.ge [sflag:s24], $0x2800  }
0x10d: {  	s10 =	simm.s32 $0x100;
	[sflag:s24] =	ssyncset.done $0x0  }
0x10e: {  	s16 =	simm.s32 $0x7;
	s6 =	sadd.s32 $0xA0, s13;
	[sflag:s24] =	ssyncadd.s32 $0xFFFFD800  }
0x10f: {  	[tilespmem:s10], [sflag:$0x3] =	stream.linear.gather [hbm4b:s6+s3], $0x80, $0x38;
	[tilespmem:$0x1E600] =	vst v63  }
0x110: {  	_ =	swait.ge [sflag:s16], $0x80  }
0x111: {  	[sflag:s16] =	ssyncset.done $0x0  }
0x112: {  	s26 =	sadd.s32 $0x60, s8;
	[sflag:s16] =	ssyncadd.s32 $0xFFFFFF80  }
0x113: {  	[tilespmem:s7], [sflag:$0xB] =	stream.linear.gather [hbm4b:s26+s3], $0x80, $0x38;
	[tilespmem:$0x1E600] =	vst v63  }
0x114: {  	s1 =	simm.s32 $0x300;
	s26 =	simm.s32 $0x10  }
0x115: {  	[tilespmem:s12], [sflag:$0xF] =	stream.indirect.gather [hbm4b:s15+s9], $0x80, s1, s9, $0xb8;
	[tilespmem:$0x1E600] =	vst v63  }
0x116: {  	_ =	swait.ge [sflag:s26], $0x2800  }
0x117: {  	[sflag:s26] =	ssyncset.done $0x0  }
0x118: {  	s1 =	simm.s32 $0xC;
	[sflag:s26] =	ssyncadd.s32 $0xFFFFD800  }
0x119: {  	_ =	swait.ge [sflag:s1], $0x80  }
0x11a: {  	[sflag:s1] =	ssyncset.done $0x0  }
0x11b: {  	s10 =	simm.s32 $0x580;
	[sflag:s1] =	ssyncadd.s32 $0xFFFFFF80  }
0x11c: {  	[spmem:s28] =	stream.indirect.scatter.add.f32 [tilespmem:s17], [sflag:$0x11], $0x80, s10, s9, $0xb8;
	[tilespmem:$0x1E600] =	vst v63  }
0x11d: {  	_ =	swait.ge [sflag:s24], $0x2800  }
0x11e: {  	[sflag:s24] =	ssyncset.done $0x0  }
0x11f: {  	s6 =	sadd.s32 $0xB0, s13;
	[sflag:s24] =	ssyncadd.s32 $0xFFFFD800  }
0x120: {  	[tilespmem:s20], [sflag:$0x4] =	stream.linear.gather [hbm4b:s6+s3], $0x80, $0x38;
	[tilespmem:$0x1E600] =	vst v63  }
0x121: {  	s20 =	simm.s32 $0x8  }
0x122: {  	_ =	swait.ge [sflag:s20], $0x80  }
0x123: {  	[sflag:s20] =	ssyncset.done $0x0  }
0x124: {  	s6 =	sadd.s32 $0x70, s8;
	[sflag:s20] =	ssyncadd.s32 $0xFFFFFF80  }
0x125: {  	[tilespmem:s10], [sflag:$0xC] =	stream.linear.gather [hbm4b:s6+s3], $0x80, $0x38;
	[tilespmem:$0x1E600] =	vst v63  }
0x126: {  	s20 =	simm.s32 $0x380  }
0x127: {  	[tilespmem:s17], [sflag:$0x10] =	stream.indirect.gather [hbm4b:s15+s9], $0x80, s20, s9, $0xb8;
	[tilespmem:$0x1E600] =	vst v63  }
0x128: {  	_ =	swait.ge [sflag:s19], $0x2800  }
0x129: {  	[sflag:s19] =	ssyncset.done $0x0  }
0x12a: {  	[sflag:s19] =	ssyncadd.s32 $0xFFFFD800  }
0x12b: {  	_ =	swait.ge [sflag:s21], $0x80  }
0x12c: {  	[sflag:s21] =	ssyncset.done $0x0  }
0x12d: {  	[sflag:s21] =	ssyncadd.s32 $0xFFFFFF80  }
0x12e: {  	[spmem:s28] =	stream.indirect.scatter.add.f32 [tilespmem:s23], [sflag:$0x11], $0x80, s4, s9, $0xb8;
	[tilespmem:$0x1E600] =	vst v63  }
0x12f: {  	_ =	swait.ge [sflag:s24], $0x2800  }
0x130: {  	[sflag:s24] =	ssyncset.done $0x0  }
0x131: {  	s13 =	sadd.s32 $0xC0, s13;
	s16 =	simm.s32 $0x1;
	[sflag:s24] =	ssyncadd.s32 $0xFFFFD800  }
0x132: {  	[tilespmem:s0], [sflag:$0x5] =	stream.linear.gather [hbm4b:s13+s3], $0x80, $0x38;
	[tilespmem:$0x1E600] =	vst v63  }
0x133: {  	_ =	swait.ge [sflag:s16], $0x80  }
0x134: {  	s19 =	rddreg [dreg:$0x4];
	[sflag:s16] =	ssyncset.done $0x0  }
0x135: {  	[sflag:s16] =	ssyncadd.s32 $0xFFFFFF80;
	s13 =	sadd.s32 s11, s19  }
0x136: {  	[tilespmem:s4], [sflag:$0x9] =	stream.linear.gather [hbm4b:s13+s3], $0x80, $0x38;
	[tilespmem:$0x1E600] =	vst v63  }
0x137: {  	_ = 	snop  }
0x138: {  	[tilespmem:s23], [sflag:$0xD] =	stream.indirect.gather [hbm4b:s15+s9], $0x80, s3, s9, $0xb8;
	[tilespmem:$0x1E600] =	vst v63  }
0x139: {  	_ =	swait.ge [sflag:s22], $0x2800  }
0x13a: {  	[sflag:s22] =	ssyncset.done $0x0  }
0x13b: {  	[sflag:s22] =	ssyncadd.s32 $0xFFFFD800  }
0x13c: {  	_ =	swait.ge [sflag:s30], $0x80  }
0x13d: {  	[sflag:s30] =	ssyncset.done $0x0  }
0x13e: {  	[sflag:s30] =	ssyncadd.s32 $0xFFFFFF80  }
0x13f: {  	[spmem:s28] =	stream.indirect.scatter.add.f32 [tilespmem:s14], [sflag:$0x11], $0x80, s5, s9, $0xb8;
	[tilespmem:$0x1E600] =	vst v63  }
0x140: {  	p1 =	seq.s32 s11, $0x700;
	_ =	swait.ge [sflag:s24], $0x2800  }
0x141: {  	s16 =	simm.s32 @!p1 $0x280;
	s13 =	sadd.s32 @!p1 s11, s2;
	[sflag:s24] =	ssyncset.done $0x0  }
0x142: {  	s11 =	simm.s32 @!p1 $0x0;
	s20 =	sadd.s32 @!p1 $0xD0, s13;
	[sflag:s24] =	ssyncadd.s32 $0xFFFFD800  }
0x143: {  	[tilespmem:s16], [sflag:$0x6] =	stream.linear.gather @!p1 [hbm4b:s20+s11], $0x80, $0x38;
	[tilespmem:$0x1E600] =	vst v63  }
0x144: {  	s20 =	simm.s32 $0x2  }
0x145: {  	_ =	swait.ge [sflag:s20], $0x80  }
0x146: {  	[sflag:s20] =	ssyncset.done $0x0  }
0x147: {  	s21 =	sadd.s32 $0x90, s8;
	[sflag:s20] =	ssyncadd.s32 $0xFFFFFF80  }
0x148: {  	[tilespmem:s5], [sflag:$0xA] =	stream.linear.gather [hbm4b:s21+s3], $0x80, $0x38;
	[tilespmem:$0x1E600] =	vst v63  }
0x149: {  	_ = 	snop  }
0x14a: {  	[tilespmem:s14], [sflag:$0xE] =	stream.indirect.gather [hbm4b:s15+s9], $0x80, s18, s9, $0xb8;
	[tilespmem:$0x1E600] =	vst v63  }
0x14b: {  	_ =	swait.ge [sflag:s31], $0x2800  }
0x14c: {  	[sflag:s31] =	ssyncset.done $0x0  }
0x14d: {  	[sflag:s31] =	ssyncadd.s32 $0xFFFFD800  }
0x14e: {  	_ =	swait.ge [sflag:s25], $0x80  }
0x14f: {  	[sflag:s25] =	ssyncset.done $0x0  }
0x150: {  	[sflag:s25] =	ssyncadd.s32 $0xFFFFFF80  }
0x151: {  	[spmem:s28] =	stream.indirect.scatter.add.f32 [tilespmem:s12], [sflag:$0x11], $0x80, s7, s9, $0xb8;
	[tilespmem:$0x1E600] =	vst v63  }
0x152: {  	_ =	swait.ge [sflag:s24], $0x2800  }
0x153: {  	s22 =	simm.s32 $0x3;
	[sflag:s24] =	ssyncset.done $0x0  }
0x154: {  	s16 =	sadd.s32 @!p1 $0xE0, s13;
	s20 =	simm.s32 @!p1 $0x300;
	[sflag:s24] =	ssyncadd.s32 $0xFFFFD800  }
0x155: {  	[tilespmem:s20], [sflag:$0x7] =	stream.linear.gather @!p1 [hbm4b:s16+s11], $0x80, $0x38;
	[tilespmem:$0x1E600] =	vst v63  }
0x156: {  	_ =	swait.ge [sflag:s22], $0x80  }
0x157: {  	[sflag:s22] =	ssyncset.done $0x0  }
0x158: {  	s25 =	sadd.s32 $0xA0, s8;
	[sflag:s22] =	ssyncadd.s32 $0xFFFFFF80  }
0x159: {  	[tilespmem:s7], [sflag:$0xB] =	stream.linear.gather [hbm4b:s25+s3], $0x80, $0x38;
	[tilespmem:$0x1E600] =	vst v63  }
0x15a: {  	s30 =	simm.s32 $0x100  }
0x15b: {  	[tilespmem:s12], [sflag:$0xF] =	stream.indirect.gather [hbm4b:s15+s9], $0x80, s30, s9, $0xb8;
	[tilespmem:$0x1E600] =	vst v63  }
0x15c: {  	_ =	swait.ge [sflag:s26], $0x2800  }
0x15d: {  	[sflag:s26] =	ssyncset.done $0x0  }
0x15e: {  	[sflag:s26] =	ssyncadd.s32 $0xFFFFD800  }
0x15f: {  	_ =	swait.ge [sflag:s1], $0x80  }
0x160: {  	[sflag:s1] =	ssyncset.done $0x0  }
0x161: {  	[sflag:s1] =	ssyncadd.s32 $0xFFFFFF80  }
0x162: {  	[spmem:s28] =	stream.indirect.scatter.add.f32 [tilespmem:s17], [sflag:$0x11], $0x80, s10, s9, $0xb8;
	[tilespmem:$0x1E600] =	vst v63  }
0x163: {  	s29 =	sadd.s32 $0x80, s29;
	_ =	swait.ge [sflag:s24], $0x2800  }
0x164: {  	p0 =	sne.s32 s29, $0x780;
	[sflag:s24] =	ssyncset.done $0x0  }
0x165: {  	s13 =	sadd.s32 @!p1 $0xF0, s13;
	s16 =	simm.s32 @!p1 $0x380;
	[sflag:s24] =	ssyncadd.s32 $0xFFFFD800  }
0x166: {  	[tilespmem:s16], [sflag:$0x8] =	stream.linear.gather @!p1 [hbm4b:s13+s11], $0x80, $0x38;
	[tilespmem:$0x1E600] =	vst v63  }
.Ltmp0:
0x167: {  	s6 =	simm.s32 $0x200;
	s31 =	simm.s32 $0x4;
	(pc) =	sbr.rel @p0 .LBB2_2-.Ltmp0, $4  }
0x168: {  	s4 =	simm.s32 $0x480;
	s23 =	simm.s32 $0x2E00;
	_ =	swait.ge [sflag:s31], $0x80  }
0x169: {  	s5 =	simm.s32 $0x500;
	s14 =	simm.s32 $0x5600;
	[sflag:s31] =	ssyncset.done $0x0  }
0x16a: {  	s8 =	sadd.s32 $0xB0, s8;
	s7 =	simm.s32 $0x580;
	[sflag:s31] =	ssyncadd.s32 $0xFFFFFF80  }
0x16b: {  	[tilespmem:s10], [sflag:$0xC] =	stream.linear.gather [hbm4b:s8+s3], $0x80, $0x38;
	[tilespmem:$0x1E600] =	vst v63  }
0x16c: {  	s11 =	simm.s32 $0x7E00;
	s0 =	simm.s32 $0x180;
	s2 =	simm.s32 $0xD  }
0x16d: {  	[tilespmem:s11], [sflag:$0x10] =	stream.indirect.gather [hbm4b:s15+s9], $0x80, s0, s9, $0xb8;
	[tilespmem:$0x1E600] =	vst v63  }
0x16e: {  	_ =	swait.ge [sflag:s2], $0x2800  }
0x16f: {  	[sflag:s2] =	ssyncset.done $0x0  }
0x170: {  	s12 =	simm.s32 $0x9;
	[sflag:s2] =	ssyncadd.s32 $0xFFFFD800  }
0x171: {  	_ =	swait.ge [sflag:s12], $0x80  }
0x172: {  	[sflag:s12] =	ssyncset.done $0x0  }
0x173: {  	[sflag:s12] =	ssyncadd.s32 $0xFFFFFF80  }
0x174: {  	s17 =	simm.s32 $0x400;
	s10 =	simm.s32 $0x600;
	s13 =	rddreg [dreg:$0x1]  }
0x175: {  	[spmem:s13] =	stream.indirect.scatter.add.f32 [tilespmem:s10], [sflag:$0x11], $0x80, s17, s9, $0xb8;
	[tilespmem:$0x1E600] =	vst v63  }
0x176: {  	_ =	swait.ge [sflag:s24], $0x2800  }
0x177: {  	[sflag:s24] =	ssyncset.done $0x0  }
0x178: {  	s8 =	simm.s32 $0x5;
	[sflag:s24] =	ssyncadd.s32 $0xFFFFD800  }
0x179: {  	_ =	swait.ge [sflag:s8], $0x80  }
0x17a: {  	[sflag:s8] =	ssyncset.done $0x0  }
0x17b: {  	s18 =	rddreg [dreg:$0x16];
	[sflag:s8] =	ssyncadd.s32 $0xFFFFFF80  }
0x17c: {  	[tilespmem:s17], [sflag:$0x9] =	stream.linear.gather [hbm4b:s18+s3], $0x80, $0x38;
	[tilespmem:$0x1E600] =	vst v63  }
0x17d: {  	s19 =	simm.s32 $0xE  }
0x17e: {  	[tilespmem:s10], [sflag:$0xD] =	stream.indirect.gather [hbm4b:s15+s9], $0x80, s6, s9, $0xb8;
	[tilespmem:$0x1E600] =	vst v63  }
0x17f: {  	_ =	swait.ge [sflag:s19], $0x2800  }
0x180: {  	[sflag:s19] =	ssyncset.done $0x0  }
0x181: {  	s20 =	simm.s32 $0xA;
	[sflag:s19] =	ssyncadd.s32 $0xFFFFD800  }
0x182: {  	_ =	swait.ge [sflag:s20], $0x80  }
0x183: {  	[sflag:s20] =	ssyncset.done $0x0  }
0x184: {  	[sflag:s20] =	ssyncadd.s32 $0xFFFFFF80  }
0x185: {  	[spmem:s13] =	stream.indirect.scatter.add.f32 [tilespmem:s23], [sflag:$0x11], $0x80, s4, s9, $0xb8;
	[tilespmem:$0x1E600] =	vst v63  }
0x186: {  	_ =	swait.ge [sflag:s24], $0x2800  }
0x187: {  	[sflag:s24] =	ssyncset.done $0x0  }
0x188: {  	s21 =	simm.s32 $0xF;
	[sflag:s24] =	ssyncadd.s32 $0xFFFFD800  }
0x189: {  	_ =	swait.ge [sflag:s21], $0x2800  }
0x18a: {  	[sflag:s21] =	ssyncset.done $0x0  }
0x18b: {  	s22 =	simm.s32 $0xB;
	[sflag:s21] =	ssyncadd.s32 $0xFFFFD800  }
0x18c: {  	_ =	swait.ge [sflag:s22], $0x80  }
0x18d: {  	[sflag:s22] =	ssyncset.done $0x0  }
0x18e: {  	[sflag:s22] =	ssyncadd.s32 $0xFFFFFF80  }
0x18f: {  	[spmem:s13] =	stream.indirect.scatter.add.f32 [tilespmem:s14], [sflag:$0x11], $0x80, s5, s9, $0xb8;
	[tilespmem:$0x1E600] =	vst v63  }
0x190: {  	_ =	swait.ge [sflag:s24], $0x2800  }
0x191: {  	[sflag:s24] =	ssyncset.done $0x0  }
0x192: {  	s23 =	simm.s32 $0x10;
	[sflag:s24] =	ssyncadd.s32 $0xFFFFD800  }
0x193: {  	_ =	swait.ge [sflag:s23], $0x2800  }
0x194: {  	[sflag:s23] =	ssyncset.done $0x0  }
0x195: {  	s1 =	simm.s32 $0xC;
	[sflag:s23] =	ssyncadd.s32 $0xFFFFD800  }
0x196: {  	_ =	swait.ge [sflag:s1], $0x80  }
0x197: {  	[sflag:s1] =	ssyncset.done $0x0  }
0x198: {  	[sflag:s1] =	ssyncadd.s32 $0xFFFFFF80  }
0x199: {  	[spmem:s13] =	stream.indirect.scatter.add.f32 [tilespmem:s11], [sflag:$0x11], $0x80, s7, s9, $0xb8;
	[tilespmem:$0x1E600] =	vst v63  }
0x19a: {  	_ =	swait.ge [sflag:s24], $0x2800  }
0x19b: {  	[sflag:s24] =	ssyncset.done $0x0  }
0x19c: {  	[sflag:s24] =	ssyncadd.s32 $0xFFFFD800  }
0x19d: {  	_ =	swait.ge [sflag:s2], $0x2800  }
0x19e: {  	[sflag:s2] =	ssyncset.done $0x0  }
0x19f: {  	[sflag:s2] =	ssyncadd.s32 $0xFFFFD800  }
0x1a0: {  	_ =	swait.ge [sflag:s12], $0x80  }
0x1a1: {  	[sflag:s12] =	ssyncset.done $0x0  }
0x1a2: {  	[sflag:s12] =	ssyncadd.s32 $0xFFFFFF80  }
0x1a3: {  	[spmem:s13] =	stream.indirect.scatter.add.f32 [tilespmem:s10], [sflag:$0x11], $0x80, s17, s9, $0xb8;
	[tilespmem:$0x1E600] =	vst v63  }
0x1a4: {  	_ =	swait.ge [sflag:s24], $0x2800  }
0x1a5: {  	[sflag:s24] =	ssyncset.done $0x0  }
0x1a6: {  	[sflag:s24] =	ssyncadd.s32 $0xFFFFD800  }
0x1a7: {  	[bflag:$0x0] =	sbarrier.arrive $0xFFFF  }
0x1a8: {  	s20 =	rddreg [dreg:$0x9]  }
0x1a9: {  	s25 =	rddreg [dreg:$0x17]  }
0x1aa: {  	s26 =	rddreg [dreg:$0x1a]  }
0x1ab: {  	[hbm:s25], [sflag:s20] =	dma.local [spmem:s26], $0x2800  }
0x1ac: {  	_ =	swait.ge [sflag:s24], $0x2800  }
0x1ad: {  	s30 =	rddreg [dreg:$0x19]  }
0x1ae: {  	s31 =	rddreg [dreg:$0x18];
	s4 =	sadd.s32 $0x1, s30  }
0x1af: {  	p0 =	sne.s32 s4, s31  }
.Ltmp1:
0x1b0: {  	_ = 	snop;
	(pc) =	sbr.rel @p0 .LBB2_1-.Ltmp1, $4  }
0x1b1: {  	_ = 	snop  }
0x1b2: {  	s28 =	simm.s32 $0x280;
	s29 =	simm.s32 $0x300;
	s6 =	simm.s32 $0x80  }
0x1b3: {  	s11 =	simm.s32 $0x380;
	s17 =	simm.s32 $0x100;
	[sflag:s24] =	ssyncset.done $0x0  }
0x1b4: {  	s13 =	simm.s32 $0x1;
	s18 =	rddreg [dreg:$0x6];
	[sflag:s24] =	ssyncadd.s32 $0xFFFFD800  }
0x1b5: {  	_ =	sfence.sel $0x180000  }
0x1b6: {  	[bflag:$0x0] =	sbarrier.arrive $0xFFFF  }
0x1b7: {  	_ =	strace $0x9000004A  }
0x1b8: {  	s0 =	stileid.u32;
	[bflag:$0x2] =	sbarrier.arrive $0xFFFF  }
0x1b9: {  	p0 =	sne.s32 s0, $0x0;
	s0 =	rddreg [dreg:$0x2]  }
0x1ba: {  	s0 =	sadd.s32 @!p0 $0x100000, s0  }
0x1bb: {  	[sflag:s0] =	ssyncadd.tile.s32 @!p0 $0x1;
	_ =	shalt  }
.Lfunc_end2:
_tile_overlayer_lowered:
.L_overlay_start_2:
0x1bc: {  	(tag) =	ssettag $0x2  }
0x1bd: {  	s0 =	rddreg [dreg:$0x0];
	s2 =	stileid.u32  }
0x1be: {  	s1 =	rddreg [dreg:$0x1];
	p0 =	sne.s32 s2, $0x0  }
0x1bf: {  	s3 =	rddreg [dreg:$0x2];
	[bflag:$0x3] =	sbarrier.arrive $0xFFFF;
	s2 =	simm.s32 @!p0 $0x1C11  }
0x1c0: {  	[timem:s3], [sflag:s2] =	dma.local @!p0 [hbm:s0], s1  }
0x1c1: {  	s0 =	simm.s32 @!p0 $0x11  }
0x1c2: {  	_ =	swait.ge @!p0 [sflag:s0], s1  }
0x1c3: {  	s1 =	ssub.s32 @!p0 $0x0, s1;
	[sflag:s0] =	ssyncset.done @!p0 $0x0  }
0x1c4: {  	[sflag:s0] =	ssyncadd.s32 @!p0 s1  }
0x1c5: {  	[bflag:$0x3] =	sbarrier.arrive $0xFFFF  }
0x1c6: {  	_ =	shalt  }

</sc_bundles>
